<compile_context>
chip_gen: v7x
topology: tpu7x:2x2x1
jax: 0.10.2.dev20260603
libtpu: 0.0.44.dev20260713+nightly
codegen_flags: <defaults>
</compile_context>

<pallas_src>
import jax
import jax.numpy as jnp
from jax import lax
from jax.experimental import pallas as pl
from jax.experimental.pallas import tpu as pltpu
from jax.experimental.pallas import tpu_sc as plsc

NC = 2
NS = 16
NW = NC * NS
D = 64
CHUNK = 128
GRP = 16


def _body(value, depth, pcols, src_tbl, tdp, sp1, sp2, out,
          iv, idp, i0, i1, i2, tdp_v, sp1_v, sp2_v, acc, sem):
    wid = lax.axis_index("s") * NC + lax.axis_index("c")
    n_chunks = iv.shape[0]
    t_per_w = n_chunks * CHUNK
    s_per_b = out.shape[1]
    w_per_b = s_per_b // t_per_w
    b = wid // w_per_b
    s0 = (wid % w_per_b) * t_per_w

    pltpu.sync_copy(value.at[wid], iv)
    pltpu.sync_copy(depth.at[wid], idp)
    pltpu.sync_copy(pcols.at[0, wid], i0)
    pltpu.sync_copy(pcols.at[1, wid], i1)
    pltpu.sync_copy(pcols.at[2, wid], i2)
    pltpu.sync_copy(tdp, tdp_v)
    pltpu.sync_copy(sp1, sp1_v)
    pltpu.sync_copy(sp2, sp2_v)

    cols = jnp.arange(GRP, dtype=jnp.int32)

    @plsc.parallel_loop(0, n_chunks)
    def _chunk(k):
        @plsc.parallel_loop(0, CHUNK // GRP, unroll=2)
        def _grp(g):
            base_t = k * CHUNK + g * GRP
            dvec = idp[k, pl.ds(g * GRP, GRP)]
            p0v = i0[k, pl.ds(g * GRP, GRP)]
            dpv = dvec * 64 + p0v
            p1v = i1[k, pl.ds(g * GRP, GRP)]
            p2v = i2[k, pl.ds(g * GRP, GRP)]
            for l in range(GRP):
                sel = jnp.full((GRP,), l, jnp.int32)
                r_dp = dpv.at[sel].get(mode="promise_in_bounds")
                r_p1 = p1v.at[sel].get(mode="promise_in_bounds")
                r_p2 = p2v.at[sel].get(mode="promise_in_bounds")
                for c in range(D // GRP):
                    colv = cols + (GRP * c)
                    x = (plsc.load_gather(tdp_v, [r_dp, colv])
                         + plsc.load_gather(sp1_v, [r_p1, colv])) \
                        + plsc.load_gather(sp2_v, [r_p2, colv])
                    acc[base_t + l, pl.ds(GRP * c, GRP)] = x

        pltpu.async_copy(src_tbl.at[iv.at[k]],
                         acc.at[pl.ds(k * CHUNK, CHUNK)], sem, add=True)

    dst = out.at[b, pl.ds(s0, t_per_w), pl.ds(0, D)]
    pltpu.make_async_copy(dst, acc, sem).wait()
    pltpu.sync_copy(acc, dst)


@jax.jit
def _run(value, depth, pcols, src_table, tdp, sp1, sp2):
    B, S = value.shape
    n_tok = value.size
    n_chunks = n_tok // (NW * CHUNK)
    shape3 = (NW, n_chunks, CHUNK)
    mesh = plsc.VectorSubcoreMesh(core_axis_name="c", subcore_axis_name="s")
    f = pl.kernel(
        _body,
        out_type=jax.ShapeDtypeStruct((B, S, 128), jnp.float32),
        mesh=mesh,
        scratch_types=[
            pltpu.VMEM((n_chunks, CHUNK), jnp.int32),
            pltpu.VMEM((n_chunks, CHUNK), jnp.int32),
            pltpu.VMEM((n_chunks, CHUNK), jnp.int32),
            pltpu.VMEM((n_chunks, CHUNK), jnp.int32),
            pltpu.VMEM((n_chunks, CHUNK), jnp.int32),
            pltpu.VMEM(tdp.shape, jnp.float32),
            pltpu.VMEM(sp1.shape, jnp.float32),
            pltpu.VMEM(sp2.shape, jnp.float32),
            pltpu.VMEM((n_chunks * CHUNK, D), jnp.float32),
            pltpu.SemaphoreType.DMA,
        ],
        compiler_params=pltpu.CompilerParams(use_tc_tiling_on_sc=False,
                                             needs_layout_passes=False),
    )
    return f(value.reshape(shape3), depth.reshape(shape3),
             pcols.reshape((3,) + shape3), src_table, tdp, sp1, sp2)


def kernel(value, depth, position, src_table, depth_table, spatial_tables):
    tdp = (depth_table[:, None, :] + spatial_tables[0][None, :, :]).reshape(
        -1, D)
    pcols = jnp.moveaxis(position, 2, 0)
    out = _run(value, depth, pcols, src_table, tdp,
               spatial_tables[1], spatial_tables[2])
    return out[:, :, :D]

# --- scband reference (transcript-rebuilt; emitter-appended) ---
"""Pipeline reference for scband-single-convolutional-embedding-d-51651276702420 (READ-ONLY COPY).

The authoritative reference and input builder live on the scoring server;
editing this copy changes nothing except your own understanding.
"""

import jax, jax.numpy as jnp
import numpy as np

NUM_VOCAB = 100000
EMBED_DIM = 64
RESOLUTION = 32
SPATIAL_DIM = 3
TREE_DEPTH = 5  # log2(32)
B, S = 4, 8192


def setup_inputs(seed: int = 0) -> dict:
    key = jax.random.key(seed)
    k0, k1, k2, k3, k4, k5 = jax.random.split(key, 6)
    value = jax.random.randint(k0, (B, S), 0, NUM_VOCAB + 1, dtype=jnp.int32)
    depth = jax.random.randint(k1, (B, S), 0, TREE_DEPTH + 1, dtype=jnp.int32)
    position = jax.random.randint(k2, (B, S, SPATIAL_DIM), 0, 2 * RESOLUTION, dtype=jnp.int32)
    src_table = jax.random.normal(k3, (NUM_VOCAB + 1, EMBED_DIM), dtype=jnp.float32) * 0.02
    depth_table = jax.random.normal(k4, (TREE_DEPTH + 1, EMBED_DIM), dtype=jnp.float32) * 0.02
    spatial_tables = jax.random.normal(k5, (SPATIAL_DIM, 2 * RESOLUTION, EMBED_DIM), dtype=jnp.float32) * 0.02
    # padding_idx=0: row 0 is zeros (as in nn.Embedding with padding_idx)
    src_table = src_table.at[0].set(0.0)
    depth_table = depth_table.at[0].set(0.0)
    spatial_tables = spatial_tables.at[:, 0, :].set(0.0)
    return {
        "value": value,
        "depth": depth,
        "position": position,
        "src_table": src_table,
        "depth_table": depth_table,
        "spatial_tables": spatial_tables,
    }


def reference(value, depth, position, src_table, depth_table, spatial_tables):
    # SingleConvolutionalEmbeddingD.source(value, depth, position)
    x = jnp.take(src_table, value, axis=0)
    x = x + jnp.take(depth_table, depth, axis=0)
    for axis in range(spatial_tables.shape[0]):
        x = x + jnp.take(spatial_tables[axis], position[:, :, axis], axis=0)
    return x

if __name__ == "__main__":
    import jax
    _d = setup_inputs()
    print(jax.jit(kernel)(*tuple(_d.values())))

</pallas_src>

<mosaic_0001>
#map = affine_map<(d0, d1) -> (0, 0, 0)>
#map1 = affine_map<(d0, d1) -> (0, 0, 0, 0)>
#map2 = affine_map<(d0, d1) -> (0, 0)>
module attributes {stable_mosaic.version = 14 : i64} {
  func.func @_body(%arg0: i32, %arg1: i32, %arg2: memref<32x8x128xi32, #tpu.memory_space<hbm>>, %arg3: memref<32x8x128xi32, #tpu.memory_space<hbm>>, %arg4: memref<3x32x8x128xi32, #tpu.memory_space<hbm>>, %arg5: memref<100001x64xf32, #tpu.memory_space<hbm>>, %arg6: memref<384x64xf32, #tpu.memory_space<hbm>>, %arg7: memref<64x64xf32, #tpu.memory_space<hbm>>, %arg8: memref<64x64xf32, #tpu.memory_space<hbm>>, %arg9: memref<4x8192x128xf32, #tpu.memory_space<hbm>>, %arg10: memref<8x128xi32, #tpu.memory_space<vmem>>, %arg11: memref<8x128xi32, #tpu.memory_space<vmem>>, %arg12: memref<8x128xi32, #tpu.memory_space<vmem>>, %arg13: memref<8x128xi32, #tpu.memory_space<vmem>>, %arg14: memref<8x128xi32, #tpu.memory_space<vmem>>, %arg15: memref<384x64xf32, #tpu.memory_space<vmem>>, %arg16: memref<64x64xf32, #tpu.memory_space<vmem>>, %arg17: memref<64x64xf32, #tpu.memory_space<vmem>>, %arg18: memref<1024x64xf32, #tpu.memory_space<vmem>>, %arg19: memref<!tpu.dma_semaphore, #tpu.memory_space<semaphore_mem>>) attributes {dimension_semantics = [#tpu.dimension_semantics<core_parallel>, #tpu.dimension_semantics<subcore_parallel>], iteration_bounds = array<i64: 2, 16>, scalar_prefetch = 0 : i64, scratch_operands = 10 : i64, tpu.core_type = #tpu.core_type<sc_vector_subcore>, window_params = [{transform_indices = #map}, {transform_indices = #map}, {transform_indices = #map1}, {transform_indices = #map2}, {transform_indices = #map2}, {transform_indices = #map2}, {transform_indices = #map2}, {transform_indices = #map}]} {
    %mul3A = arith.constant 2 : i32
    %mul3A_0 = arith.muli %arg1, %mul3A : i32
    %add3A = arith.addi %mul3A_0, %arg0 : i32
    %jit3A = arith.constant 8 : i32
    %div3A = arith.divsi %add3A, %jit3A : i32
    %sign3A = arith.constant 0 : i32
    %sign3A_1 = arith.cmpi sgt, %add3A, %sign3A : i32
    %sign3A_2 = arith.extui %sign3A_1 : i1 to i32
    %sign3A_3 = arith.constant 0 : i32
    %sign3A_4 = arith.cmpi slt, %add3A, %sign3A_3 : i32
    %sign3A_5 = arith.extui %sign3A_4 : i1 to i32
    %sign3A_6 = arith.subi %sign3A_2, %sign3A_5 : i32
    %sign3A_7 = arith.constant 0 : i32
    %sign3A_8 = arith.cmpi sgt, %jit3A, %sign3A_7 : i32
    %sign3A_9 = arith.extui %sign3A_8 : i1 to i32
    %sign3A_10 = arith.constant 0 : i32
    %sign3A_11 = arith.cmpi slt, %jit3A, %sign3A_10 : i32
    %sign3A_12 = arith.extui %sign3A_11 : i1 to i32
    %sign3A_13 = arith.subi %sign3A_9, %sign3A_12 : i32
    %ne3A = arith.cmpi ne, %sign3A_6, %sign3A_13 : i32
    %rem3A = arith.remsi %add3A, %jit3A : i32
    %ne3A_14 = arith.constant 0 : i32
    %ne3A_15 = arith.cmpi ne, %rem3A, %ne3A_14 : i32
    %and3A = arith.andi %ne3A, %ne3A_15 : i1
    %sub3A = arith.constant 1 : i32
    %sub3A_16 = arith.subi %div3A, %sub3A : i32
    %select_n3A = arith.select %and3A, %sub3A_16, %div3A : i32
    %jit3A_17 = arith.constant 8 : i32
    %eq3A = arith.constant 0 : i32
    %eq3A_18 = arith.cmpi eq, %jit3A_17, %eq3A : i32
    %jit3A_19 = arith.constant 1 : i32
    %select_n3A_20 = arith.select %eq3A_18, %jit3A_19, %jit3A_17 : i32
    %rem3A_21 = arith.remsi %add3A, %select_n3A_20 : i32
    %ne3A_22 = arith.constant 0 : i32
    %ne3A_23 = arith.cmpi ne, %rem3A_21, %ne3A_22 : i32
    %lt3A = arith.constant 0 : i32
    %lt3A_24 = arith.cmpi slt, %rem3A_21, %lt3A : i32
    %lt3A_25 = arith.constant 0 : i32
    %lt3A_26 = arith.cmpi slt, %select_n3A_20, %lt3A_25 : i32
    %ne3A_27 = arith.xori %lt3A_24, %lt3A_26 : i1
    %and3A_28 = arith.andi %ne3A_27, %ne3A_23 : i1
    %add3A_29 = arith.addi %rem3A_21, %select_n3A_20 : i32
    %select_n3A_30 = arith.select %and3A_28, %add3A_29, %rem3A_21 : i32
    %mul3A_31 = arith.constant 1024 : i32
    %mul3A_32 = arith.muli %select_n3A_30, %mul3A_31 : i32
    "tpu.region"() ({
      %run_scoped3A_42 = tpu.sem_alloc : memref<!tpu.dma_semaphore, #tpu.memory_space<semaphore_mem>>
      %dma_start3A = arith.constant 0 : i32
      %dma_start3A_43 = arith.constant 0 : i32
      %dma_start3A_44 = tpu.memref_slice %arg2[%add3A, %dma_start3A, %dma_start3A_43] : memref<32x8x128xi32, #tpu.memory_space<hbm>> -> memref<1x8x128xi32, #tpu.memory_space<hbm>>
      %dma_start3A_45 = tpu.memref_squeeze %dma_start3A_44 : memref<1x8x128xi32, #tpu.memory_space<hbm>> -> memref<8x128xi32, #tpu.memory_space<hbm>>
      %dma_start3A_46 = arith.constant 0 : i32
      %dma_start3A_47 = arith.constant 0 : i32
      %dma_start3A_48 = tpu.memref_slice %arg2[%add3A, %dma_start3A_46, %dma_start3A_47] : memref<32x8x128xi32, #tpu.memory_space<hbm>> -> memref<1x8x128xi32, #tpu.memory_space<hbm>>
      %dma_start3A_49 = tpu.memref_squeeze %dma_start3A_48 : memref<1x8x128xi32, #tpu.memory_space<hbm>> -> memref<8x128xi32, #tpu.memory_space<hbm>>
      tpu.enqueue_dma source(%dma_start3A_49 : memref<8x128xi32, #tpu.memory_space<hbm>>) target(%arg10 : memref<8x128xi32, #tpu.memory_space<vmem>>) target_semaphore(%run_scoped3A_42 : memref<!tpu.dma_semaphore, #tpu.memory_space<semaphore_mem>>)
      %dma_wait3A_50 = arith.constant 0 : i32
      %dma_wait3A_51 = arith.constant 0 : i32
      %dma_wait3A_52 = tpu.memref_slice %arg2[%add3A, %dma_wait3A_50, %dma_wait3A_51] : memref<32x8x128xi32, #tpu.memory_space<hbm>> -> memref<1x8x128xi32, #tpu.memory_space<hbm>>
      %dma_wait3A_53 = tpu.memref_squeeze %dma_wait3A_52 : memref<1x8x128xi32, #tpu.memory_space<hbm>> -> memref<8x128xi32, #tpu.memory_space<hbm>>
      %dma_wait3A_54 = arith.constant 0 : i32
      %dma_wait3A_55 = arith.constant 0 : i32
      %dma_wait3A_56 = tpu.memref_slice %arg2[%add3A, %dma_wait3A_54, %dma_wait3A_55] : memref<32x8x128xi32, #tpu.memory_space<hbm>> -> memref<1x8x128xi32, #tpu.memory_space<hbm>>
      %dma_wait3A_57 = tpu.memref_squeeze %dma_wait3A_56 : memref<1x8x128xi32, #tpu.memory_space<hbm>> -> memref<8x128xi32, #tpu.memory_space<hbm>>
      tpu.wait_dma2 semaphore(%run_scoped3A_42 : memref<!tpu.dma_semaphore, #tpu.memory_space<semaphore_mem>>) src(%dma_wait3A_57 : memref<8x128xi32, #tpu.memory_space<hbm>>) dst(%arg10 : memref<8x128xi32, #tpu.memory_space<vmem>>)
      tpu.yield
    }) : () -> ()
    "tpu.region"() ({
      %run_scoped3A_42 = tpu.sem_alloc : memref<!tpu.dma_semaphore, #tpu.memory_space<semaphore_mem>>
      %dma_start3A = arith.constant 0 : i32
      %dma_start3A_43 = arith.constant 0 : i32
      %dma_start3A_44 = tpu.memref_slice %arg3[%add3A, %dma_start3A, %dma_start3A_43] : memref<32x8x128xi32, #tpu.memory_space<hbm>> -> memref<1x8x128xi32, #tpu.memory_space<hbm>>
      %dma_start3A_45 = tpu.memref_squeeze %dma_start3A_44 : memref<1x8x128xi32, #tpu.memory_space<hbm>> -> memref<8x128xi32, #tpu.memory_space<hbm>>
      %dma_start3A_46 = arith.constant 0 : i32
      %dma_start3A_47 = arith.constant 0 : i32
      %dma_start3A_48 = tpu.memref_slice %arg3[%add3A, %dma_start3A_46, %dma_start3A_47] : memref<32x8x128xi32, #tpu.memory_space<hbm>> -> memref<1x8x128xi32, #tpu.memory_space<hbm>>
      %dma_start3A_49 = tpu.memref_squeeze %dma_start3A_48 : memref<1x8x128xi32, #tpu.memory_space<hbm>> -> memref<8x128xi32, #tpu.memory_space<hbm>>
      tpu.enqueue_dma source(%dma_start3A_49 : memref<8x128xi32, #tpu.memory_space<hbm>>) target(%arg11 : memref<8x128xi32, #tpu.memory_space<vmem>>) target_semaphore(%run_scoped3A_42 : memref<!tpu.dma_semaphore, #tpu.memory_space<semaphore_mem>>)
      %dma_wait3A_50 = arith.constant 0 : i32
      %dma_wait3A_51 = arith.constant 0 : i32
      %dma_wait3A_52 = tpu.memref_slice %arg3[%add3A, %dma_wait3A_50, %dma_wait3A_51] : memref<32x8x128xi32, #tpu.memory_space<hbm>> -> memref<1x8x128xi32, #tpu.memory_space<hbm>>
      %dma_wait3A_53 = tpu.memref_squeeze %dma_wait3A_52 : memref<1x8x128xi32, #tpu.memory_space<hbm>> -> memref<8x128xi32, #tpu.memory_space<hbm>>
      %dma_wait3A_54 = arith.constant 0 : i32
      %dma_wait3A_55 = arith.constant 0 : i32
      %dma_wait3A_56 = tpu.memref_slice %arg3[%add3A, %dma_wait3A_54, %dma_wait3A_55] : memref<32x8x128xi32, #tpu.memory_space<hbm>> -> memref<1x8x128xi32, #tpu.memory_space<hbm>>
      %dma_wait3A_57 = tpu.memref_squeeze %dma_wait3A_56 : memref<1x8x128xi32, #tpu.memory_space<hbm>> -> memref<8x128xi32, #tpu.memory_space<hbm>>
      tpu.wait_dma2 semaphore(%run_scoped3A_42 : memref<!tpu.dma_semaphore, #tpu.memory_space<semaphore_mem>>) src(%dma_wait3A_57 : memref<8x128xi32, #tpu.memory_space<hbm>>) dst(%arg11 : memref<8x128xi32, #tpu.memory_space<vmem>>)
      tpu.yield
    }) : () -> ()
    %run_scoped3A = arith.constant 0 : i32
    "tpu.region"() ({
      %run_scoped3A_42 = tpu.sem_alloc : memref<!tpu.dma_semaphore, #tpu.memory_space<semaphore_mem>>
      %dma_start3A = arith.constant 0 : i32
      %dma_start3A_43 = arith.constant 0 : i32
      %dma_start3A_44 = tpu.memref_slice %arg4[%run_scoped3A, %add3A, %dma_start3A, %dma_start3A_43] : memref<3x32x8x128xi32, #tpu.memory_space<hbm>> -> memref<1x1x8x128xi32, #tpu.memory_space<hbm>>
      %dma_start3A_45 = tpu.memref_squeeze %dma_start3A_44 : memref<1x1x8x128xi32, #tpu.memory_space<hbm>> -> memref<8x128xi32, #tpu.memory_space<hbm>>
      %dma_start3A_46 = arith.constant 0 : i32
      %dma_start3A_47 = arith.constant 0 : i32
      %dma_start3A_48 = tpu.memref_slice %arg4[%run_scoped3A, %add3A, %dma_start3A_46, %dma_start3A_47] : memref<3x32x8x128xi32, #tpu.memory_space<hbm>> -> memref<1x1x8x128xi32, #tpu.memory_space<hbm>>
      %dma_start3A_49 = tpu.memref_squeeze %dma_start3A_48 : memref<1x1x8x128xi32, #tpu.memory_space<hbm>> -> memref<8x128xi32, #tpu.memory_space<hbm>>
      tpu.enqueue_dma source(%dma_start3A_49 : memref<8x128xi32, #tpu.memory_space<hbm>>) target(%arg12 : memref<8x128xi32, #tpu.memory_space<vmem>>) target_semaphore(%run_scoped3A_42 : memref<!tpu.dma_semaphore, #tpu.memory_space<semaphore_mem>>)
      %dma_wait3A_50 = arith.constant 0 : i32
      %dma_wait3A_51 = arith.constant 0 : i32
      %dma_wait3A_52 = tpu.memref_slice %arg4[%run_scoped3A, %add3A, %dma_wait3A_50, %dma_wait3A_51] : memref<3x32x8x128xi32, #tpu.memory_space<hbm>> -> memref<1x1x8x128xi32, #tpu.memory_space<hbm>>
      %dma_wait3A_53 = tpu.memref_squeeze %dma_wait3A_52 : memref<1x1x8x128xi32, #tpu.memory_space<hbm>> -> memref<8x128xi32, #tpu.memory_space<hbm>>
      %dma_wait3A_54 = arith.constant 0 : i32
      %dma_wait3A_55 = arith.constant 0 : i32
      %dma_wait3A_56 = tpu.memref_slice %arg4[%run_scoped3A, %add3A, %dma_wait3A_54, %dma_wait3A_55] : memref<3x32x8x128xi32, #tpu.memory_space<hbm>> -> memref<1x1x8x128xi32, #tpu.memory_space<hbm>>
      %dma_wait3A_57 = tpu.memref_squeeze %dma_wait3A_56 : memref<1x1x8x128xi32, #tpu.memory_space<hbm>> -> memref<8x128xi32, #tpu.memory_space<hbm>>
      tpu.wait_dma2 semaphore(%run_scoped3A_42 : memref<!tpu.dma_semaphore, #tpu.memory_space<semaphore_mem>>) src(%dma_wait3A_57 : memref<8x128xi32, #tpu.memory_space<hbm>>) dst(%arg12 : memref<8x128xi32, #tpu.memory_space<vmem>>)
      tpu.yield
    }) : () -> ()
    %run_scoped3A_33 = arith.constant 1 : i32
    "tpu.region"() ({
      %run_scoped3A_42 = tpu.sem_alloc : memref<!tpu.dma_semaphore, #tpu.memory_space<semaphore_mem>>
      %dma_start3A = arith.constant 0 : i32
      %dma_start3A_43 = arith.constant 0 : i32
      %dma_start3A_44 = tpu.memref_slice %arg4[%run_scoped3A_33, %add3A, %dma_start3A, %dma_start3A_43] : memref<3x32x8x128xi32, #tpu.memory_space<hbm>> -> memref<1x1x8x128xi32, #tpu.memory_space<hbm>>
      %dma_start3A_45 = tpu.memref_squeeze %dma_start3A_44 : memref<1x1x8x128xi32, #tpu.memory_space<hbm>> -> memref<8x128xi32, #tpu.memory_space<hbm>>
      %dma_start3A_46 = arith.constant 0 : i32
      %dma_start3A_47 = arith.constant 0 : i32
      %dma_start3A_48 = tpu.memref_slice %arg4[%run_scoped3A_33, %add3A, %dma_start3A_46, %dma_start3A_47] : memref<3x32x8x128xi32, #tpu.memory_space<hbm>> -> memref<1x1x8x128xi32, #tpu.memory_space<hbm>>
      %dma_start3A_49 = tpu.memref_squeeze %dma_start3A_48 : memref<1x1x8x128xi32, #tpu.memory_space<hbm>> -> memref<8x128xi32, #tpu.memory_space<hbm>>
      tpu.enqueue_dma source(%dma_start3A_49 : memref<8x128xi32, #tpu.memory_space<hbm>>) target(%arg13 : memref<8x128xi32, #tpu.memory_space<vmem>>) target_semaphore(%run_scoped3A_42 : memref<!tpu.dma_semaphore, #tpu.memory_space<semaphore_mem>>)
      %dma_wait3A_50 = arith.constant 0 : i32
      %dma_wait3A_51 = arith.constant 0 : i32
      %dma_wait3A_52 = tpu.memref_slice %arg4[%run_scoped3A_33, %add3A, %dma_wait3A_50, %dma_wait3A_51] : memref<3x32x8x128xi32, #tpu.memory_space<hbm>> -> memref<1x1x8x128xi32, #tpu.memory_space<hbm>>
      %dma_wait3A_53 = tpu.memref_squeeze %dma_wait3A_52 : memref<1x1x8x128xi32, #tpu.memory_space<hbm>> -> memref<8x128xi32, #tpu.memory_space<hbm>>
      %dma_wait3A_54 = arith.constant 0 : i32
      %dma_wait3A_55 = arith.constant 0 : i32
      %dma_wait3A_56 = tpu.memref_slice %arg4[%run_scoped3A_33, %add3A, %dma_wait3A_54, %dma_wait3A_55] : memref<3x32x8x128xi32, #tpu.memory_space<hbm>> -> memref<1x1x8x128xi32, #tpu.memory_space<hbm>>
      %dma_wait3A_57 = tpu.memref_squeeze %dma_wait3A_56 : memref<1x1x8x128xi32, #tpu.memory_space<hbm>> -> memref<8x128xi32, #tpu.memory_space<hbm>>
      tpu.wait_dma2 semaphore(%run_scoped3A_42 : memref<!tpu.dma_semaphore, #tpu.memory_space<semaphore_mem>>) src(%dma_wait3A_57 : memref<8x128xi32, #tpu.memory_space<hbm>>) dst(%arg13 : memref<8x128xi32, #tpu.memory_space<vmem>>)
      tpu.yield
    }) : () -> ()
    %run_scoped3A_34 = arith.constant 2 : i32
    "tpu.region"() ({
      %run_scoped3A_42 = tpu.sem_alloc : memref<!tpu.dma_semaphore, #tpu.memory_space<semaphore_mem>>
      %dma_start3A = arith.constant 0 : i32
      %dma_start3A_43 = arith.constant 0 : i32
      %dma_start3A_44 = tpu.memref_slice %arg4[%run_scoped3A_34, %add3A, %dma_start3A, %dma_start3A_43] : memref<3x32x8x128xi32, #tpu.memory_space<hbm>> -> memref<1x1x8x128xi32, #tpu.memory_space<hbm>>
      %dma_start3A_45 = tpu.memref_squeeze %dma_start3A_44 : memref<1x1x8x128xi32, #tpu.memory_space<hbm>> -> memref<8x128xi32, #tpu.memory_space<hbm>>
      %dma_start3A_46 = arith.constant 0 : i32
      %dma_start3A_47 = arith.constant 0 : i32
      %dma_start3A_48 = tpu.memref_slice %arg4[%run_scoped3A_34, %add3A, %dma_start3A_46, %dma_start3A_47] : memref<3x32x8x128xi32, #tpu.memory_space<hbm>> -> memref<1x1x8x128xi32, #tpu.memory_space<hbm>>
      %dma_start3A_49 = tpu.memref_squeeze %dma_start3A_48 : memref<1x1x8x128xi32, #tpu.memory_space<hbm>> -> memref<8x128xi32, #tpu.memory_space<hbm>>
      tpu.enqueue_dma source(%dma_start3A_49 : memref<8x128xi32, #tpu.memory_space<hbm>>) target(%arg14 : memref<8x128xi32, #tpu.memory_space<vmem>>) target_semaphore(%run_scoped3A_42 : memref<!tpu.dma_semaphore, #tpu.memory_space<semaphore_mem>>)
      %dma_wait3A_50 = arith.constant 0 : i32
      %dma_wait3A_51 = arith.constant 0 : i32
      %dma_wait3A_52 = tpu.memref_slice %arg4[%run_scoped3A_34, %add3A, %dma_wait3A_50, %dma_wait3A_51] : memref<3x32x8x128xi32, #tpu.memory_space<hbm>> -> memref<1x1x8x128xi32, #tpu.memory_space<hbm>>
      %dma_wait3A_53 = tpu.memref_squeeze %dma_wait3A_52 : memref<1x1x8x128xi32, #tpu.memory_space<hbm>> -> memref<8x128xi32, #tpu.memory_space<hbm>>
      %dma_wait3A_54 = arith.constant 0 : i32
      %dma_wait3A_55 = arith.constant 0 : i32
      %dma_wait3A_56 = tpu.memref_slice %arg4[%run_scoped3A_34, %add3A, %dma_wait3A_54, %dma_wait3A_55] : memref<3x32x8x128xi32, #tpu.memory_space<hbm>> -> memref<1x1x8x128xi32, #tpu.memory_space<hbm>>
      %dma_wait3A_57 = tpu.memref_squeeze %dma_wait3A_56 : memref<1x1x8x128xi32, #tpu.memory_space<hbm>> -> memref<8x128xi32, #tpu.memory_space<hbm>>
      tpu.wait_dma2 semaphore(%run_scoped3A_42 : memref<!tpu.dma_semaphore, #tpu.memory_space<semaphore_mem>>) src(%dma_wait3A_57 : memref<8x128xi32, #tpu.memory_space<hbm>>) dst(%arg14 : memref<8x128xi32, #tpu.memory_space<vmem>>)
      tpu.yield
    }) : () -> ()
    "tpu.region"() ({
      %run_scoped3A_42 = tpu.sem_alloc : memref<!tpu.dma_semaphore, #tpu.memory_space<semaphore_mem>>
      tpu.enqueue_dma source(%arg6 : memref<384x64xf32, #tpu.memory_space<hbm>>) target(%arg15 : memref<384x64xf32, #tpu.memory_space<vmem>>) target_semaphore(%run_scoped3A_42 : memref<!tpu.dma_semaphore, #tpu.memory_space<semaphore_mem>>)
      tpu.wait_dma2 semaphore(%run_scoped3A_42 : memref<!tpu.dma_semaphore, #tpu.memory_space<semaphore_mem>>) src(%arg6 : memref<384x64xf32, #tpu.memory_space<hbm>>) dst(%arg15 : memref<384x64xf32, #tpu.memory_space<vmem>>)
      tpu.yield
    }) : () -> ()
    "tpu.region"() ({
      %run_scoped3A_42 = tpu.sem_alloc : memref<!tpu.dma_semaphore, #tpu.memory_space<semaphore_mem>>
      tpu.enqueue_dma source(%arg7 : memref<64x64xf32, #tpu.memory_space<hbm>>) target(%arg16 : memref<64x64xf32, #tpu.memory_space<vmem>>) target_semaphore(%run_scoped3A_42 : memref<!tpu.dma_semaphore, #tpu.memory_space<semaphore_mem>>)
      tpu.wait_dma2 semaphore(%run_scoped3A_42 : memref<!tpu.dma_semaphore, #tpu.memory_space<semaphore_mem>>) src(%arg7 : memref<64x64xf32, #tpu.memory_space<hbm>>) dst(%arg16 : memref<64x64xf32, #tpu.memory_space<vmem>>)
      tpu.yield
    }) : () -> ()
    "tpu.region"() ({
      %run_scoped3A_42 = tpu.sem_alloc : memref<!tpu.dma_semaphore, #tpu.memory_space<semaphore_mem>>
      tpu.enqueue_dma source(%arg8 : memref<64x64xf32, #tpu.memory_space<hbm>>) target(%arg17 : memref<64x64xf32, #tpu.memory_space<vmem>>) target_semaphore(%run_scoped3A_42 : memref<!tpu.dma_semaphore, #tpu.memory_space<semaphore_mem>>)
      tpu.wait_dma2 semaphore(%run_scoped3A_42 : memref<!tpu.dma_semaphore, #tpu.memory_space<semaphore_mem>>) src(%arg8 : memref<64x64xf32, #tpu.memory_space<hbm>>) dst(%arg17 : memref<64x64xf32, #tpu.memory_space<vmem>>)
      tpu.yield
    }) : () -> ()
    %iota3A = tpu.iota {dimensions = array<i32: 0>} : vector<16xi32>
    %parallel_loop3A = arith.constant 0 : i32
    %parallel_loop3A_35 = arith.constant 8 : i32
    %parallel_loop3A_36 = arith.constant 1 : i32
    scf.for %parallel_loop3A_42 = %parallel_loop3A to %parallel_loop3A_35 step %parallel_loop3A_36  : i32 {
      %parallel_loop3A_43 = arith.constant 0 : i32
      %parallel_loop3A_44 = arith.constant 8 : i32
      %parallel_loop3A_45 = arith.constant 1 : i32
      scf.for %parallel_loop3A_56 = %parallel_loop3A_43 to %parallel_loop3A_44 step %parallel_loop3A_45  : i32 {
        %parallel_loop3A_57 = arith.constant 128 : i32
        %parallel_loop3A_58 = arith.muli %parallel_loop3A_42, %parallel_loop3A_57 : i32
        %parallel_loop3A_59 = arith.constant 16 : i32
        %parallel_loop3A_60 = arith.muli %parallel_loop3A_56, %parallel_loop3A_59 : i32
        %parallel_loop3A_61 = arith.addi %parallel_loop3A_58, %parallel_loop3A_60 : i32
        %parallel_loop3A_62 = arith.constant 16 : i32
        %parallel_loop3A_63 = arith.muli %parallel_loop3A_56, %parallel_loop3A_62 : i32
        %parallel_loop3A_64 = arith.index_cast %parallel_loop3A_42 : i32 to index
        %parallel_loop3A_65 = arith.index_cast %parallel_loop3A_63 : i32 to index
        %parallel_loop3A_66 = tpu.vector_load %arg11[%parallel_loop3A_64, %parallel_loop3A_65] {strides = array<i32>} : memref<8x128xi32, #tpu.memory_space<vmem>>, vector<16xi32>,
        %parallel_loop3A_67 = arith.constant 16 : i32
        %parallel_loop3A_68 = arith.muli %parallel_loop3A_56, %parallel_loop3A_67 : i32
        %parallel_loop3A_69 = arith.index_cast %parallel_loop3A_42 : i32 to index
        %parallel_loop3A_70 = arith.index_cast %parallel_loop3A_68 : i32 to index
        %parallel_loop3A_71 = tpu.vector_load %arg12[%parallel_loop3A_69, %parallel_loop3A_70] {strides = array<i32>} : memref<8x128xi32, #tpu.memory_space<vmem>>, vector<16xi32>,
        %parallel_loop3A_72 = arith.constant 64 : i32
        %parallel_loop3A_73 = vector.broadcast %parallel_loop3A_72 : i32 to vector<16xi32>
        %parallel_loop3A_74 = arith.muli %parallel_loop3A_66, %parallel_loop3A_73 : vector<16xi32>
        %parallel_loop3A_75 = arith.addi %parallel_loop3A_74, %parallel_loop3A_71 : vector<16xi32>
        %parallel_loop3A_76 = arith.constant 16 : i32
        %parallel_loop3A_77 = arith.muli %parallel_loop3A_56, %parallel_loop3A_76 : i32
        %parallel_loop3A_78 = arith.index_cast %parallel_loop3A_42 : i32 to index
        %parallel_loop3A_79 = arith.index_cast %parallel_loop3A_77 : i32 to index
        %parallel_loop3A_80 = tpu.vector_load %arg13[%parallel_loop3A_78, %parallel_loop3A_79] {strides = array<i32>} : memref<8x128xi32, #tpu.memory_space<vmem>>, vector<16xi32>,
        %parallel_loop3A_81 = arith.constant 16 : i32
        %parallel_loop3A_82 = arith.muli %parallel_loop3A_56, %parallel_loop3A_81 : i32
        %parallel_loop3A_83 = arith.index_cast %parallel_loop3A_42 : i32 to index
        %parallel_loop3A_84 = arith.index_cast %parallel_loop3A_82 : i32 to index
        %parallel_loop3A_85 = tpu.vector_load %arg14[%parallel_loop3A_83, %parallel_loop3A_84] {strides = array<i32>} : memref<8x128xi32, #tpu.memory_space<vmem>>, vector<16xi32>,
        %parallel_loop3A_86 = arith.constant 0 : i32
        %parallel_loop3A_87 = vector.broadcast %parallel_loop3A_86 : i32 to vector<16xi32>
        %parallel_loop3A_88 = arith.constant 0 : i32
        %parallel_loop3A_89 = vector.broadcast %parallel_loop3A_88 : i32 to vector<16xi32>
        %parallel_loop3A_90 = arith.cmpi slt, %parallel_loop3A_87, %parallel_loop3A_89 : vector<16xi32>
        %parallel_loop3A_91 = arith.constant 16 : i32
        %parallel_loop3A_92 = vector.broadcast %parallel_loop3A_91 : i32 to vector<16xi32>
        %parallel_loop3A_93 = arith.addi %parallel_loop3A_87, %parallel_loop3A_92 : vector<16xi32>
        %parallel_loop3A_94 = arith.select %parallel_loop3A_90, %parallel_loop3A_93, %parallel_loop3A_87 : vector<16xi1>, vector<16xi32>
        %parallel_loop3A_95 = vector.shape_cast %parallel_loop3A_94 : vector<16xi32> to vector<16x1xi32>
        %parallel_loop3A_96 = vector.shape_cast %parallel_loop3A_95 : vector<16x1xi32> to vector<16xi32>
        %parallel_loop3A_97 = tpu.dynamic_gather %parallel_loop3A_75[%parallel_loop3A_96] in [0] : vector<16xi32>, vector<16xi32> -> vector<16xi32>
        %parallel_loop3A_98 = arith.constant 0 : i32
        %parallel_loop3A_99 = vector.broadcast %parallel_loop3A_98 : i32 to vector<16xi32>
        %parallel_loop3A_100 = arith.cmpi slt, %parallel_loop3A_87, %parallel_loop3A_99 : vector<16xi32>
        %parallel_loop3A_101 = arith.constant 16 : i32
        %parallel_loop3A_102 = vector.broadcast %parallel_loop3A_101 : i32 to vector<16xi32>
        %parallel_loop3A_103 = arith.addi %parallel_loop3A_87, %parallel_loop3A_102 : vector<16xi32>
        %parallel_loop3A_104 = arith.select %parallel_loop3A_100, %parallel_loop3A_103, %parallel_loop3A_87 : vector<16xi1>, vector<16xi32>
        %parallel_loop3A_105 = vector.shape_cast %parallel_loop3A_104 : vector<16xi32> to vector<16x1xi32>
        %parallel_loop3A_106 = vector.shape_cast %parallel_loop3A_105 : vector<16x1xi32> to vector<16xi32>
        %parallel_loop3A_107 = tpu.dynamic_gather %parallel_loop3A_80[%parallel_loop3A_106] in [0] : vector<16xi32>, vector<16xi32> -> vector<16xi32>
        %parallel_loop3A_108 = arith.constant 0 : i32
        %parallel_loop3A_109 = vector.broadcast %parallel_loop3A_108 : i32 to vector<16xi32>
        %parallel_loop3A_110 = arith.cmpi slt, %parallel_loop3A_87, %parallel_loop3A_109 : vector<16xi32>
        %parallel_loop3A_111 = arith.constant 16 : i32
        %parallel_loop3A_112 = vector.broadcast %parallel_loop3A_111 : i32 to vector<16xi32>
        %parallel_loop3A_113 = arith.addi %parallel_loop3A_87, %parallel_loop3A_112 : vector<16xi32>
        %parallel_loop3A_114 = arith.select %parallel_loop3A_110, %parallel_loop3A_113, %parallel_loop3A_87 : vector<16xi1>, vector<16xi32>
        %parallel_loop3A_115 = vector.shape_cast %parallel_loop3A_114 : vector<16xi32> to vector<16x1xi32>
        %parallel_loop3A_116 = vector.shape_cast %parallel_loop3A_115 : vector<16x1xi32> to vector<16xi32>
        %parallel_loop3A_117 = tpu.dynamic_gather %parallel_loop3A_85[%parallel_loop3A_116] in [0] : vector<16xi32>, vector<16xi32> -> vector<16xi32>
        %parallel_loop3A_118 = arith.constant 0 : i32
        %parallel_loop3A_119 = vector.broadcast %parallel_loop3A_118 : i32 to vector<16xi32>
        %parallel_loop3A_120 = arith.addi %iota3A, %parallel_loop3A_119 : vector<16xi32>
        %parallel_loop3A_121 = tpu.vector_load_idx %arg15[%parallel_loop3A_97, %parallel_loop3A_120] : memref<384x64xf32, #tpu.memory_space<vmem>>[vector<16xi32>, vector<16xi32>], vector<16xf32>,
        %parallel_loop3A_122 = tpu.vector_load_idx %arg16[%parallel_loop3A_107, %parallel_loop3A_120] : memref<64x64xf32, #tpu.memory_space<vmem>>[vector<16xi32>, vector<16xi32>], vector<16xf32>,
        %parallel_loop3A_123 = arith.addf %parallel_loop3A_121, %parallel_loop3A_122 : vector<16xf32>
        %parallel_loop3A_124 = tpu.vector_load_idx %arg17[%parallel_loop3A_117, %parallel_loop3A_120] : memref<64x64xf32, #tpu.memory_space<vmem>>[vector<16xi32>, vector<16xi32>], vector<16xf32>,
        %parallel_loop3A_125 = arith.addf %parallel_loop3A_123, %parallel_loop3A_124 : vector<16xf32>
        %parallel_loop3A_126 = arith.constant 0 : i32
        %parallel_loop3A_127 = arith.addi %parallel_loop3A_61, %parallel_loop3A_126 : i32
        %parallel_loop3A_128 = arith.index_cast %parallel_loop3A_127 : i32 to index
        %parallel_loop3A_129 = arith.constant 0 : index
        %parallel_loop3A_130 = tpu.vector_load %arg18[%parallel_loop3A_128, %parallel_loop3A_129] {strides = array<i32>} : memref<1024x64xf32, #tpu.memory_space<vmem>>, vector<16xf32>,
        tpu.vector_store %arg18[%parallel_loop3A_128, %parallel_loop3A_129], %parallel_loop3A_125 {strides = array<i32>} : memref<1024x64xf32, #tpu.memory_space<vmem>>, vector<16xf32>,
        %parallel_loop3A_131 = arith.constant 16 : i32
        %parallel_loop3A_132 = vector.broadcast %parallel_loop3A_131 : i32 to vector<16xi32>
        %parallel_loop3A_133 = arith.addi %iota3A, %parallel_loop3A_132 : vector<16xi32>
        %parallel_loop3A_134 = tpu.vector_load_idx %arg15[%parallel_loop3A_97, %parallel_loop3A_133] : memref<384x64xf32, #tpu.memory_space<vmem>>[vector<16xi32>, vector<16xi32>], vector<16xf32>,
        %parallel_loop3A_135 = tpu.vector_load_idx %arg16[%parallel_loop3A_107, %parallel_loop3A_133] : memref<64x64xf32, #tpu.memory_space<vmem>>[vector<16xi32>, vector<16xi32>], vector<16xf32>,
        %parallel_loop3A_136 = arith.addf %parallel_loop3A_134, %parallel_loop3A_135 : vector<16xf32>
        %parallel_loop3A_137 = tpu.vector_load_idx %arg17[%parallel_loop3A_117, %parallel_loop3A_133] : memref<64x64xf32, #tpu.memory_space<vmem>>[vector<16xi32>, vector<16xi32>], vector<16xf32>,
        %parallel_loop3A_138 = arith.addf %parallel_loop3A_136, %parallel_loop3A_137 : vector<16xf32>
        %parallel_loop3A_139 = arith.constant 0 : i32
        %parallel_loop3A_140 = arith.addi %parallel_loop3A_61, %parallel_loop3A_139 : i32
        %parallel_loop3A_141 = arith.index_cast %parallel_loop3A_140 : i32 to index
        %parallel_loop3A_142 = arith.constant 16 : index
        %parallel_loop3A_143 = tpu.vector_load %arg18[%parallel_loop3A_141, %parallel_loop3A_142] {strides = array<i32>} : memref<1024x64xf32, #tpu.memory_space<vmem>>, vector<16xf32>,
        tpu.vector_store %arg18[%parallel_loop3A_141, %parallel_loop3A_142], %parallel_loop3A_138 {strides = array<i32>} : memref<1024x64xf32, #tpu.memory_space<vmem>>, vector<16xf32>,
        %parallel_loop3A_144 = arith.constant 32 : i32
        %parallel_loop3A_145 = vector.broadcast %parallel_loop3A_144 : i32 to vector<16xi32>
        %parallel_loop3A_146 = arith.addi %iota3A, %parallel_loop3A_145 : vector<16xi32>
        %parallel_loop3A_147 = tpu.vector_load_idx %arg15[%parallel_loop3A_97, %parallel_loop3A_146] : memref<384x64xf32, #tpu.memory_space<vmem>>[vector<16xi32>, vector<16xi32>], vector<16xf32>,
        %parallel_loop3A_148 = tpu.vector_load_idx %arg16[%parallel_loop3A_107, %parallel_loop3A_146] : memref<64x64xf32, #tpu.memory_space<vmem>>[vector<16xi32>, vector<16xi32>], vector<16xf32>,
        %parallel_loop3A_149 = arith.addf %parallel_loop3A_147, %parallel_loop3A_148 : vector<16xf32>
        %parallel_loop3A_150 = tpu.vector_load_idx %arg17[%parallel_loop3A_117, %parallel_loop3A_146] : memref<64x64xf32, #tpu.memory_space<vmem>>[vector<16xi32>, vector<16xi32>], vector<16xf32>,
        %parallel_loop3A_151 = arith.addf %parallel_loop3A_149, %parallel_loop3A_150 : vector<16xf32>
        %parallel_loop3A_152 = arith.constant 0 : i32
        %parallel_loop3A_153 = arith.addi %parallel_loop3A_61, %parallel_loop3A_152 : i32
        %parallel_loop3A_154 = arith.index_cast %parallel_loop3A_153 : i32 to index
        %parallel_loop3A_155 = arith.constant 32 : index
        %parallel_loop3A_156 = tpu.vector_load %arg18[%parallel_loop3A_154, %parallel_loop3A_155] {strides = array<i32>} : memref<1024x64xf32, #tpu.memory_space<vmem>>, vector<16xf32>,
        tpu.vector_store %arg18[%parallel_loop3A_154, %parallel_loop3A_155], %parallel_loop3A_151 {strides = array<i32>} : memref<1024x64xf32, #tpu.memory_space<vmem>>, vector<16xf32>,
        %parallel_loop3A_157 = arith.constant 48 : i32
        %parallel_loop3A_158 = vector.broadcast %parallel_loop3A_157 : i32 to vector<16xi32>
        %parallel_loop3A_159 = arith.addi %iota3A, %parallel_loop3A_158 : vector<16xi32>
        %parallel_loop3A_160 = tpu.vector_load_idx %arg15[%parallel_loop3A_97, %parallel_loop3A_159] : memref<384x64xf32, #tpu.memory_space<vmem>>[vector<16xi32>, vector<16xi32>], vector<16xf32>,
        %parallel_loop3A_161 = tpu.vector_load_idx %arg16[%parallel_loop3A_107, %parallel_loop3A_159] : memref<64x64xf32, #tpu.memory_space<vmem>>[vector<16xi32>, vector<16xi32>], vector<16xf32>,
        %parallel_loop3A_162 = arith.addf %parallel_loop3A_160, %parallel_loop3A_161 : vector<16xf32>
        %parallel_loop3A_163 = tpu.vector_load_idx %arg17[%parallel_loop3A_117, %parallel_loop3A_159] : memref<64x64xf32, #tpu.memory_space<vmem>>[vector<16xi32>, vector<16xi32>], vector<16xf32>,
        %parallel_loop3A_164 = arith.addf %parallel_loop3A_162, %parallel_loop3A_163 : vector<16xf32>
        %parallel_loop3A_165 = arith.constant 0 : i32
        %parallel_loop3A_166 = arith.addi %parallel_loop3A_61, %parallel_loop3A_165 : i32
        %parallel_loop3A_167 = arith.index_cast %parallel_loop3A_166 : i32 to index
        %parallel_loop3A_168 = arith.constant 48 : index
        %parallel_loop3A_169 = tpu.vector_load %arg18[%parallel_loop3A_167, %parallel_loop3A_168] {strides = array<i32>} : memref<1024x64xf32, #tpu.memory_space<vmem>>, vector<16xf32>,
        tpu.vector_store %arg18[%parallel_loop3A_167, %parallel_loop3A_168], %parallel_loop3A_164 {strides = array<i32>} : memref<1024x64xf32, #tpu.memory_space<vmem>>, vector<16xf32>,
        %parallel_loop3A_170 = arith.constant 1 : i32
        %parallel_loop3A_171 = vector.broadcast %parallel_loop3A_170 : i32 to vector<16xi32>
        %parallel_loop3A_172 = arith.constant 0 : i32
        %parallel_loop3A_173 = vector.broadcast %parallel_loop3A_172 : i32 to vector<16xi32>
        %parallel_loop3A_174 = arith.cmpi slt, %parallel_loop3A_171, %parallel_loop3A_173 : vector<16xi32>
        %parallel_loop3A_175 = arith.constant 16 : i32
        %parallel_loop3A_176 = vector.broadcast %parallel_loop3A_175 : i32 to vector<16xi32>
        %parallel_loop3A_177 = arith.addi %parallel_loop3A_171, %parallel_loop3A_176 : vector<16xi32>
        %parallel_loop3A_178 = arith.select %parallel_loop3A_174, %parallel_loop3A_177, %parallel_loop3A_171 : vector<16xi1>, vector<16xi32>
        %parallel_loop3A_179 = vector.shape_cast %parallel_loop3A_178 : vector<16xi32> to vector<16x1xi32>
        %parallel_loop3A_180 = vector.shape_cast %parallel_loop3A_179 : vector<16x1xi32> to vector<16xi32>
        %parallel_loop3A_181 = tpu.dynamic_gather %parallel_loop3A_75[%parallel_loop3A_180] in [0] : vector<16xi32>, vector<16xi32> -> vector<16xi32>
        %parallel_loop3A_182 = arith.constant 0 : i32
        %parallel_loop3A_183 = vector.broadcast %parallel_loop3A_182 : i32 to vector<16xi32>
        %parallel_loop3A_184 = arith.cmpi slt, %parallel_loop3A_171, %parallel_loop3A_183 : vector<16xi32>
        %parallel_loop3A_185 = arith.constant 16 : i32
        %parallel_loop3A_186 = vector.broadcast %parallel_loop3A_185 : i32 to vector<16xi32>
        %parallel_loop3A_187 = arith.addi %parallel_loop3A_171, %parallel_loop3A_186 : vector<16xi32>
        %parallel_loop3A_188 = arith.select %parallel_loop3A_184, %parallel_loop3A_187, %parallel_loop3A_171 : vector<16xi1>, vector<16xi32>
        %parallel_loop3A_189 = vector.shape_cast %parallel_loop3A_188 : vector<16xi32> to vector<16x1xi32>
        %parallel_loop3A_190 = vector.shape_cast %parallel_loop3A_189 : vector<16x1xi32> to vector<16xi32>
        %parallel_loop3A_191 = tpu.dynamic_gather %parallel_loop3A_80[%parallel_loop3A_190] in [0] : vector<16xi32>, vector<16xi32> -> vector<16xi32>
        %parallel_loop3A_192 = arith.constant 0 : i32
        %parallel_loop3A_193 = vector.broadcast %parallel_loop3A_192 : i32 to vector<16xi32>
        %parallel_loop3A_194 = arith.cmpi slt, %parallel_loop3A_171, %parallel_loop3A_193 : vector<16xi32>
        %parallel_loop3A_195 = arith.constant 16 : i32
        %parallel_loop3A_196 = vector.broadcast %parallel_loop3A_195 : i32 to vector<16xi32>
        %parallel_loop3A_197 = arith.addi %parallel_loop3A_171, %parallel_loop3A_196 : vector<16xi32>
        %parallel_loop3A_198 = arith.select %parallel_loop3A_194, %parallel_loop3A_197, %parallel_loop3A_171 : vector<16xi1>, vector<16xi32>
        %parallel_loop3A_199 = vector.shape_cast %parallel_loop3A_198 : vector<16xi32> to vector<16x1xi32>
        %parallel_loop3A_200 = vector.shape_cast %parallel_loop3A_199 : vector<16x1xi32> to vector<16xi32>
        %parallel_loop3A_201 = tpu.dynamic_gather %parallel_loop3A_85[%parallel_loop3A_200] in [0] : vector<16xi32>, vector<16xi32> -> vector<16xi32>
        %parallel_loop3A_202 = arith.constant 0 : i32
        %parallel_loop3A_203 = vector.broadcast %parallel_loop3A_202 : i32 to vector<16xi32>
        %parallel_loop3A_204 = arith.addi %iota3A, %parallel_loop3A_203 : vector<16xi32>
        %parallel_loop3A_205 = tpu.vector_load_idx %arg15[%parallel_loop3A_181, %parallel_loop3A_204] : memref<384x64xf32, #tpu.memory_space<vmem>>[vector<16xi32>, vector<16xi32>], vector<16xf32>,
        %parallel_loop3A_206 = tpu.vector_load_idx %arg16[%parallel_loop3A_191, %parallel_loop3A_204] : memref<64x64xf32, #tpu.memory_space<vmem>>[vector<16xi32>, vector<16xi32>], vector<16xf32>,
        %parallel_loop3A_207 = arith.addf %parallel_loop3A_205, %parallel_loop3A_206 : vector<16xf32>
        %parallel_loop3A_208 = tpu.vector_load_idx %arg17[%parallel_loop3A_201, %parallel_loop3A_204] : memref<64x64xf32, #tpu.memory_space<vmem>>[vector<16xi32>, vector<16xi32>], vector<16xf32>,
        %parallel_loop3A_209 = arith.addf %parallel_loop3A_207, %parallel_loop3A_208 : vector<16xf32>
        %parallel_loop3A_210 = arith.constant 1 : i32
        %parallel_loop3A_211 = arith.addi %parallel_loop3A_61, %parallel_loop3A_210 : i32
        %parallel_loop3A_212 = arith.index_cast %parallel_loop3A_211 : i32 to index
        %parallel_loop3A_213 = arith.constant 0 : index
        %parallel_loop3A_214 = tpu.vector_load %arg18[%parallel_loop3A_212, %parallel_loop3A_213] {strides = array<i32>} : memref<1024x64xf32, #tpu.memory_space<vmem>>, vector<16xf32>,
        tpu.vector_store %arg18[%parallel_loop3A_212, %parallel_loop3A_213], %parallel_loop3A_209 {strides = array<i32>} : memref<1024x64xf32, #tpu.memory_space<vmem>>, vector<16xf32>,
        %parallel_loop3A_215 = arith.constant 16 : i32
        %parallel_loop3A_216 = vector.broadcast %parallel_loop3A_215 : i32 to vector<16xi32>
        %parallel_loop3A_217 = arith.addi %iota3A, %parallel_loop3A_216 : vector<16xi32>
        %parallel_loop3A_218 = tpu.vector_load_idx %arg15[%parallel_loop3A_181, %parallel_loop3A_217] : memref<384x64xf32, #tpu.memory_space<vmem>>[vector<16xi32>, vector<16xi32>], vector<16xf32>,
        %parallel_loop3A_219 = tpu.vector_load_idx %arg16[%parallel_loop3A_191, %parallel_loop3A_217] : memref<64x64xf32, #tpu.memory_space<vmem>>[vector<16xi32>, vector<16xi32>], vector<16xf32>,
        %parallel_loop3A_220 = arith.addf %parallel_loop3A_218, %parallel_loop3A_219 : vector<16xf32>
        %parallel_loop3A_221 = tpu.vector_load_idx %arg17[%parallel_loop3A_201, %parallel_loop3A_217] : memref<64x64xf32, #tpu.memory_space<vmem>>[vector<16xi32>, vector<16xi32>], vector<16xf32>,
        %parallel_loop3A_222 = arith.addf %parallel_loop3A_220, %parallel_loop3A_221 : vector<16xf32>
        %parallel_loop3A_223 = arith.constant 1 : i32
        %parallel_loop3A_224 = arith.addi %parallel_loop3A_61, %parallel_loop3A_223 : i32
        %parallel_loop3A_225 = arith.index_cast %parallel_loop3A_224 : i32 to index
        %parallel_loop3A_226 = arith.constant 16 : index
        %parallel_loop3A_227 = tpu.vector_load %arg18[%parallel_loop3A_225, %parallel_loop3A_226] {strides = array<i32>} : memref<1024x64xf32, #tpu.memory_space<vmem>>, vector<16xf32>,
        tpu.vector_store %arg18[%parallel_loop3A_225, %parallel_loop3A_226], %parallel_loop3A_222 {strides = array<i32>} : memref<1024x64xf32, #tpu.memory_space<vmem>>, vector<16xf32>,
        %parallel_loop3A_228 = arith.constant 32 : i32
        %parallel_loop3A_229 = vector.broadcast %parallel_loop3A_228 : i32 to vector<16xi32>
        %parallel_loop3A_230 = arith.addi %iota3A, %parallel_loop3A_229 : vector<16xi32>
        %parallel_loop3A_231 = tpu.vector_load_idx %arg15[%parallel_loop3A_181, %parallel_loop3A_230] : memref<384x64xf32, #tpu.memory_space<vmem>>[vector<16xi32>, vector<16xi32>], vector<16xf32>,
        %parallel_loop3A_232 = tpu.vector_load_idx %arg16[%parallel_loop3A_191, %parallel_loop3A_230] : memref<64x64xf32, #tpu.memory_space<vmem>>[vector<16xi32>, vector<16xi32>], vector<16xf32>,
        %parallel_loop3A_233 = arith.addf %parallel_loop3A_231, %parallel_loop3A_232 : vector<16xf32>
        %parallel_loop3A_234 = tpu.vector_load_idx %arg17[%parallel_loop3A_201, %parallel_loop3A_230] : memref<64x64xf32, #tpu.memory_space<vmem>>[vector<16xi32>, vector<16xi32>], vector<16xf32>,
        %parallel_loop3A_235 = arith.addf %parallel_loop3A_233, %parallel_loop3A_234 : vector<16xf32>
        %parallel_loop3A_236 = arith.constant 1 : i32
        %parallel_loop3A_237 = arith.addi %parallel_loop3A_61, %parallel_loop3A_236 : i32
        %parallel_loop3A_238 = arith.index_cast %parallel_loop3A_237 : i32 to index
        %parallel_loop3A_239 = arith.constant 32 : index
        %parallel_loop3A_240 = tpu.vector_load %arg18[%parallel_loop3A_238, %parallel_loop3A_239] {strides = array<i32>} : memref<1024x64xf32, #tpu.memory_space<vmem>>, vector<16xf32>,
        tpu.vector_store %arg18[%parallel_loop3A_238, %parallel_loop3A_239], %parallel_loop3A_235 {strides = array<i32>} : memref<1024x64xf32, #tpu.memory_space<vmem>>, vector<16xf32>,
        %parallel_loop3A_241 = arith.constant 48 : i32
        %parallel_loop3A_242 = vector.broadcast %parallel_loop3A_241 : i32 to vector<16xi32>
        %parallel_loop3A_243 = arith.addi %iota3A, %parallel_loop3A_242 : vector<16xi32>
        %parallel_loop3A_244 = tpu.vector_load_idx %arg15[%parallel_loop3A_181, %parallel_loop3A_243] : memref<384x64xf32, #tpu.memory_space<vmem>>[vector<16xi32>, vector<16xi32>], vector<16xf32>,
        %parallel_loop3A_245 = tpu.vector_load_idx %arg16[%parallel_loop3A_191, %parallel_loop3A_243] : memref<64x64xf32, #tpu.memory_space<vmem>>[vector<16xi32>, vector<16xi32>], vector<16xf32>,
        %parallel_loop3A_246 = arith.addf %parallel_loop3A_244, %parallel_loop3A_245 : vector<16xf32>
        %parallel_loop3A_247 = tpu.vector_load_idx %arg17[%parallel_loop3A_201, %parallel_loop3A_243] : memref<64x64xf32, #tpu.memory_space<vmem>>[vector<16xi32>, vector<16xi32>], vector<16xf32>,
        %parallel_loop3A_248 = arith.addf %parallel_loop3A_246, %parallel_loop3A_247 : vector<16xf32>
        %parallel_loop3A_249 = arith.constant 1 : i32
        %parallel_loop3A_250 = arith.addi %parallel_loop3A_61, %parallel_loop3A_249 : i32
        %parallel_loop3A_251 = arith.index_cast %parallel_loop3A_250 : i32 to index
        %parallel_loop3A_252 = arith.constant 48 : index
        %parallel_loop3A_253 = tpu.vector_load %arg18[%parallel_loop3A_251, %parallel_loop3A_252] {strides = array<i32>} : memref<1024x64xf32, #tpu.memory_space<vmem>>, vector<16xf32>,
        tpu.vector_store %arg18[%parallel_loop3A_251, %parallel_loop3A_252], %parallel_loop3A_248 {strides = array<i32>} : memref<1024x64xf32, #tpu.memory_space<vmem>>, vector<16xf32>,
        %parallel_loop3A_254 = arith.constant 2 : i32
        %parallel_loop3A_255 = vector.broadcast %parallel_loop3A_254 : i32 to vector<16xi32>
        %parallel_loop3A_256 = arith.constant 0 : i32
        %parallel_loop3A_257 = vector.broadcast %parallel_loop3A_256 : i32 to vector<16xi32>
        %parallel_loop3A_258 = arith.cmpi slt, %parallel_loop3A_255, %parallel_loop3A_257 : vector<16xi32>
        %parallel_loop3A_259 = arith.constant 16 : i32
        %parallel_loop3A_260 = vector.broadcast %parallel_loop3A_259 : i32 to vector<16xi32>
        %parallel_loop3A_261 = arith.addi %parallel_loop3A_255, %parallel_loop3A_260 : vector<16xi32>
        %parallel_loop3A_262 = arith.select %parallel_loop3A_258, %parallel_loop3A_261, %parallel_loop3A_255 : vector<16xi1>, vector<16xi32>
        %parallel_loop3A_263 = vector.shape_cast %parallel_loop3A_262 : vector<16xi32> to vector<16x1xi32>
        %parallel_loop3A_264 = vector.shape_cast %parallel_loop3A_263 : vector<16x1xi32> to vector<16xi32>
        %parallel_loop3A_265 = tpu.dynamic_gather %parallel_loop3A_75[%parallel_loop3A_264] in [0] : vector<16xi32>, vector<16xi32> -> vector<16xi32>
        %parallel_loop3A_266 = arith.constant 0 : i32
        %parallel_loop3A_267 = vector.broadcast %parallel_loop3A_266 : i32 to vector<16xi32>
        %parallel_loop3A_268 = arith.cmpi slt, %parallel_loop3A_255, %parallel_loop3A_267 : vector<16xi32>
        %parallel_loop3A_269 = arith.constant 16 : i32
        %parallel_loop3A_270 = vector.broadcast %parallel_loop3A_269 : i32 to vector<16xi32>
        %parallel_loop3A_271 = arith.addi %parallel_loop3A_255, %parallel_loop3A_270 : vector<16xi32>
        %parallel_loop3A_272 = arith.select %parallel_loop3A_268, %parallel_loop3A_271, %parallel_loop3A_255 : vector<16xi1>, vector<16xi32>
        %parallel_loop3A_273 = vector.shape_cast %parallel_loop3A_272 : vector<16xi32> to vector<16x1xi32>
        %parallel_loop3A_274 = vector.shape_cast %parallel_loop3A_273 : vector<16x1xi32> to vector<16xi32>
        %parallel_loop3A_275 = tpu.dynamic_gather %parallel_loop3A_80[%parallel_loop3A_274] in [0] : vector<16xi32>, vector<16xi32> -> vector<16xi32>
        %parallel_loop3A_276 = arith.constant 0 : i32
        %parallel_loop3A_277 = vector.broadcast %parallel_loop3A_276 : i32 to vector<16xi32>
        %parallel_loop3A_278 = arith.cmpi slt, %parallel_loop3A_255, %parallel_loop3A_277 : vector<16xi32>
        %parallel_loop3A_279 = arith.constant 16 : i32
        %parallel_loop3A_280 = vector.broadcast %parallel_loop3A_279 : i32 to vector<16xi32>
        %parallel_loop3A_281 = arith.addi %parallel_loop3A_255, %parallel_loop3A_280 : vector<16xi32>
        %parallel_loop3A_282 = arith.select %parallel_loop3A_278, %parallel_loop3A_281, %parallel_loop3A_255 : vector<16xi1>, vector<16xi32>
        %parallel_loop3A_283 = vector.shape_cast %parallel_loop3A_282 : vector<16xi32> to vector<16x1xi32>
        %parallel_loop3A_284 = vector.shape_cast %parallel_loop3A_283 : vector<16x1xi32> to vector<16xi32>
        %parallel_loop3A_285 = tpu.dynamic_gather %parallel_loop3A_85[%parallel_loop3A_284] in [0] : vector<16xi32>, vector<16xi32> -> vector<16xi32>
        %parallel_loop3A_286 = arith.constant 0 : i32
        %parallel_loop3A_287 = vector.broadcast %parallel_loop3A_286 : i32 to vector<16xi32>
        %parallel_loop3A_288 = arith.addi %iota3A, %parallel_loop3A_287 : vector<16xi32>
        %parallel_loop3A_289 = tpu.vector_load_idx %arg15[%parallel_loop3A_265, %parallel_loop3A_288] : memref<384x64xf32, #tpu.memory_space<vmem>>[vector<16xi32>, vector<16xi32>], vector<16xf32>,
        %parallel_loop3A_290 = tpu.vector_load_idx %arg16[%parallel_loop3A_275, %parallel_loop3A_288] : memref<64x64xf32, #tpu.memory_space<vmem>>[vector<16xi32>, vector<16xi32>], vector<16xf32>,
        %parallel_loop3A_291 = arith.addf %parallel_loop3A_289, %parallel_loop3A_290 : vector<16xf32>
        %parallel_loop3A_292 = tpu.vector_load_idx %arg17[%parallel_loop3A_285, %parallel_loop3A_288] : memref<64x64xf32, #tpu.memory_space<vmem>>[vector<16xi32>, vector<16xi32>], vector<16xf32>,
        %parallel_loop3A_293 = arith.addf %parallel_loop3A_291, %parallel_loop3A_292 : vector<16xf32>
        %parallel_loop3A_294 = arith.constant 2 : i32
        %parallel_loop3A_295 = arith.addi %parallel_loop3A_61, %parallel_loop3A_294 : i32
        %parallel_loop3A_296 = arith.index_cast %parallel_loop3A_295 : i32 to index
        %parallel_loop3A_297 = arith.constant 0 : index
        %parallel_loop3A_298 = tpu.vector_load %arg18[%parallel_loop3A_296, %parallel_loop3A_297] {strides = array<i32>} : memref<1024x64xf32, #tpu.memory_space<vmem>>, vector<16xf32>,
        tpu.vector_store %arg18[%parallel_loop3A_296, %parallel_loop3A_297], %parallel_loop3A_293 {strides = array<i32>} : memref<1024x64xf32, #tpu.memory_space<vmem>>, vector<16xf32>,
        %parallel_loop3A_299 = arith.constant 16 : i32
        %parallel_loop3A_300 = vector.broadcast %parallel_loop3A_299 : i32 to vector<16xi32>
        %parallel_loop3A_301 = arith.addi %iota3A, %parallel_loop3A_300 : vector<16xi32>
        %parallel_loop3A_302 = tpu.vector_load_idx %arg15[%parallel_loop3A_265, %parallel_loop3A_301] : memref<384x64xf32, #tpu.memory_space<vmem>>[vector<16xi32>, vector<16xi32>], vector<16xf32>,
        %parallel_loop3A_303 = tpu.vector_load_idx %arg16[%parallel_loop3A_275, %parallel_loop3A_301] : memref<64x64xf32, #tpu.memory_space<vmem>>[vector<16xi32>, vector<16xi32>], vector<16xf32>,
        %parallel_loop3A_304 = arith.addf %parallel_loop3A_302, %parallel_loop3A_303 : vector<16xf32>
        %parallel_loop3A_305 = tpu.vector_load_idx %arg17[%parallel_loop3A_285, %parallel_loop3A_301] : memref<64x64xf32, #tpu.memory_space<vmem>>[vector<16xi32>, vector<16xi32>], vector<16xf32>,
        %parallel_loop3A_306 = arith.addf %parallel_loop3A_304, %parallel_loop3A_305 : vector<16xf32>
        %parallel_loop3A_307 = arith.constant 2 : i32
        %parallel_loop3A_308 = arith.addi %parallel_loop3A_61, %parallel_loop3A_307 : i32
        %parallel_loop3A_309 = arith.index_cast %parallel_loop3A_308 : i32 to index
        %parallel_loop3A_310 = arith.constant 16 : index
        %parallel_loop3A_311 = tpu.vector_load %arg18[%parallel_loop3A_309, %parallel_loop3A_310] {strides = array<i32>} : memref<1024x64xf32, #tpu.memory_space<vmem>>, vector<16xf32>,
        tpu.vector_store %arg18[%parallel_loop3A_309, %parallel_loop3A_310], %parallel_loop3A_306 {strides = array<i32>} : memref<1024x64xf32, #tpu.memory_space<vmem>>, vector<16xf32>,
        %parallel_loop3A_312 = arith.constant 32 : i32
        %parallel_loop3A_313 = vector.broadcast %parallel_loop3A_312 : i32 to vector<16xi32>
        %parallel_loop3A_314 = arith.addi %iota3A, %parallel_loop3A_313 : vector<16xi32>
        %parallel_loop3A_315 = tpu.vector_load_idx %arg15[%parallel_loop3A_265, %parallel_loop3A_314] : memref<384x64xf32, #tpu.memory_space<vmem>>[vector<16xi32>, vector<16xi32>], vector<16xf32>,
        %parallel_loop3A_316 = tpu.vector_load_idx %arg16[%parallel_loop3A_275, %parallel_loop3A_314] : memref<64x64xf32, #tpu.memory_space<vmem>>[vector<16xi32>, vector<16xi32>], vector<16xf32>,
        %parallel_loop3A_317 = arith.addf %parallel_loop3A_315, %parallel_loop3A_316 : vector<16xf32>
        %parallel_loop3A_318 = tpu.vector_load_idx %arg17[%parallel_loop3A_285, %parallel_loop3A_314] : memref<64x64xf32, #tpu.memory_space<vmem>>[vector<16xi32>, vector<16xi32>], vector<16xf32>,
        %parallel_loop3A_319 = arith.addf %parallel_loop3A_317, %parallel_loop3A_318 : vector<16xf32>
        %parallel_loop3A_320 = arith.constant 2 : i32
        %parallel_loop3A_321 = arith.addi %parallel_loop3A_61, %parallel_loop3A_320 : i32
        %parallel_loop3A_322 = arith.index_cast %parallel_loop3A_321 : i32 to index
        %parallel_loop3A_323 = arith.constant 32 : index
        %parallel_loop3A_324 = tpu.vector_load %arg18[%parallel_loop3A_322, %parallel_loop3A_323] {strides = array<i32>} : memref<1024x64xf32, #tpu.memory_space<vmem>>, vector<16xf32>,
        tpu.vector_store %arg18[%parallel_loop3A_322, %parallel_loop3A_323], %parallel_loop3A_319 {strides = array<i32>} : memref<1024x64xf32, #tpu.memory_space<vmem>>, vector<16xf32>,
        %parallel_loop3A_325 = arith.constant 48 : i32
        %parallel_loop3A_326 = vector.broadcast %parallel_loop3A_325 : i32 to vector<16xi32>
        %parallel_loop3A_327 = arith.addi %iota3A, %parallel_loop3A_326 : vector<16xi32>
        %parallel_loop3A_328 = tpu.vector_load_idx %arg15[%parallel_loop3A_265, %parallel_loop3A_327] : memref<384x64xf32, #tpu.memory_space<vmem>>[vector<16xi32>, vector<16xi32>], vector<16xf32>,
        %parallel_loop3A_329 = tpu.vector_load_idx %arg16[%parallel_loop3A_275, %parallel_loop3A_327] : memref<64x64xf32, #tpu.memory_space<vmem>>[vector<16xi32>, vector<16xi32>], vector<16xf32>,
        %parallel_loop3A_330 = arith.addf %parallel_loop3A_328, %parallel_loop3A_329 : vector<16xf32>
        %parallel_loop3A_331 = tpu.vector_load_idx %arg17[%parallel_loop3A_285, %parallel_loop3A_327] : memref<64x64xf32, #tpu.memory_space<vmem>>[vector<16xi32>, vector<16xi32>], vector<16xf32>,
        %parallel_loop3A_332 = arith.addf %parallel_loop3A_330, %parallel_loop3A_331 : vector<16xf32>
        %parallel_loop3A_333 = arith.constant 2 : i32
        %parallel_loop3A_334 = arith.addi %parallel_loop3A_61, %parallel_loop3A_333 : i32
        %parallel_loop3A_335 = arith.index_cast %parallel_loop3A_334 : i32 to index
        %parallel_loop3A_336 = arith.constant 48 : index
        %parallel_loop3A_337 = tpu.vector_load %arg18[%parallel_loop3A_335, %parallel_loop3A_336] {strides = array<i32>} : memref<1024x64xf32, #tpu.memory_space<vmem>>, vector<16xf32>,
        tpu.vector_store %arg18[%parallel_loop3A_335, %parallel_loop3A_336], %parallel_loop3A_332 {strides = array<i32>} : memref<1024x64xf32, #tpu.memory_space<vmem>>, vector<16xf32>,
        %parallel_loop3A_338 = arith.constant 3 : i32
        %parallel_loop3A_339 = vector.broadcast %parallel_loop3A_338 : i32 to vector<16xi32>
        %parallel_loop3A_340 = arith.constant 0 : i32
        %parallel_loop3A_341 = vector.broadcast %parallel_loop3A_340 : i32 to vector<16xi32>
        %parallel_loop3A_342 = arith.cmpi slt, %parallel_loop3A_339, %parallel_loop3A_341 : vector<16xi32>
        %parallel_loop3A_343 = arith.constant 16 : i32
        %parallel_loop3A_344 = vector.broadcast %parallel_loop3A_343 : i32 to vector<16xi32>
        %parallel_loop3A_345 = arith.addi %parallel_loop3A_339, %parallel_loop3A_344 : vector<16xi32>
        %parallel_loop3A_346 = arith.select %parallel_loop3A_342, %parallel_loop3A_345, %parallel_loop3A_339 : vector<16xi1>, vector<16xi32>
        %parallel_loop3A_347 = vector.shape_cast %parallel_loop3A_346 : vector<16xi32> to vector<16x1xi32>
        %parallel_loop3A_348 = vector.shape_cast %parallel_loop3A_347 : vector<16x1xi32> to vector<16xi32>
        %parallel_loop3A_349 = tpu.dynamic_gather %parallel_loop3A_75[%parallel_loop3A_348] in [0] : vector<16xi32>, vector<16xi32> -> vector<16xi32>
        %parallel_loop3A_350 = arith.constant 0 : i32
        %parallel_loop3A_351 = vector.broadcast %parallel_loop3A_350 : i32 to vector<16xi32>
        %parallel_loop3A_352 = arith.cmpi slt, %parallel_loop3A_339, %parallel_loop3A_351 : vector<16xi32>
        %parallel_loop3A_353 = arith.constant 16 : i32
        %parallel_loop3A_354 = vector.broadcast %parallel_loop3A_353 : i32 to vector<16xi32>
        %parallel_loop3A_355 = arith.addi %parallel_loop3A_339, %parallel_loop3A_354 : vector<16xi32>
        %parallel_loop3A_356 = arith.select %parallel_loop3A_352, %parallel_loop3A_355, %parallel_loop3A_339 : vector<16xi1>, vector<16xi32>
        %parallel_loop3A_357 = vector.shape_cast %parallel_loop3A_356 : vector<16xi32> to vector<16x1xi32>
        %parallel_loop3A_358 = vector.shape_cast %parallel_loop3A_357 : vector<16x1xi32> to vector<16xi32>
        %parallel_loop3A_359 = tpu.dynamic_gather %parallel_loop3A_80[%parallel_loop3A_358] in [0] : vector<16xi32>, vector<16xi32> -> vector<16xi32>
        %parallel_loop3A_360 = arith.constant 0 : i32
        %parallel_loop3A_361 = vector.broadcast %parallel_loop3A_360 : i32 to vector<16xi32>
        %parallel_loop3A_362 = arith.cmpi slt, %parallel_loop3A_339, %parallel_loop3A_361 : vector<16xi32>
        %parallel_loop3A_363 = arith.constant 16 : i32
        %parallel_loop3A_364 = vector.broadcast %parallel_loop3A_363 : i32 to vector<16xi32>
        %parallel_loop3A_365 = arith.addi %parallel_loop3A_339, %parallel_loop3A_364 : vector<16xi32>
        %parallel_loop3A_366 = arith.select %parallel_loop3A_362, %parallel_loop3A_365, %parallel_loop3A_339 : vector<16xi1>, vector<16xi32>
        %parallel_loop3A_367 = vector.shape_cast %parallel_loop3A_366 : vector<16xi32> to vector<16x1xi32>
        %parallel_loop3A_368 = vector.shape_cast %parallel_loop3A_367 : vector<16x1xi32> to vector<16xi32>
        %parallel_loop3A_369 = tpu.dynamic_gather %parallel_loop3A_85[%parallel_loop3A_368] in [0] : vector<16xi32>, vector<16xi32> -> vector<16xi32>
        %parallel_loop3A_370 = arith.constant 0 : i32
        %parallel_loop3A_371 = vector.broadcast %parallel_loop3A_370 : i32 to vector<16xi32>
        %parallel_loop3A_372 = arith.addi %iota3A, %parallel_loop3A_371 : vector<16xi32>
        %parallel_loop3A_373 = tpu.vector_load_idx %arg15[%parallel_loop3A_349, %parallel_loop3A_372] : memref<384x64xf32, #tpu.memory_space<vmem>>[vector<16xi32>, vector<16xi32>], vector<16xf32>,
        %parallel_loop3A_374 = tpu.vector_load_idx %arg16[%parallel_loop3A_359, %parallel_loop3A_372] : memref<64x64xf32, #tpu.memory_space<vmem>>[vector<16xi32>, vector<16xi32>], vector<16xf32>,
        %parallel_loop3A_375 = arith.addf %parallel_loop3A_373, %parallel_loop3A_374 : vector<16xf32>
        %parallel_loop3A_376 = tpu.vector_load_idx %arg17[%parallel_loop3A_369, %parallel_loop3A_372] : memref<64x64xf32, #tpu.memory_space<vmem>>[vector<16xi32>, vector<16xi32>], vector<16xf32>,
        %parallel_loop3A_377 = arith.addf %parallel_loop3A_375, %parallel_loop3A_376 : vector<16xf32>
        %parallel_loop3A_378 = arith.constant 3 : i32
        %parallel_loop3A_379 = arith.addi %parallel_loop3A_61, %parallel_loop3A_378 : i32
        %parallel_loop3A_380 = arith.index_cast %parallel_loop3A_379 : i32 to index
        %parallel_loop3A_381 = arith.constant 0 : index
        %parallel_loop3A_382 = tpu.vector_load %arg18[%parallel_loop3A_380, %parallel_loop3A_381] {strides = array<i32>} : memref<1024x64xf32, #tpu.memory_space<vmem>>, vector<16xf32>,
        tpu.vector_store %arg18[%parallel_loop3A_380, %parallel_loop3A_381], %parallel_loop3A_377 {strides = array<i32>} : memref<1024x64xf32, #tpu.memory_space<vmem>>, vector<16xf32>,
        %parallel_loop3A_383 = arith.constant 16 : i32
        %parallel_loop3A_384 = vector.broadcast %parallel_loop3A_383 : i32 to vector<16xi32>
        %parallel_loop3A_385 = arith.addi %iota3A, %parallel_loop3A_384 : vector<16xi32>
        %parallel_loop3A_386 = tpu.vector_load_idx %arg15[%parallel_loop3A_349, %parallel_loop3A_385] : memref<384x64xf32, #tpu.memory_space<vmem>>[vector<16xi32>, vector<16xi32>], vector<16xf32>,
        %parallel_loop3A_387 = tpu.vector_load_idx %arg16[%parallel_loop3A_359, %parallel_loop3A_385] : memref<64x64xf32, #tpu.memory_space<vmem>>[vector<16xi32>, vector<16xi32>], vector<16xf32>,
        %parallel_loop3A_388 = arith.addf %parallel_loop3A_386, %parallel_loop3A_387 : vector<16xf32>
        %parallel_loop3A_389 = tpu.vector_load_idx %arg17[%parallel_loop3A_369, %parallel_loop3A_385] : memref<64x64xf32, #tpu.memory_space<vmem>>[vector<16xi32>, vector<16xi32>], vector<16xf32>,
        %parallel_loop3A_390 = arith.addf %parallel_loop3A_388, %parallel_loop3A_389 : vector<16xf32>
        %parallel_loop3A_391 = arith.constant 3 : i32
        %parallel_loop3A_392 = arith.addi %parallel_loop3A_61, %parallel_loop3A_391 : i32
        %parallel_loop3A_393 = arith.index_cast %parallel_loop3A_392 : i32 to index
        %parallel_loop3A_394 = arith.constant 16 : index
        %parallel_loop3A_395 = tpu.vector_load %arg18[%parallel_loop3A_393, %parallel_loop3A_394] {strides = array<i32>} : memref<1024x64xf32, #tpu.memory_space<vmem>>, vector<16xf32>,
        tpu.vector_store %arg18[%parallel_loop3A_393, %parallel_loop3A_394], %parallel_loop3A_390 {strides = array<i32>} : memref<1024x64xf32, #tpu.memory_space<vmem>>, vector<16xf32>,
        %parallel_loop3A_396 = arith.constant 32 : i32
        %parallel_loop3A_397 = vector.broadcast %parallel_loop3A_396 : i32 to vector<16xi32>
        %parallel_loop3A_398 = arith.addi %iota3A, %parallel_loop3A_397 : vector<16xi32>
        %parallel_loop3A_399 = tpu.vector_load_idx %arg15[%parallel_loop3A_349, %parallel_loop3A_398] : memref<384x64xf32, #tpu.memory_space<vmem>>[vector<16xi32>, vector<16xi32>], vector<16xf32>,
        %parallel_loop3A_400 = tpu.vector_load_idx %arg16[%parallel_loop3A_359, %parallel_loop3A_398] : memref<64x64xf32, #tpu.memory_space<vmem>>[vector<16xi32>, vector<16xi32>], vector<16xf32>,
        %parallel_loop3A_401 = arith.addf %parallel_loop3A_399, %parallel_loop3A_400 : vector<16xf32>
        %parallel_loop3A_402 = tpu.vector_load_idx %arg17[%parallel_loop3A_369, %parallel_loop3A_398] : memref<64x64xf32, #tpu.memory_space<vmem>>[vector<16xi32>, vector<16xi32>], vector<16xf32>,
        %parallel_loop3A_403 = arith.addf %parallel_loop3A_401, %parallel_loop3A_402 : vector<16xf32>
        %parallel_loop3A_404 = arith.constant 3 : i32
        %parallel_loop3A_405 = arith.addi %parallel_loop3A_61, %parallel_loop3A_404 : i32
        %parallel_loop3A_406 = arith.index_cast %parallel_loop3A_405 : i32 to index
        %parallel_loop3A_407 = arith.constant 32 : index
        %parallel_loop3A_408 = tpu.vector_load %arg18[%parallel_loop3A_406, %parallel_loop3A_407] {strides = array<i32>} : memref<1024x64xf32, #tpu.memory_space<vmem>>, vector<16xf32>,
        tpu.vector_store %arg18[%parallel_loop3A_406, %parallel_loop3A_407], %parallel_loop3A_403 {strides = array<i32>} : memref<1024x64xf32, #tpu.memory_space<vmem>>, vector<16xf32>,
        %parallel_loop3A_409 = arith.constant 48 : i32
        %parallel_loop3A_410 = vector.broadcast %parallel_loop3A_409 : i32 to vector<16xi32>
        %parallel_loop3A_411 = arith.addi %iota3A, %parallel_loop3A_410 : vector<16xi32>
        %parallel_loop3A_412 = tpu.vector_load_idx %arg15[%parallel_loop3A_349, %parallel_loop3A_411] : memref<384x64xf32, #tpu.memory_space<vmem>>[vector<16xi32>, vector<16xi32>], vector<16xf32>,
        %parallel_loop3A_413 = tpu.vector_load_idx %arg16[%parallel_loop3A_359, %parallel_loop3A_411] : memref<64x64xf32, #tpu.memory_space<vmem>>[vector<16xi32>, vector<16xi32>], vector<16xf32>,
        %parallel_loop3A_414 = arith.addf %parallel_loop3A_412, %parallel_loop3A_413 : vector<16xf32>
        %parallel_loop3A_415 = tpu.vector_load_idx %arg17[%parallel_loop3A_369, %parallel_loop3A_411] : memref<64x64xf32, #tpu.memory_space<vmem>>[vector<16xi32>, vector<16xi32>], vector<16xf32>,
        %parallel_loop3A_416 = arith.addf %parallel_loop3A_414, %parallel_loop3A_415 : vector<16xf32>
        %parallel_loop3A_417 = arith.constant 3 : i32
        %parallel_loop3A_418 = arith.addi %parallel_loop3A_61, %parallel_loop3A_417 : i32
        %parallel_loop3A_419 = arith.index_cast %parallel_loop3A_418 : i32 to index
        %parallel_loop3A_420 = arith.constant 48 : index
        %parallel_loop3A_421 = tpu.vector_load %arg18[%parallel_loop3A_419, %parallel_loop3A_420] {strides = array<i32>} : memref<1024x64xf32, #tpu.memory_space<vmem>>, vector<16xf32>,
        tpu.vector_store %arg18[%parallel_loop3A_419, %parallel_loop3A_420], %parallel_loop3A_416 {strides = array<i32>} : memref<1024x64xf32, #tpu.memory_space<vmem>>, vector<16xf32>,
        %parallel_loop3A_422 = arith.constant 4 : i32
        %parallel_loop3A_423 = vector.broadcast %parallel_loop3A_422 : i32 to vector<16xi32>
        %parallel_loop3A_424 = arith.constant 0 : i32
        %parallel_loop3A_425 = vector.broadcast %parallel_loop3A_424 : i32 to vector<16xi32>
        %parallel_loop3A_426 = arith.cmpi slt, %parallel_loop3A_423, %parallel_loop3A_425 : vector<16xi32>
        %parallel_loop3A_427 = arith.constant 16 : i32
        %parallel_loop3A_428 = vector.broadcast %parallel_loop3A_427 : i32 to vector<16xi32>
        %parallel_loop3A_429 = arith.addi %parallel_loop3A_423, %parallel_loop3A_428 : vector<16xi32>
        %parallel_loop3A_430 = arith.select %parallel_loop3A_426, %parallel_loop3A_429, %parallel_loop3A_423 : vector<16xi1>, vector<16xi32>
        %parallel_loop3A_431 = vector.shape_cast %parallel_loop3A_430 : vector<16xi32> to vector<16x1xi32>
        %parallel_loop3A_432 = vector.shape_cast %parallel_loop3A_431 : vector<16x1xi32> to vector<16xi32>
        %parallel_loop3A_433 = tpu.dynamic_gather %parallel_loop3A_75[%parallel_loop3A_432] in [0] : vector<16xi32>, vector<16xi32> -> vector<16xi32>
        %parallel_loop3A_434 = arith.constant 0 : i32
        %parallel_loop3A_435 = vector.broadcast %parallel_loop3A_434 : i32 to vector<16xi32>
        %parallel_loop3A_436 = arith.cmpi slt, %parallel_loop3A_423, %parallel_loop3A_435 : vector<16xi32>
        %parallel_loop3A_437 = arith.constant 16 : i32
        %parallel_loop3A_438 = vector.broadcast %parallel_loop3A_437 : i32 to vector<16xi32>
        %parallel_loop3A_439 = arith.addi %parallel_loop3A_423, %parallel_loop3A_438 : vector<16xi32>
        %parallel_loop3A_440 = arith.select %parallel_loop3A_436, %parallel_loop3A_439, %parallel_loop3A_423 : vector<16xi1>, vector<16xi32>
        %parallel_loop3A_441 = vector.shape_cast %parallel_loop3A_440 : vector<16xi32> to vector<16x1xi32>
        %parallel_loop3A_442 = vector.shape_cast %parallel_loop3A_441 : vector<16x1xi32> to vector<16xi32>
        %parallel_loop3A_443 = tpu.dynamic_gather %parallel_loop3A_80[%parallel_loop3A_442] in [0] : vector<16xi32>, vector<16xi32> -> vector<16xi32>
        %parallel_loop3A_444 = arith.constant 0 : i32
        %parallel_loop3A_445 = vector.broadcast %parallel_loop3A_444 : i32 to vector<16xi32>
        %parallel_loop3A_446 = arith.cmpi slt, %parallel_loop3A_423, %parallel_loop3A_445 : vector<16xi32>
        %parallel_loop3A_447 = arith.constant 16 : i32
        %parallel_loop3A_448 = vector.broadcast %parallel_loop3A_447 : i32 to vector<16xi32>
        %parallel_loop3A_449 = arith.addi %parallel_loop3A_423, %parallel_loop3A_448 : vector<16xi32>
        %parallel_loop3A_450 = arith.select %parallel_loop3A_446, %parallel_loop3A_449, %parallel_loop3A_423 : vector<16xi1>, vector<16xi32>
        %parallel_loop3A_451 = vector.shape_cast %parallel_loop3A_450 : vector<16xi32> to vector<16x1xi32>
        %parallel_loop3A_452 = vector.shape_cast %parallel_loop3A_451 : vector<16x1xi32> to vector<16xi32>
        %parallel_loop3A_453 = tpu.dynamic_gather %parallel_loop3A_85[%parallel_loop3A_452] in [0] : vector<16xi32>, vector<16xi32> -> vector<16xi32>
        %parallel_loop3A_454 = arith.constant 0 : i32
        %parallel_loop3A_455 = vector.broadcast %parallel_loop3A_454 : i32 to vector<16xi32>
        %parallel_loop3A_456 = arith.addi %iota3A, %parallel_loop3A_455 : vector<16xi32>
        %parallel_loop3A_457 = tpu.vector_load_idx %arg15[%parallel_loop3A_433, %parallel_loop3A_456] : memref<384x64xf32, #tpu.memory_space<vmem>>[vector<16xi32>, vector<16xi32>], vector<16xf32>,
        %parallel_loop3A_458 = tpu.vector_load_idx %arg16[%parallel_loop3A_443, %parallel_loop3A_456] : memref<64x64xf32, #tpu.memory_space<vmem>>[vector<16xi32>, vector<16xi32>], vector<16xf32>,
        %parallel_loop3A_459 = arith.addf %parallel_loop3A_457, %parallel_loop3A_458 : vector<16xf32>
        %parallel_loop3A_460 = tpu.vector_load_idx %arg17[%parallel_loop3A_453, %parallel_loop3A_456] : memref<64x64xf32, #tpu.memory_space<vmem>>[vector<16xi32>, vector<16xi32>], vector<16xf32>,
        %parallel_loop3A_461 = arith.addf %parallel_loop3A_459, %parallel_loop3A_460 : vector<16xf32>
        %parallel_loop3A_462 = arith.constant 4 : i32
        %parallel_loop3A_463 = arith.addi %parallel_loop3A_61, %parallel_loop3A_462 : i32
        %parallel_loop3A_464 = arith.index_cast %parallel_loop3A_463 : i32 to index
        %parallel_loop3A_465 = arith.constant 0 : index
        %parallel_loop3A_466 = tpu.vector_load %arg18[%parallel_loop3A_464, %parallel_loop3A_465] {strides = array<i32>} : memref<1024x64xf32, #tpu.memory_space<vmem>>, vector<16xf32>,
        tpu.vector_store %arg18[%parallel_loop3A_464, %parallel_loop3A_465], %parallel_loop3A_461 {strides = array<i32>} : memref<1024x64xf32, #tpu.memory_space<vmem>>, vector<16xf32>,
        %parallel_loop3A_467 = arith.constant 16 : i32
        %parallel_loop3A_468 = vector.broadcast %parallel_loop3A_467 : i32 to vector<16xi32>
        %parallel_loop3A_469 = arith.addi %iota3A, %parallel_loop3A_468 : vector<16xi32>
        %parallel_loop3A_470 = tpu.vector_load_idx %arg15[%parallel_loop3A_433, %parallel_loop3A_469] : memref<384x64xf32, #tpu.memory_space<vmem>>[vector<16xi32>, vector<16xi32>], vector<16xf32>,
        %parallel_loop3A_471 = tpu.vector_load_idx %arg16[%parallel_loop3A_443, %parallel_loop3A_469] : memref<64x64xf32, #tpu.memory_space<vmem>>[vector<16xi32>, vector<16xi32>], vector<16xf32>,
        %parallel_loop3A_472 = arith.addf %parallel_loop3A_470, %parallel_loop3A_471 : vector<16xf32>
        %parallel_loop3A_473 = tpu.vector_load_idx %arg17[%parallel_loop3A_453, %parallel_loop3A_469] : memref<64x64xf32, #tpu.memory_space<vmem>>[vector<16xi32>, vector<16xi32>], vector<16xf32>,
        %parallel_loop3A_474 = arith.addf %parallel_loop3A_472, %parallel_loop3A_473 : vector<16xf32>
        %parallel_loop3A_475 = arith.constant 4 : i32
        %parallel_loop3A_476 = arith.addi %parallel_loop3A_61, %parallel_loop3A_475 : i32
        %parallel_loop3A_477 = arith.index_cast %parallel_loop3A_476 : i32 to index
        %parallel_loop3A_478 = arith.constant 16 : index
        %parallel_loop3A_479 = tpu.vector_load %arg18[%parallel_loop3A_477, %parallel_loop3A_478] {strides = array<i32>} : memref<1024x64xf32, #tpu.memory_space<vmem>>, vector<16xf32>,
        tpu.vector_store %arg18[%parallel_loop3A_477, %parallel_loop3A_478], %parallel_loop3A_474 {strides = array<i32>} : memref<1024x64xf32, #tpu.memory_space<vmem>>, vector<16xf32>,
        %parallel_loop3A_480 = arith.constant 32 : i32
        %parallel_loop3A_481 = vector.broadcast %parallel_loop3A_480 : i32 to vector<16xi32>
        %parallel_loop3A_482 = arith.addi %iota3A, %parallel_loop3A_481 : vector<16xi32>
        %parallel_loop3A_483 = tpu.vector_load_idx %arg15[%parallel_loop3A_433, %parallel_loop3A_482] : memref<384x64xf32, #tpu.memory_space<vmem>>[vector<16xi32>, vector<16xi32>], vector<16xf32>,
        %parallel_loop3A_484 = tpu.vector_load_idx %arg16[%parallel_loop3A_443, %parallel_loop3A_482] : memref<64x64xf32, #tpu.memory_space<vmem>>[vector<16xi32>, vector<16xi32>], vector<16xf32>,
        %parallel_loop3A_485 = arith.addf %parallel_loop3A_483, %parallel_loop3A_484 : vector<16xf32>
        %parallel_loop3A_486 = tpu.vector_load_idx %arg17[%parallel_loop3A_453, %parallel_loop3A_482] : memref<64x64xf32, #tpu.memory_space<vmem>>[vector<16xi32>, vector<16xi32>], vector<16xf32>,
        %parallel_loop3A_487 = arith.addf %parallel_loop3A_485, %parallel_loop3A_486 : vector<16xf32>
        %parallel_loop3A_488 = arith.constant 4 : i32
        %parallel_loop3A_489 = arith.addi %parallel_loop3A_61, %parallel_loop3A_488 : i32
        %parallel_loop3A_490 = arith.index_cast %parallel_loop3A_489 : i32 to index
        %parallel_loop3A_491 = arith.constant 32 : index
        %parallel_loop3A_492 = tpu.vector_load %arg18[%parallel_loop3A_490, %parallel_loop3A_491] {strides = array<i32>} : memref<1024x64xf32, #tpu.memory_space<vmem>>, vector<16xf32>,
        tpu.vector_store %arg18[%parallel_loop3A_490, %parallel_loop3A_491], %parallel_loop3A_487 {strides = array<i32>} : memref<1024x64xf32, #tpu.memory_space<vmem>>, vector<16xf32>,
        %parallel_loop3A_493 = arith.constant 48 : i32
        %parallel_loop3A_494 = vector.broadcast %parallel_loop3A_493 : i32 to vector<16xi32>
        %parallel_loop3A_495 = arith.addi %iota3A, %parallel_loop3A_494 : vector<16xi32>
        %parallel_loop3A_496 = tpu.vector_load_idx %arg15[%parallel_loop3A_433, %parallel_loop3A_495] : memref<384x64xf32, #tpu.memory_space<vmem>>[vector<16xi32>, vector<16xi32>], vector<16xf32>,
        %parallel_loop3A_497 = tpu.vector_load_idx %arg16[%parallel_loop3A_443, %parallel_loop3A_495] : memref<64x64xf32, #tpu.memory_space<vmem>>[vector<16xi32>, vector<16xi32>], vector<16xf32>,
        %parallel_loop3A_498 = arith.addf %parallel_loop3A_496, %parallel_loop3A_497 : vector<16xf32>
        %parallel_loop3A_499 = tpu.vector_load_idx %arg17[%parallel_loop3A_453, %parallel_loop3A_495] : memref<64x64xf32, #tpu.memory_space<vmem>>[vector<16xi32>, vector<16xi32>], vector<16xf32>,
        %parallel_loop3A_500 = arith.addf %parallel_loop3A_498, %parallel_loop3A_499 : vector<16xf32>
        %parallel_loop3A_501 = arith.constant 4 : i32
        %parallel_loop3A_502 = arith.addi %parallel_loop3A_61, %parallel_loop3A_501 : i32
        %parallel_loop3A_503 = arith.index_cast %parallel_loop3A_502 : i32 to index
        %parallel_loop3A_504 = arith.constant 48 : index
        %parallel_loop3A_505 = tpu.vector_load %arg18[%parallel_loop3A_503, %parallel_loop3A_504] {strides = array<i32>} : memref<1024x64xf32, #tpu.memory_space<vmem>>, vector<16xf32>,
        tpu.vector_store %arg18[%parallel_loop3A_503, %parallel_loop3A_504], %parallel_loop3A_500 {strides = array<i32>} : memref<1024x64xf32, #tpu.memory_space<vmem>>, vector<16xf32>,
        %parallel_loop3A_506 = arith.constant 5 : i32
        %parallel_loop3A_507 = vector.broadcast %parallel_loop3A_506 : i32 to vector<16xi32>
        %parallel_loop3A_508 = arith.constant 0 : i32
        %parallel_loop3A_509 = vector.broadcast %parallel_loop3A_508 : i32 to vector<16xi32>
        %parallel_loop3A_510 = arith.cmpi slt, %parallel_loop3A_507, %parallel_loop3A_509 : vector<16xi32>
        %parallel_loop3A_511 = arith.constant 16 : i32
        %parallel_loop3A_512 = vector.broadcast %parallel_loop3A_511 : i32 to vector<16xi32>
        %parallel_loop3A_513 = arith.addi %parallel_loop3A_507, %parallel_loop3A_512 : vector<16xi32>
        %parallel_loop3A_514 = arith.select %parallel_loop3A_510, %parallel_loop3A_513, %parallel_loop3A_507 : vector<16xi1>, vector<16xi32>
        %parallel_loop3A_515 = vector.shape_cast %parallel_loop3A_514 : vector<16xi32> to vector<16x1xi32>
        %parallel_loop3A_516 = vector.shape_cast %parallel_loop3A_515 : vector<16x1xi32> to vector<16xi32>
        %parallel_loop3A_517 = tpu.dynamic_gather %parallel_loop3A_75[%parallel_loop3A_516] in [0] : vector<16xi32>, vector<16xi32> -> vector<16xi32>
        %parallel_loop3A_518 = arith.constant 0 : i32
        %parallel_loop3A_519 = vector.broadcast %parallel_loop3A_518 : i32 to vector<16xi32>
        %parallel_loop3A_520 = arith.cmpi slt, %parallel_loop3A_507, %parallel_loop3A_519 : vector<16xi32>
        %parallel_loop3A_521 = arith.constant 16 : i32
        %parallel_loop3A_522 = vector.broadcast %parallel_loop3A_521 : i32 to vector<16xi32>
        %parallel_loop3A_523 = arith.addi %parallel_loop3A_507, %parallel_loop3A_522 : vector<16xi32>
        %parallel_loop3A_524 = arith.select %parallel_loop3A_520, %parallel_loop3A_523, %parallel_loop3A_507 : vector<16xi1>, vector<16xi32>
        %parallel_loop3A_525 = vector.shape_cast %parallel_loop3A_524 : vector<16xi32> to vector<16x1xi32>
        %parallel_loop3A_526 = vector.shape_cast %parallel_loop3A_525 : vector<16x1xi32> to vector<16xi32>
        %parallel_loop3A_527 = tpu.dynamic_gather %parallel_loop3A_80[%parallel_loop3A_526] in [0] : vector<16xi32>, vector<16xi32> -> vector<16xi32>
        %parallel_loop3A_528 = arith.constant 0 : i32
        %parallel_loop3A_529 = vector.broadcast %parallel_loop3A_528 : i32 to vector<16xi32>
        %parallel_loop3A_530 = arith.cmpi slt, %parallel_loop3A_507, %parallel_loop3A_529 : vector<16xi32>
        %parallel_loop3A_531 = arith.constant 16 : i32
        %parallel_loop3A_532 = vector.broadcast %parallel_loop3A_531 : i32 to vector<16xi32>
        %parallel_loop3A_533 = arith.addi %parallel_loop3A_507, %parallel_loop3A_532 : vector<16xi32>
        %parallel_loop3A_534 = arith.select %parallel_loop3A_530, %parallel_loop3A_533, %parallel_loop3A_507 : vector<16xi1>, vector<16xi32>
        %parallel_loop3A_535 = vector.shape_cast %parallel_loop3A_534 : vector<16xi32> to vector<16x1xi32>
        %parallel_loop3A_536 = vector.shape_cast %parallel_loop3A_535 : vector<16x1xi32> to vector<16xi32>
        %parallel_loop3A_537 = tpu.dynamic_gather %parallel_loop3A_85[%parallel_loop3A_536] in [0] : vector<16xi32>, vector<16xi32> -> vector<16xi32>
        %parallel_loop3A_538 = arith.constant 0 : i32
        %parallel_loop3A_539 = vector.broadcast %parallel_loop3A_538 : i32 to vector<16xi32>
        %parallel_loop3A_540 = arith.addi %iota3A, %parallel_loop3A_539 : vector<16xi32>
        %parallel_loop3A_541 = tpu.vector_load_idx %arg15[%parallel_loop3A_517, %parallel_loop3A_540] : memref<384x64xf32, #tpu.memory_space<vmem>>[vector<16xi32>, vector<16xi32>], vector<16xf32>,
        %parallel_loop3A_542 = tpu.vector_load_idx %arg16[%parallel_loop3A_527, %parallel_loop3A_540] : memref<64x64xf32, #tpu.memory_space<vmem>>[vector<16xi32>, vector<16xi32>], vector<16xf32>,
        %parallel_loop3A_543 = arith.addf %parallel_loop3A_541, %parallel_loop3A_542 : vector<16xf32>
        %parallel_loop3A_544 = tpu.vector_load_idx %arg17[%parallel_loop3A_537, %parallel_loop3A_540] : memref<64x64xf32, #tpu.memory_space<vmem>>[vector<16xi32>, vector<16xi32>], vector<16xf32>,
        %parallel_loop3A_545 = arith.addf %parallel_loop3A_543, %parallel_loop3A_544 : vector<16xf32>
        %parallel_loop3A_546 = arith.constant 5 : i32
        %parallel_loop3A_547 = arith.addi %parallel_loop3A_61, %parallel_loop3A_546 : i32
        %parallel_loop3A_548 = arith.index_cast %parallel_loop3A_547 : i32 to index
        %parallel_loop3A_549 = arith.constant 0 : index
        %parallel_loop3A_550 = tpu.vector_load %arg18[%parallel_loop3A_548, %parallel_loop3A_549] {strides = array<i32>} : memref<1024x64xf32, #tpu.memory_space<vmem>>, vector<16xf32>,
        tpu.vector_store %arg18[%parallel_loop3A_548, %parallel_loop3A_549], %parallel_loop3A_545 {strides = array<i32>} : memref<1024x64xf32, #tpu.memory_space<vmem>>, vector<16xf32>,
        %parallel_loop3A_551 = arith.constant 16 : i32
        %parallel_loop3A_552 = vector.broadcast %parallel_loop3A_551 : i32 to vector<16xi32>
        %parallel_loop3A_553 = arith.addi %iota3A, %parallel_loop3A_552 : vector<16xi32>
        %parallel_loop3A_554 = tpu.vector_load_idx %arg15[%parallel_loop3A_517, %parallel_loop3A_553] : memref<384x64xf32, #tpu.memory_space<vmem>>[vector<16xi32>, vector<16xi32>], vector<16xf32>,
        %parallel_loop3A_555 = tpu.vector_load_idx %arg16[%parallel_loop3A_527, %parallel_loop3A_553] : memref<64x64xf32, #tpu.memory_space<vmem>>[vector<16xi32>, vector<16xi32>], vector<16xf32>,
        %parallel_loop3A_556 = arith.addf %parallel_loop3A_554, %parallel_loop3A_555 : vector<16xf32>
        %parallel_loop3A_557 = tpu.vector_load_idx %arg17[%parallel_loop3A_537, %parallel_loop3A_553] : memref<64x64xf32, #tpu.memory_space<vmem>>[vector<16xi32>, vector<16xi32>], vector<16xf32>,
        %parallel_loop3A_558 = arith.addf %parallel_loop3A_556, %parallel_loop3A_557 : vector<16xf32>
        %parallel_loop3A_559 = arith.constant 5 : i32
        %parallel_loop3A_560 = arith.addi %parallel_loop3A_61, %parallel_loop3A_559 : i32
        %parallel_loop3A_561 = arith.index_cast %parallel_loop3A_560 : i32 to index
        %parallel_loop3A_562 = arith.constant 16 : index
        %parallel_loop3A_563 = tpu.vector_load %arg18[%parallel_loop3A_561, %parallel_loop3A_562] {strides = array<i32>} : memref<1024x64xf32, #tpu.memory_space<vmem>>, vector<16xf32>,
        tpu.vector_store %arg18[%parallel_loop3A_561, %parallel_loop3A_562], %parallel_loop3A_558 {strides = array<i32>} : memref<1024x64xf32, #tpu.memory_space<vmem>>, vector<16xf32>,
        %parallel_loop3A_564 = arith.constant 32 : i32
        %parallel_loop3A_565 = vector.broadcast %parallel_loop3A_564 : i32 to vector<16xi32>
        %parallel_loop3A_566 = arith.addi %iota3A, %parallel_loop3A_565 : vector<16xi32>
        %parallel_loop3A_567 = tpu.vector_load_idx %arg15[%parallel_loop3A_517, %parallel_loop3A_566] : memref<384x64xf32, #tpu.memory_space<vmem>>[vector<16xi32>, vector<16xi32>], vector<16xf32>,
        %parallel_loop3A_568 = tpu.vector_load_idx %arg16[%parallel_loop3A_527, %parallel_loop3A_566] : memref<64x64xf32, #tpu.memory_space<vmem>>[vector<16xi32>, vector<16xi32>], vector<16xf32>,
        %parallel_loop3A_569 = arith.addf %parallel_loop3A_567, %parallel_loop3A_568 : vector<16xf32>
        %parallel_loop3A_570 = tpu.vector_load_idx %arg17[%parallel_loop3A_537, %parallel_loop3A_566] : memref<64x64xf32, #tpu.memory_space<vmem>>[vector<16xi32>, vector<16xi32>], vector<16xf32>,
        %parallel_loop3A_571 = arith.addf %parallel_loop3A_569, %parallel_loop3A_570 : vector<16xf32>
        %parallel_loop3A_572 = arith.constant 5 : i32
        %parallel_loop3A_573 = arith.addi %parallel_loop3A_61, %parallel_loop3A_572 : i32
        %parallel_loop3A_574 = arith.index_cast %parallel_loop3A_573 : i32 to index
        %parallel_loop3A_575 = arith.constant 32 : index
        %parallel_loop3A_576 = tpu.vector_load %arg18[%parallel_loop3A_574, %parallel_loop3A_575] {strides = array<i32>} : memref<1024x64xf32, #tpu.memory_space<vmem>>, vector<16xf32>,
        tpu.vector_store %arg18[%parallel_loop3A_574, %parallel_loop3A_575], %parallel_loop3A_571 {strides = array<i32>} : memref<1024x64xf32, #tpu.memory_space<vmem>>, vector<16xf32>,
        %parallel_loop3A_577 = arith.constant 48 : i32
        %parallel_loop3A_578 = vector.broadcast %parallel_loop3A_577 : i32 to vector<16xi32>
        %parallel_loop3A_579 = arith.addi %iota3A, %parallel_loop3A_578 : vector<16xi32>
        %parallel_loop3A_580 = tpu.vector_load_idx %arg15[%parallel_loop3A_517, %parallel_loop3A_579] : memref<384x64xf32, #tpu.memory_space<vmem>>[vector<16xi32>, vector<16xi32>], vector<16xf32>,
        %parallel_loop3A_581 = tpu.vector_load_idx %arg16[%parallel_loop3A_527, %parallel_loop3A_579] : memref<64x64xf32, #tpu.memory_space<vmem>>[vector<16xi32>, vector<16xi32>], vector<16xf32>,
        %parallel_loop3A_582 = arith.addf %parallel_loop3A_580, %parallel_loop3A_581 : vector<16xf32>
        %parallel_loop3A_583 = tpu.vector_load_idx %arg17[%parallel_loop3A_537, %parallel_loop3A_579] : memref<64x64xf32, #tpu.memory_space<vmem>>[vector<16xi32>, vector<16xi32>], vector<16xf32>,
        %parallel_loop3A_584 = arith.addf %parallel_loop3A_582, %parallel_loop3A_583 : vector<16xf32>
        %parallel_loop3A_585 = arith.constant 5 : i32
        %parallel_loop3A_586 = arith.addi %parallel_loop3A_61, %parallel_loop3A_585 : i32
        %parallel_loop3A_587 = arith.index_cast %parallel_loop3A_586 : i32 to index
        %parallel_loop3A_588 = arith.constant 48 : index
        %parallel_loop3A_589 = tpu.vector_load %arg18[%parallel_loop3A_587, %parallel_loop3A_588] {strides = array<i32>} : memref<1024x64xf32, #tpu.memory_space<vmem>>, vector<16xf32>,
        tpu.vector_store %arg18[%parallel_loop3A_587, %parallel_loop3A_588], %parallel_loop3A_584 {strides = array<i32>} : memref<1024x64xf32, #tpu.memory_space<vmem>>, vector<16xf32>,
        %parallel_loop3A_590 = arith.constant 6 : i32
        %parallel_loop3A_591 = vector.broadcast %parallel_loop3A_590 : i32 to vector<16xi32>
        %parallel_loop3A_592 = arith.constant 0 : i32
        %parallel_loop3A_593 = vector.broadcast %parallel_loop3A_592 : i32 to vector<16xi32>
        %parallel_loop3A_594 = arith.cmpi slt, %parallel_loop3A_591, %parallel_loop3A_593 : vector<16xi32>
        %parallel_loop3A_595 = arith.constant 16 : i32
        %parallel_loop3A_596 = vector.broadcast %parallel_loop3A_595 : i32 to vector<16xi32>
        %parallel_loop3A_597 = arith.addi %parallel_loop3A_591, %parallel_loop3A_596 : vector<16xi32>
        %parallel_loop3A_598 = arith.select %parallel_loop3A_594, %parallel_loop3A_597, %parallel_loop3A_591 : vector<16xi1>, vector<16xi32>
        %parallel_loop3A_599 = vector.shape_cast %parallel_loop3A_598 : vector<16xi32> to vector<16x1xi32>
        %parallel_loop3A_600 = vector.shape_cast %parallel_loop3A_599 : vector<16x1xi32> to vector<16xi32>
        %parallel_loop3A_601 = tpu.dynamic_gather %parallel_loop3A_75[%parallel_loop3A_600] in [0] : vector<16xi32>, vector<16xi32> -> vector<16xi32>
        %parallel_loop3A_602 = arith.constant 0 : i32
        %parallel_loop3A_603 = vector.broadcast %parallel_loop3A_602 : i32 to vector<16xi32>
        %parallel_loop3A_604 = arith.cmpi slt, %parallel_loop3A_591, %parallel_loop3A_603 : vector<16xi32>
        %parallel_loop3A_605 = arith.constant 16 : i32
        %parallel_loop3A_606 = vector.broadcast %parallel_loop3A_605 : i32 to vector<16xi32>
        %parallel_loop3A_607 = arith.addi %parallel_loop3A_591, %parallel_loop3A_606 : vector<16xi32>
        %parallel_loop3A_608 = arith.select %parallel_loop3A_604, %parallel_loop3A_607, %parallel_loop3A_591 : vector<16xi1>, vector<16xi32>
        %parallel_loop3A_609 = vector.shape_cast %parallel_loop3A_608 : vector<16xi32> to vector<16x1xi32>
        %parallel_loop3A_610 = vector.shape_cast %parallel_loop3A_609 : vector<16x1xi32> to vector<16xi32>
        %parallel_loop3A_611 = tpu.dynamic_gather %parallel_loop3A_80[%parallel_loop3A_610] in [0] : vector<16xi32>, vector<16xi32> -> vector<16xi32>
        %parallel_loop3A_612 = arith.constant 0 : i32
        %parallel_loop3A_613 = vector.broadcast %parallel_loop3A_612 : i32 to vector<16xi32>
        %parallel_loop3A_614 = arith.cmpi slt, %parallel_loop3A_591, %parallel_loop3A_613 : vector<16xi32>
        %parallel_loop3A_615 = arith.constant 16 : i32
        %parallel_loop3A_616 = vector.broadcast %parallel_loop3A_615 : i32 to vector<16xi32>
        %parallel_loop3A_617 = arith.addi %parallel_loop3A_591, %parallel_loop3A_616 : vector<16xi32>
        %parallel_loop3A_618 = arith.select %parallel_loop3A_614, %parallel_loop3A_617, %parallel_loop3A_591 : vector<16xi1>, vector<16xi32>
        %parallel_loop3A_619 = vector.shape_cast %parallel_loop3A_618 : vector<16xi32> to vector<16x1xi32>
        %parallel_loop3A_620 = vector.shape_cast %parallel_loop3A_619 : vector<16x1xi32> to vector<16xi32>
        %parallel_loop3A_621 = tpu.dynamic_gather %parallel_loop3A_85[%parallel_loop3A_620] in [0] : vector<16xi32>, vector<16xi32> -> vector<16xi32>
        %parallel_loop3A_622 = arith.constant 0 : i32
        %parallel_loop3A_623 = vector.broadcast %parallel_loop3A_622 : i32 to vector<16xi32>
        %parallel_loop3A_624 = arith.addi %iota3A, %parallel_loop3A_623 : vector<16xi32>
        %parallel_loop3A_625 = tpu.vector_load_idx %arg15[%parallel_loop3A_601, %parallel_loop3A_624] : memref<384x64xf32, #tpu.memory_space<vmem>>[vector<16xi32>, vector<16xi32>], vector<16xf32>,
        %parallel_loop3A_626 = tpu.vector_load_idx %arg16[%parallel_loop3A_611, %parallel_loop3A_624] : memref<64x64xf32, #tpu.memory_space<vmem>>[vector<16xi32>, vector<16xi32>], vector<16xf32>,
        %parallel_loop3A_627 = arith.addf %parallel_loop3A_625, %parallel_loop3A_626 : vector<16xf32>
        %parallel_loop3A_628 = tpu.vector_load_idx %arg17[%parallel_loop3A_621, %parallel_loop3A_624] : memref<64x64xf32, #tpu.memory_space<vmem>>[vector<16xi32>, vector<16xi32>], vector<16xf32>,
        %parallel_loop3A_629 = arith.addf %parallel_loop3A_627, %parallel_loop3A_628 : vector<16xf32>
        %parallel_loop3A_630 = arith.constant 6 : i32
        %parallel_loop3A_631 = arith.addi %parallel_loop3A_61, %parallel_loop3A_630 : i32
        %parallel_loop3A_632 = arith.index_cast %parallel_loop3A_631 : i32 to index
        %parallel_loop3A_633 = arith.constant 0 : index
        %parallel_loop3A_634 = tpu.vector_load %arg18[%parallel_loop3A_632, %parallel_loop3A_633] {strides = array<i32>} : memref<1024x64xf32, #tpu.memory_space<vmem>>, vector<16xf32>,
        tpu.vector_store %arg18[%parallel_loop3A_632, %parallel_loop3A_633], %parallel_loop3A_629 {strides = array<i32>} : memref<1024x64xf32, #tpu.memory_space<vmem>>, vector<16xf32>,
        %parallel_loop3A_635 = arith.constant 16 : i32
        %parallel_loop3A_636 = vector.broadcast %parallel_loop3A_635 : i32 to vector<16xi32>
        %parallel_loop3A_637 = arith.addi %iota3A, %parallel_loop3A_636 : vector<16xi32>
        %parallel_loop3A_638 = tpu.vector_load_idx %arg15[%parallel_loop3A_601, %parallel_loop3A_637] : memref<384x64xf32, #tpu.memory_space<vmem>>[vector<16xi32>, vector<16xi32>], vector<16xf32>,
        %parallel_loop3A_639 = tpu.vector_load_idx %arg16[%parallel_loop3A_611, %parallel_loop3A_637] : memref<64x64xf32, #tpu.memory_space<vmem>>[vector<16xi32>, vector<16xi32>], vector<16xf32>,
        %parallel_loop3A_640 = arith.addf %parallel_loop3A_638, %parallel_loop3A_639 : vector<16xf32>
        %parallel_loop3A_641 = tpu.vector_load_idx %arg17[%parallel_loop3A_621, %parallel_loop3A_637] : memref<64x64xf32, #tpu.memory_space<vmem>>[vector<16xi32>, vector<16xi32>], vector<16xf32>,
        %parallel_loop3A_642 = arith.addf %parallel_loop3A_640, %parallel_loop3A_641 : vector<16xf32>
        %parallel_loop3A_643 = arith.constant 6 : i32
        %parallel_loop3A_644 = arith.addi %parallel_loop3A_61, %parallel_loop3A_643 : i32
        %parallel_loop3A_645 = arith.index_cast %parallel_loop3A_644 : i32 to index
        %parallel_loop3A_646 = arith.constant 16 : index
        %parallel_loop3A_647 = tpu.vector_load %arg18[%parallel_loop3A_645, %parallel_loop3A_646] {strides = array<i32>} : memref<1024x64xf32, #tpu.memory_space<vmem>>, vector<16xf32>,
        tpu.vector_store %arg18[%parallel_loop3A_645, %parallel_loop3A_646], %parallel_loop3A_642 {strides = array<i32>} : memref<1024x64xf32, #tpu.memory_space<vmem>>, vector<16xf32>,
        %parallel_loop3A_648 = arith.constant 32 : i32
        %parallel_loop3A_649 = vector.broadcast %parallel_loop3A_648 : i32 to vector<16xi32>
        %parallel_loop3A_650 = arith.addi %iota3A, %parallel_loop3A_649 : vector<16xi32>
        %parallel_loop3A_651 = tpu.vector_load_idx %arg15[%parallel_loop3A_601, %parallel_loop3A_650] : memref<384x64xf32, #tpu.memory_space<vmem>>[vector<16xi32>, vector<16xi32>], vector<16xf32>,
        %parallel_loop3A_652 = tpu.vector_load_idx %arg16[%parallel_loop3A_611, %parallel_loop3A_650] : memref<64x64xf32, #tpu.memory_space<vmem>>[vector<16xi32>, vector<16xi32>], vector<16xf32>,
        %parallel_loop3A_653 = arith.addf %parallel_loop3A_651, %parallel_loop3A_652 : vector<16xf32>
        %parallel_loop3A_654 = tpu.vector_load_idx %arg17[%parallel_loop3A_621, %parallel_loop3A_650] : memref<64x64xf32, #tpu.memory_space<vmem>>[vector<16xi32>, vector<16xi32>], vector<16xf32>,
        %parallel_loop3A_655 = arith.addf %parallel_loop3A_653, %parallel_loop3A_654 : vector<16xf32>
        %parallel_loop3A_656 = arith.constant 6 : i32
        %parallel_loop3A_657 = arith.addi %parallel_loop3A_61, %parallel_loop3A_656 : i32
        %parallel_loop3A_658 = arith.index_cast %parallel_loop3A_657 : i32 to index
        %parallel_loop3A_659 = arith.constant 32 : index
        %parallel_loop3A_660 = tpu.vector_load %arg18[%parallel_loop3A_658, %parallel_loop3A_659] {strides = array<i32>} : memref<1024x64xf32, #tpu.memory_space<vmem>>, vector<16xf32>,
        tpu.vector_store %arg18[%parallel_loop3A_658, %parallel_loop3A_659], %parallel_loop3A_655 {strides = array<i32>} : memref<1024x64xf32, #tpu.memory_space<vmem>>, vector<16xf32>,
        %parallel_loop3A_661 = arith.constant 48 : i32
        %parallel_loop3A_662 = vector.broadcast %parallel_loop3A_661 : i32 to vector<16xi32>
        %parallel_loop3A_663 = arith.addi %iota3A, %parallel_loop3A_662 : vector<16xi32>
        %parallel_loop3A_664 = tpu.vector_load_idx %arg15[%parallel_loop3A_601, %parallel_loop3A_663] : memref<384x64xf32, #tpu.memory_space<vmem>>[vector<16xi32>, vector<16xi32>], vector<16xf32>,
        %parallel_loop3A_665 = tpu.vector_load_idx %arg16[%parallel_loop3A_611, %parallel_loop3A_663] : memref<64x64xf32, #tpu.memory_space<vmem>>[vector<16xi32>, vector<16xi32>], vector<16xf32>,
        %parallel_loop3A_666 = arith.addf %parallel_loop3A_664, %parallel_loop3A_665 : vector<16xf32>
        %parallel_loop3A_667 = tpu.vector_load_idx %arg17[%parallel_loop3A_621, %parallel_loop3A_663] : memref<64x64xf32, #tpu.memory_space<vmem>>[vector<16xi32>, vector<16xi32>], vector<16xf32>,
        %parallel_loop3A_668 = arith.addf %parallel_loop3A_666, %parallel_loop3A_667 : vector<16xf32>
        %parallel_loop3A_669 = arith.constant 6 : i32
        %parallel_loop3A_670 = arith.addi %parallel_loop3A_61, %parallel_loop3A_669 : i32
        %parallel_loop3A_671 = arith.index_cast %parallel_loop3A_670 : i32 to index
        %parallel_loop3A_672 = arith.constant 48 : index
        %parallel_loop3A_673 = tpu.vector_load %arg18[%parallel_loop3A_671, %parallel_loop3A_672] {strides = array<i32>} : memref<1024x64xf32, #tpu.memory_space<vmem>>, vector<16xf32>,
        tpu.vector_store %arg18[%parallel_loop3A_671, %parallel_loop3A_672], %parallel_loop3A_668 {strides = array<i32>} : memref<1024x64xf32, #tpu.memory_space<vmem>>, vector<16xf32>,
        %parallel_loop3A_674 = arith.constant 7 : i32
        %parallel_loop3A_675 = vector.broadcast %parallel_loop3A_674 : i32 to vector<16xi32>
        %parallel_loop3A_676 = arith.constant 0 : i32
        %parallel_loop3A_677 = vector.broadcast %parallel_loop3A_676 : i32 to vector<16xi32>
        %parallel_loop3A_678 = arith.cmpi slt, %parallel_loop3A_675, %parallel_loop3A_677 : vector<16xi32>
        %parallel_loop3A_679 = arith.constant 16 : i32
        %parallel_loop3A_680 = vector.broadcast %parallel_loop3A_679 : i32 to vector<16xi32>
        %parallel_loop3A_681 = arith.addi %parallel_loop3A_675, %parallel_loop3A_680 : vector<16xi32>
        %parallel_loop3A_682 = arith.select %parallel_loop3A_678, %parallel_loop3A_681, %parallel_loop3A_675 : vector<16xi1>, vector<16xi32>
        %parallel_loop3A_683 = vector.shape_cast %parallel_loop3A_682 : vector<16xi32> to vector<16x1xi32>
        %parallel_loop3A_684 = vector.shape_cast %parallel_loop3A_683 : vector<16x1xi32> to vector<16xi32>
        %parallel_loop3A_685 = tpu.dynamic_gather %parallel_loop3A_75[%parallel_loop3A_684] in [0] : vector<16xi32>, vector<16xi32> -> vector<16xi32>
        %parallel_loop3A_686 = arith.constant 0 : i32
        %parallel_loop3A_687 = vector.broadcast %parallel_loop3A_686 : i32 to vector<16xi32>
        %parallel_loop3A_688 = arith.cmpi slt, %parallel_loop3A_675, %parallel_loop3A_687 : vector<16xi32>
        %parallel_loop3A_689 = arith.constant 16 : i32
        %parallel_loop3A_690 = vector.broadcast %parallel_loop3A_689 : i32 to vector<16xi32>
        %parallel_loop3A_691 = arith.addi %parallel_loop3A_675, %parallel_loop3A_690 : vector<16xi32>
        %parallel_loop3A_692 = arith.select %parallel_loop3A_688, %parallel_loop3A_691, %parallel_loop3A_675 : vector<16xi1>, vector<16xi32>
        %parallel_loop3A_693 = vector.shape_cast %parallel_loop3A_692 : vector<16xi32> to vector<16x1xi32>
        %parallel_loop3A_694 = vector.shape_cast %parallel_loop3A_693 : vector<16x1xi32> to vector<16xi32>
        %parallel_loop3A_695 = tpu.dynamic_gather %parallel_loop3A_80[%parallel_loop3A_694] in [0] : vector<16xi32>, vector<16xi32> -> vector<16xi32>
        %parallel_loop3A_696 = arith.constant 0 : i32
        %parallel_loop3A_697 = vector.broadcast %parallel_loop3A_696 : i32 to vector<16xi32>
        %parallel_loop3A_698 = arith.cmpi slt, %parallel_loop3A_675, %parallel_loop3A_697 : vector<16xi32>
        %parallel_loop3A_699 = arith.constant 16 : i32
        %parallel_loop3A_700 = vector.broadcast %parallel_loop3A_699 : i32 to vector<16xi32>
        %parallel_loop3A_701 = arith.addi %parallel_loop3A_675, %parallel_loop3A_700 : vector<16xi32>
        %parallel_loop3A_702 = arith.select %parallel_loop3A_698, %parallel_loop3A_701, %parallel_loop3A_675 : vector<16xi1>, vector<16xi32>
        %parallel_loop3A_703 = vector.shape_cast %parallel_loop3A_702 : vector<16xi32> to vector<16x1xi32>
        %parallel_loop3A_704 = vector.shape_cast %parallel_loop3A_703 : vector<16x1xi32> to vector<16xi32>
        %parallel_loop3A_705 = tpu.dynamic_gather %parallel_loop3A_85[%parallel_loop3A_704] in [0] : vector<16xi32>, vector<16xi32> -> vector<16xi32>
        %parallel_loop3A_706 = arith.constant 0 : i32
        %parallel_loop3A_707 = vector.broadcast %parallel_loop3A_706 : i32 to vector<16xi32>
        %parallel_loop3A_708 = arith.addi %iota3A, %parallel_loop3A_707 : vector<16xi32>
        %parallel_loop3A_709 = tpu.vector_load_idx %arg15[%parallel_loop3A_685, %parallel_loop3A_708] : memref<384x64xf32, #tpu.memory_space<vmem>>[vector<16xi32>, vector<16xi32>], vector<16xf32>,
        %parallel_loop3A_710 = tpu.vector_load_idx %arg16[%parallel_loop3A_695, %parallel_loop3A_708] : memref<64x64xf32, #tpu.memory_space<vmem>>[vector<16xi32>, vector<16xi32>], vector<16xf32>,
        %parallel_loop3A_711 = arith.addf %parallel_loop3A_709, %parallel_loop3A_710 : vector<16xf32>
        %parallel_loop3A_712 = tpu.vector_load_idx %arg17[%parallel_loop3A_705, %parallel_loop3A_708] : memref<64x64xf32, #tpu.memory_space<vmem>>[vector<16xi32>, vector<16xi32>], vector<16xf32>,
        %parallel_loop3A_713 = arith.addf %parallel_loop3A_711, %parallel_loop3A_712 : vector<16xf32>
        %parallel_loop3A_714 = arith.constant 7 : i32
        %parallel_loop3A_715 = arith.addi %parallel_loop3A_61, %parallel_loop3A_714 : i32
        %parallel_loop3A_716 = arith.index_cast %parallel_loop3A_715 : i32 to index
        %parallel_loop3A_717 = arith.constant 0 : index
        %parallel_loop3A_718 = tpu.vector_load %arg18[%parallel_loop3A_716, %parallel_loop3A_717] {strides = array<i32>} : memref<1024x64xf32, #tpu.memory_space<vmem>>, vector<16xf32>,
        tpu.vector_store %arg18[%parallel_loop3A_716, %parallel_loop3A_717], %parallel_loop3A_713 {strides = array<i32>} : memref<1024x64xf32, #tpu.memory_space<vmem>>, vector<16xf32>,
        %parallel_loop3A_719 = arith.constant 16 : i32
        %parallel_loop3A_720 = vector.broadcast %parallel_loop3A_719 : i32 to vector<16xi32>
        %parallel_loop3A_721 = arith.addi %iota3A, %parallel_loop3A_720 : vector<16xi32>
        %parallel_loop3A_722 = tpu.vector_load_idx %arg15[%parallel_loop3A_685, %parallel_loop3A_721] : memref<384x64xf32, #tpu.memory_space<vmem>>[vector<16xi32>, vector<16xi32>], vector<16xf32>,
        %parallel_loop3A_723 = tpu.vector_load_idx %arg16[%parallel_loop3A_695, %parallel_loop3A_721] : memref<64x64xf32, #tpu.memory_space<vmem>>[vector<16xi32>, vector<16xi32>], vector<16xf32>,
        %parallel_loop3A_724 = arith.addf %parallel_loop3A_722, %parallel_loop3A_723 : vector<16xf32>
        %parallel_loop3A_725 = tpu.vector_load_idx %arg17[%parallel_loop3A_705, %parallel_loop3A_721] : memref<64x64xf32, #tpu.memory_space<vmem>>[vector<16xi32>, vector<16xi32>], vector<16xf32>,
        %parallel_loop3A_726 = arith.addf %parallel_loop3A_724, %parallel_loop3A_725 : vector<16xf32>
        %parallel_loop3A_727 = arith.constant 7 : i32
        %parallel_loop3A_728 = arith.addi %parallel_loop3A_61, %parallel_loop3A_727 : i32
        %parallel_loop3A_729 = arith.index_cast %parallel_loop3A_728 : i32 to index
        %parallel_loop3A_730 = arith.constant 16 : index
        %parallel_loop3A_731 = tpu.vector_load %arg18[%parallel_loop3A_729, %parallel_loop3A_730] {strides = array<i32>} : memref<1024x64xf32, #tpu.memory_space<vmem>>, vector<16xf32>,
        tpu.vector_store %arg18[%parallel_loop3A_729, %parallel_loop3A_730], %parallel_loop3A_726 {strides = array<i32>} : memref<1024x64xf32, #tpu.memory_space<vmem>>, vector<16xf32>,
        %parallel_loop3A_732 = arith.constant 32 : i32
        %parallel_loop3A_733 = vector.broadcast %parallel_loop3A_732 : i32 to vector<16xi32>
        %parallel_loop3A_734 = arith.addi %iota3A, %parallel_loop3A_733 : vector<16xi32>
        %parallel_loop3A_735 = tpu.vector_load_idx %arg15[%parallel_loop3A_685, %parallel_loop3A_734] : memref<384x64xf32, #tpu.memory_space<vmem>>[vector<16xi32>, vector<16xi32>], vector<16xf32>,
        %parallel_loop3A_736 = tpu.vector_load_idx %arg16[%parallel_loop3A_695, %parallel_loop3A_734] : memref<64x64xf32, #tpu.memory_space<vmem>>[vector<16xi32>, vector<16xi32>], vector<16xf32>,
        %parallel_loop3A_737 = arith.addf %parallel_loop3A_735, %parallel_loop3A_736 : vector<16xf32>
        %parallel_loop3A_738 = tpu.vector_load_idx %arg17[%parallel_loop3A_705, %parallel_loop3A_734] : memref<64x64xf32, #tpu.memory_space<vmem>>[vector<16xi32>, vector<16xi32>], vector<16xf32>,
        %parallel_loop3A_739 = arith.addf %parallel_loop3A_737, %parallel_loop3A_738 : vector<16xf32>
        %parallel_loop3A_740 = arith.constant 7 : i32
        %parallel_loop3A_741 = arith.addi %parallel_loop3A_61, %parallel_loop3A_740 : i32
        %parallel_loop3A_742 = arith.index_cast %parallel_loop3A_741 : i32 to index
        %parallel_loop3A_743 = arith.constant 32 : index
        %parallel_loop3A_744 = tpu.vector_load %arg18[%parallel_loop3A_742, %parallel_loop3A_743] {strides = array<i32>} : memref<1024x64xf32, #tpu.memory_space<vmem>>, vector<16xf32>,
        tpu.vector_store %arg18[%parallel_loop3A_742, %parallel_loop3A_743], %parallel_loop3A_739 {strides = array<i32>} : memref<1024x64xf32, #tpu.memory_space<vmem>>, vector<16xf32>,
        %parallel_loop3A_745 = arith.constant 48 : i32
        %parallel_loop3A_746 = vector.broadcast %parallel_loop3A_745 : i32 to vector<16xi32>
        %parallel_loop3A_747 = arith.addi %iota3A, %parallel_loop3A_746 : vector<16xi32>
        %parallel_loop3A_748 = tpu.vector_load_idx %arg15[%parallel_loop3A_685, %parallel_loop3A_747] : memref<384x64xf32, #tpu.memory_space<vmem>>[vector<16xi32>, vector<16xi32>], vector<16xf32>,
        %parallel_loop3A_749 = tpu.vector_load_idx %arg16[%parallel_loop3A_695, %parallel_loop3A_747] : memref<64x64xf32, #tpu.memory_space<vmem>>[vector<16xi32>, vector<16xi32>], vector<16xf32>,
        %parallel_loop3A_750 = arith.addf %parallel_loop3A_748, %parallel_loop3A_749 : vector<16xf32>
        %parallel_loop3A_751 = tpu.vector_load_idx %arg17[%parallel_loop3A_705, %parallel_loop3A_747] : memref<64x64xf32, #tpu.memory_space<vmem>>[vector<16xi32>, vector<16xi32>], vector<16xf32>,
        %parallel_loop3A_752 = arith.addf %parallel_loop3A_750, %parallel_loop3A_751 : vector<16xf32>
        %parallel_loop3A_753 = arith.constant 7 : i32
        %parallel_loop3A_754 = arith.addi %parallel_loop3A_61, %parallel_loop3A_753 : i32
        %parallel_loop3A_755 = arith.index_cast %parallel_loop3A_754 : i32 to index
        %parallel_loop3A_756 = arith.constant 48 : index
        %parallel_loop3A_757 = tpu.vector_load %arg18[%parallel_loop3A_755, %parallel_loop3A_756] {strides = array<i32>} : memref<1024x64xf32, #tpu.memory_space<vmem>>, vector<16xf32>,
        tpu.vector_store %arg18[%parallel_loop3A_755, %parallel_loop3A_756], %parallel_loop3A_752 {strides = array<i32>} : memref<1024x64xf32, #tpu.memory_space<vmem>>, vector<16xf32>,
        %parallel_loop3A_758 = arith.constant 8 : i32
        %parallel_loop3A_759 = vector.broadcast %parallel_loop3A_758 : i32 to vector<16xi32>
        %parallel_loop3A_760 = arith.constant 0 : i32
        %parallel_loop3A_761 = vector.broadcast %parallel_loop3A_760 : i32 to vector<16xi32>
        %parallel_loop3A_762 = arith.cmpi slt, %parallel_loop3A_759, %parallel_loop3A_761 : vector<16xi32>
        %parallel_loop3A_763 = arith.constant 16 : i32
        %parallel_loop3A_764 = vector.broadcast %parallel_loop3A_763 : i32 to vector<16xi32>
        %parallel_loop3A_765 = arith.addi %parallel_loop3A_759, %parallel_loop3A_764 : vector<16xi32>
        %parallel_loop3A_766 = arith.select %parallel_loop3A_762, %parallel_loop3A_765, %parallel_loop3A_759 : vector<16xi1>, vector<16xi32>
        %parallel_loop3A_767 = vector.shape_cast %parallel_loop3A_766 : vector<16xi32> to vector<16x1xi32>
        %parallel_loop3A_768 = vector.shape_cast %parallel_loop3A_767 : vector<16x1xi32> to vector<16xi32>
        %parallel_loop3A_769 = tpu.dynamic_gather %parallel_loop3A_75[%parallel_loop3A_768] in [0] : vector<16xi32>, vector<16xi32> -> vector<16xi32>
        %parallel_loop3A_770 = arith.constant 0 : i32
        %parallel_loop3A_771 = vector.broadcast %parallel_loop3A_770 : i32 to vector<16xi32>
        %parallel_loop3A_772 = arith.cmpi slt, %parallel_loop3A_759, %parallel_loop3A_771 : vector<16xi32>
        %parallel_loop3A_773 = arith.constant 16 : i32
        %parallel_loop3A_774 = vector.broadcast %parallel_loop3A_773 : i32 to vector<16xi32>
        %parallel_loop3A_775 = arith.addi %parallel_loop3A_759, %parallel_loop3A_774 : vector<16xi32>
        %parallel_loop3A_776 = arith.select %parallel_loop3A_772, %parallel_loop3A_775, %parallel_loop3A_759 : vector<16xi1>, vector<16xi32>
        %parallel_loop3A_777 = vector.shape_cast %parallel_loop3A_776 : vector<16xi32> to vector<16x1xi32>
        %parallel_loop3A_778 = vector.shape_cast %parallel_loop3A_777 : vector<16x1xi32> to vector<16xi32>
        %parallel_loop3A_779 = tpu.dynamic_gather %parallel_loop3A_80[%parallel_loop3A_778] in [0] : vector<16xi32>, vector<16xi32> -> vector<16xi32>
        %parallel_loop3A_780 = arith.constant 0 : i32
        %parallel_loop3A_781 = vector.broadcast %parallel_loop3A_780 : i32 to vector<16xi32>
        %parallel_loop3A_782 = arith.cmpi slt, %parallel_loop3A_759, %parallel_loop3A_781 : vector<16xi32>
        %parallel_loop3A_783 = arith.constant 16 : i32
        %parallel_loop3A_784 = vector.broadcast %parallel_loop3A_783 : i32 to vector<16xi32>
        %parallel_loop3A_785 = arith.addi %parallel_loop3A_759, %parallel_loop3A_784 : vector<16xi32>
        %parallel_loop3A_786 = arith.select %parallel_loop3A_782, %parallel_loop3A_785, %parallel_loop3A_759 : vector<16xi1>, vector<16xi32>
        %parallel_loop3A_787 = vector.shape_cast %parallel_loop3A_786 : vector<16xi32> to vector<16x1xi32>
        %parallel_loop3A_788 = vector.shape_cast %parallel_loop3A_787 : vector<16x1xi32> to vector<16xi32>
        %parallel_loop3A_789 = tpu.dynamic_gather %parallel_loop3A_85[%parallel_loop3A_788] in [0] : vector<16xi32>, vector<16xi32> -> vector<16xi32>
        %parallel_loop3A_790 = arith.constant 0 : i32
        %parallel_loop3A_791 = vector.broadcast %parallel_loop3A_790 : i32 to vector<16xi32>
        %parallel_loop3A_792 = arith.addi %iota3A, %parallel_loop3A_791 : vector<16xi32>
        %parallel_loop3A_793 = tpu.vector_load_idx %arg15[%parallel_loop3A_769, %parallel_loop3A_792] : memref<384x64xf32, #tpu.memory_space<vmem>>[vector<16xi32>, vector<16xi32>], vector<16xf32>,
        %parallel_loop3A_794 = tpu.vector_load_idx %arg16[%parallel_loop3A_779, %parallel_loop3A_792] : memref<64x64xf32, #tpu.memory_space<vmem>>[vector<16xi32>, vector<16xi32>], vector<16xf32>,
        %parallel_loop3A_795 = arith.addf %parallel_loop3A_793, %parallel_loop3A_794 : vector<16xf32>
        %parallel_loop3A_796 = tpu.vector_load_idx %arg17[%parallel_loop3A_789, %parallel_loop3A_792] : memref<64x64xf32, #tpu.memory_space<vmem>>[vector<16xi32>, vector<16xi32>], vector<16xf32>,
        %parallel_loop3A_797 = arith.addf %parallel_loop3A_795, %parallel_loop3A_796 : vector<16xf32>
        %parallel_loop3A_798 = arith.constant 8 : i32
        %parallel_loop3A_799 = arith.addi %parallel_loop3A_61, %parallel_loop3A_798 : i32
        %parallel_loop3A_800 = arith.index_cast %parallel_loop3A_799 : i32 to index
        %parallel_loop3A_801 = arith.constant 0 : index
        %parallel_loop3A_802 = tpu.vector_load %arg18[%parallel_loop3A_800, %parallel_loop3A_801] {strides = array<i32>} : memref<1024x64xf32, #tpu.memory_space<vmem>>, vector<16xf32>,
        tpu.vector_store %arg18[%parallel_loop3A_800, %parallel_loop3A_801], %parallel_loop3A_797 {strides = array<i32>} : memref<1024x64xf32, #tpu.memory_space<vmem>>, vector<16xf32>,
        %parallel_loop3A_803 = arith.constant 16 : i32
        %parallel_loop3A_804 = vector.broadcast %parallel_loop3A_803 : i32 to vector<16xi32>
        %parallel_loop3A_805 = arith.addi %iota3A, %parallel_loop3A_804 : vector<16xi32>
        %parallel_loop3A_806 = tpu.vector_load_idx %arg15[%parallel_loop3A_769, %parallel_loop3A_805] : memref<384x64xf32, #tpu.memory_space<vmem>>[vector<16xi32>, vector<16xi32>], vector<16xf32>,
        %parallel_loop3A_807 = tpu.vector_load_idx %arg16[%parallel_loop3A_779, %parallel_loop3A_805] : memref<64x64xf32, #tpu.memory_space<vmem>>[vector<16xi32>, vector<16xi32>], vector<16xf32>,
        %parallel_loop3A_808 = arith.addf %parallel_loop3A_806, %parallel_loop3A_807 : vector<16xf32>
        %parallel_loop3A_809 = tpu.vector_load_idx %arg17[%parallel_loop3A_789, %parallel_loop3A_805] : memref<64x64xf32, #tpu.memory_space<vmem>>[vector<16xi32>, vector<16xi32>], vector<16xf32>,
        %parallel_loop3A_810 = arith.addf %parallel_loop3A_808, %parallel_loop3A_809 : vector<16xf32>
        %parallel_loop3A_811 = arith.constant 8 : i32
        %parallel_loop3A_812 = arith.addi %parallel_loop3A_61, %parallel_loop3A_811 : i32
        %parallel_loop3A_813 = arith.index_cast %parallel_loop3A_812 : i32 to index
        %parallel_loop3A_814 = arith.constant 16 : index
        %parallel_loop3A_815 = tpu.vector_load %arg18[%parallel_loop3A_813, %parallel_loop3A_814] {strides = array<i32>} : memref<1024x64xf32, #tpu.memory_space<vmem>>, vector<16xf32>,
        tpu.vector_store %arg18[%parallel_loop3A_813, %parallel_loop3A_814], %parallel_loop3A_810 {strides = array<i32>} : memref<1024x64xf32, #tpu.memory_space<vmem>>, vector<16xf32>,
        %parallel_loop3A_816 = arith.constant 32 : i32
        %parallel_loop3A_817 = vector.broadcast %parallel_loop3A_816 : i32 to vector<16xi32>
        %parallel_loop3A_818 = arith.addi %iota3A, %parallel_loop3A_817 : vector<16xi32>
        %parallel_loop3A_819 = tpu.vector_load_idx %arg15[%parallel_loop3A_769, %parallel_loop3A_818] : memref<384x64xf32, #tpu.memory_space<vmem>>[vector<16xi32>, vector<16xi32>], vector<16xf32>,
        %parallel_loop3A_820 = tpu.vector_load_idx %arg16[%parallel_loop3A_779, %parallel_loop3A_818] : memref<64x64xf32, #tpu.memory_space<vmem>>[vector<16xi32>, vector<16xi32>], vector<16xf32>,
        %parallel_loop3A_821 = arith.addf %parallel_loop3A_819, %parallel_loop3A_820 : vector<16xf32>
        %parallel_loop3A_822 = tpu.vector_load_idx %arg17[%parallel_loop3A_789, %parallel_loop3A_818] : memref<64x64xf32, #tpu.memory_space<vmem>>[vector<16xi32>, vector<16xi32>], vector<16xf32>,
        %parallel_loop3A_823 = arith.addf %parallel_loop3A_821, %parallel_loop3A_822 : vector<16xf32>
        %parallel_loop3A_824 = arith.constant 8 : i32
        %parallel_loop3A_825 = arith.addi %parallel_loop3A_61, %parallel_loop3A_824 : i32
        %parallel_loop3A_826 = arith.index_cast %parallel_loop3A_825 : i32 to index
        %parallel_loop3A_827 = arith.constant 32 : index
        %parallel_loop3A_828 = tpu.vector_load %arg18[%parallel_loop3A_826, %parallel_loop3A_827] {strides = array<i32>} : memref<1024x64xf32, #tpu.memory_space<vmem>>, vector<16xf32>,
        tpu.vector_store %arg18[%parallel_loop3A_826, %parallel_loop3A_827], %parallel_loop3A_823 {strides = array<i32>} : memref<1024x64xf32, #tpu.memory_space<vmem>>, vector<16xf32>,
        %parallel_loop3A_829 = arith.constant 48 : i32
        %parallel_loop3A_830 = vector.broadcast %parallel_loop3A_829 : i32 to vector<16xi32>
        %parallel_loop3A_831 = arith.addi %iota3A, %parallel_loop3A_830 : vector<16xi32>
        %parallel_loop3A_832 = tpu.vector_load_idx %arg15[%parallel_loop3A_769, %parallel_loop3A_831] : memref<384x64xf32, #tpu.memory_space<vmem>>[vector<16xi32>, vector<16xi32>], vector<16xf32>,
        %parallel_loop3A_833 = tpu.vector_load_idx %arg16[%parallel_loop3A_779, %parallel_loop3A_831] : memref<64x64xf32, #tpu.memory_space<vmem>>[vector<16xi32>, vector<16xi32>], vector<16xf32>,
        %parallel_loop3A_834 = arith.addf %parallel_loop3A_832, %parallel_loop3A_833 : vector<16xf32>
        %parallel_loop3A_835 = tpu.vector_load_idx %arg17[%parallel_loop3A_789, %parallel_loop3A_831] : memref<64x64xf32, #tpu.memory_space<vmem>>[vector<16xi32>, vector<16xi32>], vector<16xf32>,
        %parallel_loop3A_836 = arith.addf %parallel_loop3A_834, %parallel_loop3A_835 : vector<16xf32>
        %parallel_loop3A_837 = arith.constant 8 : i32
        %parallel_loop3A_838 = arith.addi %parallel_loop3A_61, %parallel_loop3A_837 : i32
        %parallel_loop3A_839 = arith.index_cast %parallel_loop3A_838 : i32 to index
        %parallel_loop3A_840 = arith.constant 48 : index
        %parallel_loop3A_841 = tpu.vector_load %arg18[%parallel_loop3A_839, %parallel_loop3A_840] {strides = array<i32>} : memref<1024x64xf32, #tpu.memory_space<vmem>>, vector<16xf32>,
        tpu.vector_store %arg18[%parallel_loop3A_839, %parallel_loop3A_840], %parallel_loop3A_836 {strides = array<i32>} : memref<1024x64xf32, #tpu.memory_space<vmem>>, vector<16xf32>,
        %parallel_loop3A_842 = arith.constant 9 : i32
        %parallel_loop3A_843 = vector.broadcast %parallel_loop3A_842 : i32 to vector<16xi32>
        %parallel_loop3A_844 = arith.constant 0 : i32
        %parallel_loop3A_845 = vector.broadcast %parallel_loop3A_844 : i32 to vector<16xi32>
        %parallel_loop3A_846 = arith.cmpi slt, %parallel_loop3A_843, %parallel_loop3A_845 : vector<16xi32>
        %parallel_loop3A_847 = arith.constant 16 : i32
        %parallel_loop3A_848 = vector.broadcast %parallel_loop3A_847 : i32 to vector<16xi32>
        %parallel_loop3A_849 = arith.addi %parallel_loop3A_843, %parallel_loop3A_848 : vector<16xi32>
        %parallel_loop3A_850 = arith.select %parallel_loop3A_846, %parallel_loop3A_849, %parallel_loop3A_843 : vector<16xi1>, vector<16xi32>
        %parallel_loop3A_851 = vector.shape_cast %parallel_loop3A_850 : vector<16xi32> to vector<16x1xi32>
        %parallel_loop3A_852 = vector.shape_cast %parallel_loop3A_851 : vector<16x1xi32> to vector<16xi32>
        %parallel_loop3A_853 = tpu.dynamic_gather %parallel_loop3A_75[%parallel_loop3A_852] in [0] : vector<16xi32>, vector<16xi32> -> vector<16xi32>
        %parallel_loop3A_854 = arith.constant 0 : i32
        %parallel_loop3A_855 = vector.broadcast %parallel_loop3A_854 : i32 to vector<16xi32>
        %parallel_loop3A_856 = arith.cmpi slt, %parallel_loop3A_843, %parallel_loop3A_855 : vector<16xi32>
        %parallel_loop3A_857 = arith.constant 16 : i32
        %parallel_loop3A_858 = vector.broadcast %parallel_loop3A_857 : i32 to vector<16xi32>
        %parallel_loop3A_859 = arith.addi %parallel_loop3A_843, %parallel_loop3A_858 : vector<16xi32>
        %parallel_loop3A_860 = arith.select %parallel_loop3A_856, %parallel_loop3A_859, %parallel_loop3A_843 : vector<16xi1>, vector<16xi32>
        %parallel_loop3A_861 = vector.shape_cast %parallel_loop3A_860 : vector<16xi32> to vector<16x1xi32>
        %parallel_loop3A_862 = vector.shape_cast %parallel_loop3A_861 : vector<16x1xi32> to vector<16xi32>
        %parallel_loop3A_863 = tpu.dynamic_gather %parallel_loop3A_80[%parallel_loop3A_862] in [0] : vector<16xi32>, vector<16xi32> -> vector<16xi32>
        %parallel_loop3A_864 = arith.constant 0 : i32
        %parallel_loop3A_865 = vector.broadcast %parallel_loop3A_864 : i32 to vector<16xi32>
        %parallel_loop3A_866 = arith.cmpi slt, %parallel_loop3A_843, %parallel_loop3A_865 : vector<16xi32>
        %parallel_loop3A_867 = arith.constant 16 : i32
        %parallel_loop3A_868 = vector.broadcast %parallel_loop3A_867 : i32 to vector<16xi32>
        %parallel_loop3A_869 = arith.addi %parallel_loop3A_843, %parallel_loop3A_868 : vector<16xi32>
        %parallel_loop3A_870 = arith.select %parallel_loop3A_866, %parallel_loop3A_869, %parallel_loop3A_843 : vector<16xi1>, vector<16xi32>
        %parallel_loop3A_871 = vector.shape_cast %parallel_loop3A_870 : vector<16xi32> to vector<16x1xi32>
        %parallel_loop3A_872 = vector.shape_cast %parallel_loop3A_871 : vector<16x1xi32> to vector<16xi32>
        %parallel_loop3A_873 = tpu.dynamic_gather %parallel_loop3A_85[%parallel_loop3A_872] in [0] : vector<16xi32>, vector<16xi32> -> vector<16xi32>
        %parallel_loop3A_874 = arith.constant 0 : i32
        %parallel_loop3A_875 = vector.broadcast %parallel_loop3A_874 : i32 to vector<16xi32>
        %parallel_loop3A_876 = arith.addi %iota3A, %parallel_loop3A_875 : vector<16xi32>
        %parallel_loop3A_877 = tpu.vector_load_idx %arg15[%parallel_loop3A_853, %parallel_loop3A_876] : memref<384x64xf32, #tpu.memory_space<vmem>>[vector<16xi32>, vector<16xi32>], vector<16xf32>,
        %parallel_loop3A_878 = tpu.vector_load_idx %arg16[%parallel_loop3A_863, %parallel_loop3A_876] : memref<64x64xf32, #tpu.memory_space<vmem>>[vector<16xi32>, vector<16xi32>], vector<16xf32>,
        %parallel_loop3A_879 = arith.addf %parallel_loop3A_877, %parallel_loop3A_878 : vector<16xf32>
        %parallel_loop3A_880 = tpu.vector_load_idx %arg17[%parallel_loop3A_873, %parallel_loop3A_876] : memref<64x64xf32, #tpu.memory_space<vmem>>[vector<16xi32>, vector<16xi32>], vector<16xf32>,
        %parallel_loop3A_881 = arith.addf %parallel_loop3A_879, %parallel_loop3A_880 : vector<16xf32>
        %parallel_loop3A_882 = arith.constant 9 : i32
        %parallel_loop3A_883 = arith.addi %parallel_loop3A_61, %parallel_loop3A_882 : i32
        %parallel_loop3A_884 = arith.index_cast %parallel_loop3A_883 : i32 to index
        %parallel_loop3A_885 = arith.constant 0 : index
        %parallel_loop3A_886 = tpu.vector_load %arg18[%parallel_loop3A_884, %parallel_loop3A_885] {strides = array<i32>} : memref<1024x64xf32, #tpu.memory_space<vmem>>, vector<16xf32>,
        tpu.vector_store %arg18[%parallel_loop3A_884, %parallel_loop3A_885], %parallel_loop3A_881 {strides = array<i32>} : memref<1024x64xf32, #tpu.memory_space<vmem>>, vector<16xf32>,
        %parallel_loop3A_887 = arith.constant 16 : i32
        %parallel_loop3A_888 = vector.broadcast %parallel_loop3A_887 : i32 to vector<16xi32>
        %parallel_loop3A_889 = arith.addi %iota3A, %parallel_loop3A_888 : vector<16xi32>
        %parallel_loop3A_890 = tpu.vector_load_idx %arg15[%parallel_loop3A_853, %parallel_loop3A_889] : memref<384x64xf32, #tpu.memory_space<vmem>>[vector<16xi32>, vector<16xi32>], vector<16xf32>,
        %parallel_loop3A_891 = tpu.vector_load_idx %arg16[%parallel_loop3A_863, %parallel_loop3A_889] : memref<64x64xf32, #tpu.memory_space<vmem>>[vector<16xi32>, vector<16xi32>], vector<16xf32>,
        %parallel_loop3A_892 = arith.addf %parallel_loop3A_890, %parallel_loop3A_891 : vector<16xf32>
        %parallel_loop3A_893 = tpu.vector_load_idx %arg17[%parallel_loop3A_873, %parallel_loop3A_889] : memref<64x64xf32, #tpu.memory_space<vmem>>[vector<16xi32>, vector<16xi32>], vector<16xf32>,
        %parallel_loop3A_894 = arith.addf %parallel_loop3A_892, %parallel_loop3A_893 : vector<16xf32>
        %parallel_loop3A_895 = arith.constant 9 : i32
        %parallel_loop3A_896 = arith.addi %parallel_loop3A_61, %parallel_loop3A_895 : i32
        %parallel_loop3A_897 = arith.index_cast %parallel_loop3A_896 : i32 to index
        %parallel_loop3A_898 = arith.constant 16 : index
        %parallel_loop3A_899 = tpu.vector_load %arg18[%parallel_loop3A_897, %parallel_loop3A_898] {strides = array<i32>} : memref<1024x64xf32, #tpu.memory_space<vmem>>, vector<16xf32>,
        tpu.vector_store %arg18[%parallel_loop3A_897, %parallel_loop3A_898], %parallel_loop3A_894 {strides = array<i32>} : memref<1024x64xf32, #tpu.memory_space<vmem>>, vector<16xf32>,
        %parallel_loop3A_900 = arith.constant 32 : i32
        %parallel_loop3A_901 = vector.broadcast %parallel_loop3A_900 : i32 to vector<16xi32>
        %parallel_loop3A_902 = arith.addi %iota3A, %parallel_loop3A_901 : vector<16xi32>
        %parallel_loop3A_903 = tpu.vector_load_idx %arg15[%parallel_loop3A_853, %parallel_loop3A_902] : memref<384x64xf32, #tpu.memory_space<vmem>>[vector<16xi32>, vector<16xi32>], vector<16xf32>,
        %parallel_loop3A_904 = tpu.vector_load_idx %arg16[%parallel_loop3A_863, %parallel_loop3A_902] : memref<64x64xf32, #tpu.memory_space<vmem>>[vector<16xi32>, vector<16xi32>], vector<16xf32>,
        %parallel_loop3A_905 = arith.addf %parallel_loop3A_903, %parallel_loop3A_904 : vector<16xf32>
        %parallel_loop3A_906 = tpu.vector_load_idx %arg17[%parallel_loop3A_873, %parallel_loop3A_902] : memref<64x64xf32, #tpu.memory_space<vmem>>[vector<16xi32>, vector<16xi32>], vector<16xf32>,
        %parallel_loop3A_907 = arith.addf %parallel_loop3A_905, %parallel_loop3A_906 : vector<16xf32>
        %parallel_loop3A_908 = arith.constant 9 : i32
        %parallel_loop3A_909 = arith.addi %parallel_loop3A_61, %parallel_loop3A_908 : i32
        %parallel_loop3A_910 = arith.index_cast %parallel_loop3A_909 : i32 to index
        %parallel_loop3A_911 = arith.constant 32 : index
        %parallel_loop3A_912 = tpu.vector_load %arg18[%parallel_loop3A_910, %parallel_loop3A_911] {strides = array<i32>} : memref<1024x64xf32, #tpu.memory_space<vmem>>, vector<16xf32>,
        tpu.vector_store %arg18[%parallel_loop3A_910, %parallel_loop3A_911], %parallel_loop3A_907 {strides = array<i32>} : memref<1024x64xf32, #tpu.memory_space<vmem>>, vector<16xf32>,
        %parallel_loop3A_913 = arith.constant 48 : i32
        %parallel_loop3A_914 = vector.broadcast %parallel_loop3A_913 : i32 to vector<16xi32>
        %parallel_loop3A_915 = arith.addi %iota3A, %parallel_loop3A_914 : vector<16xi32>
        %parallel_loop3A_916 = tpu.vector_load_idx %arg15[%parallel_loop3A_853, %parallel_loop3A_915] : memref<384x64xf32, #tpu.memory_space<vmem>>[vector<16xi32>, vector<16xi32>], vector<16xf32>,
        %parallel_loop3A_917 = tpu.vector_load_idx %arg16[%parallel_loop3A_863, %parallel_loop3A_915] : memref<64x64xf32, #tpu.memory_space<vmem>>[vector<16xi32>, vector<16xi32>], vector<16xf32>,
        %parallel_loop3A_918 = arith.addf %parallel_loop3A_916, %parallel_loop3A_917 : vector<16xf32>
        %parallel_loop3A_919 = tpu.vector_load_idx %arg17[%parallel_loop3A_873, %parallel_loop3A_915] : memref<64x64xf32, #tpu.memory_space<vmem>>[vector<16xi32>, vector<16xi32>], vector<16xf32>,
        %parallel_loop3A_920 = arith.addf %parallel_loop3A_918, %parallel_loop3A_919 : vector<16xf32>
        %parallel_loop3A_921 = arith.constant 9 : i32
        %parallel_loop3A_922 = arith.addi %parallel_loop3A_61, %parallel_loop3A_921 : i32
        %parallel_loop3A_923 = arith.index_cast %parallel_loop3A_922 : i32 to index
        %parallel_loop3A_924 = arith.constant 48 : index
        %parallel_loop3A_925 = tpu.vector_load %arg18[%parallel_loop3A_923, %parallel_loop3A_924] {strides = array<i32>} : memref<1024x64xf32, #tpu.memory_space<vmem>>, vector<16xf32>,
        tpu.vector_store %arg18[%parallel_loop3A_923, %parallel_loop3A_924], %parallel_loop3A_920 {strides = array<i32>} : memref<1024x64xf32, #tpu.memory_space<vmem>>, vector<16xf32>,
        %parallel_loop3A_926 = arith.constant 10 : i32
        %parallel_loop3A_927 = vector.broadcast %parallel_loop3A_926 : i32 to vector<16xi32>
        %parallel_loop3A_928 = arith.constant 0 : i32
        %parallel_loop3A_929 = vector.broadcast %parallel_loop3A_928 : i32 to vector<16xi32>
        %parallel_loop3A_930 = arith.cmpi slt, %parallel_loop3A_927, %parallel_loop3A_929 : vector<16xi32>
        %parallel_loop3A_931 = arith.constant 16 : i32
        %parallel_loop3A_932 = vector.broadcast %parallel_loop3A_931 : i32 to vector<16xi32>
        %parallel_loop3A_933 = arith.addi %parallel_loop3A_927, %parallel_loop3A_932 : vector<16xi32>
        %parallel_loop3A_934 = arith.select %parallel_loop3A_930, %parallel_loop3A_933, %parallel_loop3A_927 : vector<16xi1>, vector<16xi32>
        %parallel_loop3A_935 = vector.shape_cast %parallel_loop3A_934 : vector<16xi32> to vector<16x1xi32>
        %parallel_loop3A_936 = vector.shape_cast %parallel_loop3A_935 : vector<16x1xi32> to vector<16xi32>
        %parallel_loop3A_937 = tpu.dynamic_gather %parallel_loop3A_75[%parallel_loop3A_936] in [0] : vector<16xi32>, vector<16xi32> -> vector<16xi32>
        %parallel_loop3A_938 = arith.constant 0 : i32
        %parallel_loop3A_939 = vector.broadcast %parallel_loop3A_938 : i32 to vector<16xi32>
        %parallel_loop3A_940 = arith.cmpi slt, %parallel_loop3A_927, %parallel_loop3A_939 : vector<16xi32>
        %parallel_loop3A_941 = arith.constant 16 : i32
        %parallel_loop3A_942 = vector.broadcast %parallel_loop3A_941 : i32 to vector<16xi32>
        %parallel_loop3A_943 = arith.addi %parallel_loop3A_927, %parallel_loop3A_942 : vector<16xi32>
        %parallel_loop3A_944 = arith.select %parallel_loop3A_940, %parallel_loop3A_943, %parallel_loop3A_927 : vector<16xi1>, vector<16xi32>
        %parallel_loop3A_945 = vector.shape_cast %parallel_loop3A_944 : vector<16xi32> to vector<16x1xi32>
        %parallel_loop3A_946 = vector.shape_cast %parallel_loop3A_945 : vector<16x1xi32> to vector<16xi32>
        %parallel_loop3A_947 = tpu.dynamic_gather %parallel_loop3A_80[%parallel_loop3A_946] in [0] : vector<16xi32>, vector<16xi32> -> vector<16xi32>
        %parallel_loop3A_948 = arith.constant 0 : i32
        %parallel_loop3A_949 = vector.broadcast %parallel_loop3A_948 : i32 to vector<16xi32>
        %parallel_loop3A_950 = arith.cmpi slt, %parallel_loop3A_927, %parallel_loop3A_949 : vector<16xi32>
        %parallel_loop3A_951 = arith.constant 16 : i32
        %parallel_loop3A_952 = vector.broadcast %parallel_loop3A_951 : i32 to vector<16xi32>
        %parallel_loop3A_953 = arith.addi %parallel_loop3A_927, %parallel_loop3A_952 : vector<16xi32>
        %parallel_loop3A_954 = arith.select %parallel_loop3A_950, %parallel_loop3A_953, %parallel_loop3A_927 : vector<16xi1>, vector<16xi32>
        %parallel_loop3A_955 = vector.shape_cast %parallel_loop3A_954 : vector<16xi32> to vector<16x1xi32>
        %parallel_loop3A_956 = vector.shape_cast %parallel_loop3A_955 : vector<16x1xi32> to vector<16xi32>
        %parallel_loop3A_957 = tpu.dynamic_gather %parallel_loop3A_85[%parallel_loop3A_956] in [0] : vector<16xi32>, vector<16xi32> -> vector<16xi32>
        %parallel_loop3A_958 = arith.constant 0 : i32
        %parallel_loop3A_959 = vector.broadcast %parallel_loop3A_958 : i32 to vector<16xi32>
        %parallel_loop3A_960 = arith.addi %iota3A, %parallel_loop3A_959 : vector<16xi32>
        %parallel_loop3A_961 = tpu.vector_load_idx %arg15[%parallel_loop3A_937, %parallel_loop3A_960] : memref<384x64xf32, #tpu.memory_space<vmem>>[vector<16xi32>, vector<16xi32>], vector<16xf32>,
        %parallel_loop3A_962 = tpu.vector_load_idx %arg16[%parallel_loop3A_947, %parallel_loop3A_960] : memref<64x64xf32, #tpu.memory_space<vmem>>[vector<16xi32>, vector<16xi32>], vector<16xf32>,
        %parallel_loop3A_963 = arith.addf %parallel_loop3A_961, %parallel_loop3A_962 : vector<16xf32>
        %parallel_loop3A_964 = tpu.vector_load_idx %arg17[%parallel_loop3A_957, %parallel_loop3A_960] : memref<64x64xf32, #tpu.memory_space<vmem>>[vector<16xi32>, vector<16xi32>], vector<16xf32>,
        %parallel_loop3A_965 = arith.addf %parallel_loop3A_963, %parallel_loop3A_964 : vector<16xf32>
        %parallel_loop3A_966 = arith.constant 10 : i32
        %parallel_loop3A_967 = arith.addi %parallel_loop3A_61, %parallel_loop3A_966 : i32
        %parallel_loop3A_968 = arith.index_cast %parallel_loop3A_967 : i32 to index
        %parallel_loop3A_969 = arith.constant 0 : index
        %parallel_loop3A_970 = tpu.vector_load %arg18[%parallel_loop3A_968, %parallel_loop3A_969] {strides = array<i32>} : memref<1024x64xf32, #tpu.memory_space<vmem>>, vector<16xf32>,
        tpu.vector_store %arg18[%parallel_loop3A_968, %parallel_loop3A_969], %parallel_loop3A_965 {strides = array<i32>} : memref<1024x64xf32, #tpu.memory_space<vmem>>, vector<16xf32>,
        %parallel_loop3A_971 = arith.constant 16 : i32
        %parallel_loop3A_972 = vector.broadcast %parallel_loop3A_971 : i32 to vector<16xi32>
        %parallel_loop3A_973 = arith.addi %iota3A, %parallel_loop3A_972 : vector<16xi32>
        %parallel_loop3A_974 = tpu.vector_load_idx %arg15[%parallel_loop3A_937, %parallel_loop3A_973] : memref<384x64xf32, #tpu.memory_space<vmem>>[vector<16xi32>, vector<16xi32>], vector<16xf32>,
        %parallel_loop3A_975 = tpu.vector_load_idx %arg16[%parallel_loop3A_947, %parallel_loop3A_973] : memref<64x64xf32, #tpu.memory_space<vmem>>[vector<16xi32>, vector<16xi32>], vector<16xf32>,
        %parallel_loop3A_976 = arith.addf %parallel_loop3A_974, %parallel_loop3A_975 : vector<16xf32>
        %parallel_loop3A_977 = tpu.vector_load_idx %arg17[%parallel_loop3A_957, %parallel_loop3A_973] : memref<64x64xf32, #tpu.memory_space<vmem>>[vector<16xi32>, vector<16xi32>], vector<16xf32>,
        %parallel_loop3A_978 = arith.addf %parallel_loop3A_976, %parallel_loop3A_977 : vector<16xf32>
        %parallel_loop3A_979 = arith.constant 10 : i32
        %parallel_loop3A_980 = arith.addi %parallel_loop3A_61, %parallel_loop3A_979 : i32
        %parallel_loop3A_981 = arith.index_cast %parallel_loop3A_980 : i32 to index
        %parallel_loop3A_982 = arith.constant 16 : index
        %parallel_loop3A_983 = tpu.vector_load %arg18[%parallel_loop3A_981, %parallel_loop3A_982] {strides = array<i32>} : memref<1024x64xf32, #tpu.memory_space<vmem>>, vector<16xf32>,
        tpu.vector_store %arg18[%parallel_loop3A_981, %parallel_loop3A_982], %parallel_loop3A_978 {strides = array<i32>} : memref<1024x64xf32, #tpu.memory_space<vmem>>, vector<16xf32>,
        %parallel_loop3A_984 = arith.constant 32 : i32
        %parallel_loop3A_985 = vector.broadcast %parallel_loop3A_984 : i32 to vector<16xi32>
        %parallel_loop3A_986 = arith.addi %iota3A, %parallel_loop3A_985 : vector<16xi32>
        %parallel_loop3A_987 = tpu.vector_load_idx %arg15[%parallel_loop3A_937, %parallel_loop3A_986] : memref<384x64xf32, #tpu.memory_space<vmem>>[vector<16xi32>, vector<16xi32>], vector<16xf32>,
        %parallel_loop3A_988 = tpu.vector_load_idx %arg16[%parallel_loop3A_947, %parallel_loop3A_986] : memref<64x64xf32, #tpu.memory_space<vmem>>[vector<16xi32>, vector<16xi32>], vector<16xf32>,
        %parallel_loop3A_989 = arith.addf %parallel_loop3A_987, %parallel_loop3A_988 : vector<16xf32>
        %parallel_loop3A_990 = tpu.vector_load_idx %arg17[%parallel_loop3A_957, %parallel_loop3A_986] : memref<64x64xf32, #tpu.memory_space<vmem>>[vector<16xi32>, vector<16xi32>], vector<16xf32>,
        %parallel_loop3A_991 = arith.addf %parallel_loop3A_989, %parallel_loop3A_990 : vector<16xf32>
        %parallel_loop3A_992 = arith.constant 10 : i32
        %parallel_loop3A_993 = arith.addi %parallel_loop3A_61, %parallel_loop3A_992 : i32
        %parallel_loop3A_994 = arith.index_cast %parallel_loop3A_993 : i32 to index
        %parallel_loop3A_995 = arith.constant 32 : index
        %parallel_loop3A_996 = tpu.vector_load %arg18[%parallel_loop3A_994, %parallel_loop3A_995] {strides = array<i32>} : memref<1024x64xf32, #tpu.memory_space<vmem>>, vector<16xf32>,
        tpu.vector_store %arg18[%parallel_loop3A_994, %parallel_loop3A_995], %parallel_loop3A_991 {strides = array<i32>} : memref<1024x64xf32, #tpu.memory_space<vmem>>, vector<16xf32>,
        %parallel_loop3A_997 = arith.constant 48 : i32
        %parallel_loop3A_998 = vector.broadcast %parallel_loop3A_997 : i32 to vector<16xi32>
        %parallel_loop3A_999 = arith.addi %iota3A, %parallel_loop3A_998 : vector<16xi32>
        %parallel_loop3A_1000 = tpu.vector_load_idx %arg15[%parallel_loop3A_937, %parallel_loop3A_999] : memref<384x64xf32, #tpu.memory_space<vmem>>[vector<16xi32>, vector<16xi32>], vector<16xf32>,
        %parallel_loop3A_1001 = tpu.vector_load_idx %arg16[%parallel_loop3A_947, %parallel_loop3A_999] : memref<64x64xf32, #tpu.memory_space<vmem>>[vector<16xi32>, vector<16xi32>], vector<16xf32>,
        %parallel_loop3A_1002 = arith.addf %parallel_loop3A_1000, %parallel_loop3A_1001 : vector<16xf32>
        %parallel_loop3A_1003 = tpu.vector_load_idx %arg17[%parallel_loop3A_957, %parallel_loop3A_999] : memref<64x64xf32, #tpu.memory_space<vmem>>[vector<16xi32>, vector<16xi32>], vector<16xf32>,
        %parallel_loop3A_1004 = arith.addf %parallel_loop3A_1002, %parallel_loop3A_1003 : vector<16xf32>
        %parallel_loop3A_1005 = arith.constant 10 : i32
        %parallel_loop3A_1006 = arith.addi %parallel_loop3A_61, %parallel_loop3A_1005 : i32
        %parallel_loop3A_1007 = arith.index_cast %parallel_loop3A_1006 : i32 to index
        %parallel_loop3A_1008 = arith.constant 48 : index
        %parallel_loop3A_1009 = tpu.vector_load %arg18[%parallel_loop3A_1007, %parallel_loop3A_1008] {strides = array<i32>} : memref<1024x64xf32, #tpu.memory_space<vmem>>, vector<16xf32>,
        tpu.vector_store %arg18[%parallel_loop3A_1007, %parallel_loop3A_1008], %parallel_loop3A_1004 {strides = array<i32>} : memref<1024x64xf32, #tpu.memory_space<vmem>>, vector<16xf32>,
        %parallel_loop3A_1010 = arith.constant 11 : i32
        %parallel_loop3A_1011 = vector.broadcast %parallel_loop3A_1010 : i32 to vector<16xi32>
        %parallel_loop3A_1012 = arith.constant 0 : i32
        %parallel_loop3A_1013 = vector.broadcast %parallel_loop3A_1012 : i32 to vector<16xi32>
        %parallel_loop3A_1014 = arith.cmpi slt, %parallel_loop3A_1011, %parallel_loop3A_1013 : vector<16xi32>
        %parallel_loop3A_1015 = arith.constant 16 : i32
        %parallel_loop3A_1016 = vector.broadcast %parallel_loop3A_1015 : i32 to vector<16xi32>
        %parallel_loop3A_1017 = arith.addi %parallel_loop3A_1011, %parallel_loop3A_1016 : vector<16xi32>
        %parallel_loop3A_1018 = arith.select %parallel_loop3A_1014, %parallel_loop3A_1017, %parallel_loop3A_1011 : vector<16xi1>, vector<16xi32>
        %parallel_loop3A_1019 = vector.shape_cast %parallel_loop3A_1018 : vector<16xi32> to vector<16x1xi32>
        %parallel_loop3A_1020 = vector.shape_cast %parallel_loop3A_1019 : vector<16x1xi32> to vector<16xi32>
        %parallel_loop3A_1021 = tpu.dynamic_gather %parallel_loop3A_75[%parallel_loop3A_1020] in [0] : vector<16xi32>, vector<16xi32> -> vector<16xi32>
        %parallel_loop3A_1022 = arith.constant 0 : i32
        %parallel_loop3A_1023 = vector.broadcast %parallel_loop3A_1022 : i32 to vector<16xi32>
        %parallel_loop3A_1024 = arith.cmpi slt, %parallel_loop3A_1011, %parallel_loop3A_1023 : vector<16xi32>
        %parallel_loop3A_1025 = arith.constant 16 : i32
        %parallel_loop3A_1026 = vector.broadcast %parallel_loop3A_1025 : i32 to vector<16xi32>
        %parallel_loop3A_1027 = arith.addi %parallel_loop3A_1011, %parallel_loop3A_1026 : vector<16xi32>
        %parallel_loop3A_1028 = arith.select %parallel_loop3A_1024, %parallel_loop3A_1027, %parallel_loop3A_1011 : vector<16xi1>, vector<16xi32>
        %parallel_loop3A_1029 = vector.shape_cast %parallel_loop3A_1028 : vector<16xi32> to vector<16x1xi32>
        %parallel_loop3A_1030 = vector.shape_cast %parallel_loop3A_1029 : vector<16x1xi32> to vector<16xi32>
        %parallel_loop3A_1031 = tpu.dynamic_gather %parallel_loop3A_80[%parallel_loop3A_1030] in [0] : vector<16xi32>, vector<16xi32> -> vector<16xi32>
        %parallel_loop3A_1032 = arith.constant 0 : i32
        %parallel_loop3A_1033 = vector.broadcast %parallel_loop3A_1032 : i32 to vector<16xi32>
        %parallel_loop3A_1034 = arith.cmpi slt, %parallel_loop3A_1011, %parallel_loop3A_1033 : vector<16xi32>
        %parallel_loop3A_1035 = arith.constant 16 : i32
        %parallel_loop3A_1036 = vector.broadcast %parallel_loop3A_1035 : i32 to vector<16xi32>
        %parallel_loop3A_1037 = arith.addi %parallel_loop3A_1011, %parallel_loop3A_1036 : vector<16xi32>
        %parallel_loop3A_1038 = arith.select %parallel_loop3A_1034, %parallel_loop3A_1037, %parallel_loop3A_1011 : vector<16xi1>, vector<16xi32>
        %parallel_loop3A_1039 = vector.shape_cast %parallel_loop3A_1038 : vector<16xi32> to vector<16x1xi32>
        %parallel_loop3A_1040 = vector.shape_cast %parallel_loop3A_1039 : vector<16x1xi32> to vector<16xi32>
        %parallel_loop3A_1041 = tpu.dynamic_gather %parallel_loop3A_85[%parallel_loop3A_1040] in [0] : vector<16xi32>, vector<16xi32> -> vector<16xi32>
        %parallel_loop3A_1042 = arith.constant 0 : i32
        %parallel_loop3A_1043 = vector.broadcast %parallel_loop3A_1042 : i32 to vector<16xi32>
        %parallel_loop3A_1044 = arith.addi %iota3A, %parallel_loop3A_1043 : vector<16xi32>
        %parallel_loop3A_1045 = tpu.vector_load_idx %arg15[%parallel_loop3A_1021, %parallel_loop3A_1044] : memref<384x64xf32, #tpu.memory_space<vmem>>[vector<16xi32>, vector<16xi32>], vector<16xf32>,
        %parallel_loop3A_1046 = tpu.vector_load_idx %arg16[%parallel_loop3A_1031, %parallel_loop3A_1044] : memref<64x64xf32, #tpu.memory_space<vmem>>[vector<16xi32>, vector<16xi32>], vector<16xf32>,
        %parallel_loop3A_1047 = arith.addf %parallel_loop3A_1045, %parallel_loop3A_1046 : vector<16xf32>
        %parallel_loop3A_1048 = tpu.vector_load_idx %arg17[%parallel_loop3A_1041, %parallel_loop3A_1044] : memref<64x64xf32, #tpu.memory_space<vmem>>[vector<16xi32>, vector<16xi32>], vector<16xf32>,
        %parallel_loop3A_1049 = arith.addf %parallel_loop3A_1047, %parallel_loop3A_1048 : vector<16xf32>
        %parallel_loop3A_1050 = arith.constant 11 : i32
        %parallel_loop3A_1051 = arith.addi %parallel_loop3A_61, %parallel_loop3A_1050 : i32
        %parallel_loop3A_1052 = arith.index_cast %parallel_loop3A_1051 : i32 to index
        %parallel_loop3A_1053 = arith.constant 0 : index
        %parallel_loop3A_1054 = tpu.vector_load %arg18[%parallel_loop3A_1052, %parallel_loop3A_1053] {strides = array<i32>} : memref<1024x64xf32, #tpu.memory_space<vmem>>, vector<16xf32>,
        tpu.vector_store %arg18[%parallel_loop3A_1052, %parallel_loop3A_1053], %parallel_loop3A_1049 {strides = array<i32>} : memref<1024x64xf32, #tpu.memory_space<vmem>>, vector<16xf32>,
        %parallel_loop3A_1055 = arith.constant 16 : i32
        %parallel_loop3A_1056 = vector.broadcast %parallel_loop3A_1055 : i32 to vector<16xi32>
        %parallel_loop3A_1057 = arith.addi %iota3A, %parallel_loop3A_1056 : vector<16xi32>
        %parallel_loop3A_1058 = tpu.vector_load_idx %arg15[%parallel_loop3A_1021, %parallel_loop3A_1057] : memref<384x64xf32, #tpu.memory_space<vmem>>[vector<16xi32>, vector<16xi32>], vector<16xf32>,
        %parallel_loop3A_1059 = tpu.vector_load_idx %arg16[%parallel_loop3A_1031, %parallel_loop3A_1057] : memref<64x64xf32, #tpu.memory_space<vmem>>[vector<16xi32>, vector<16xi32>], vector<16xf32>,
        %parallel_loop3A_1060 = arith.addf %parallel_loop3A_1058, %parallel_loop3A_1059 : vector<16xf32>
        %parallel_loop3A_1061 = tpu.vector_load_idx %arg17[%parallel_loop3A_1041, %parallel_loop3A_1057] : memref<64x64xf32, #tpu.memory_space<vmem>>[vector<16xi32>, vector<16xi32>], vector<16xf32>,
        %parallel_loop3A_1062 = arith.addf %parallel_loop3A_1060, %parallel_loop3A_1061 : vector<16xf32>
        %parallel_loop3A_1063 = arith.constant 11 : i32
        %parallel_loop3A_1064 = arith.addi %parallel_loop3A_61, %parallel_loop3A_1063 : i32
        %parallel_loop3A_1065 = arith.index_cast %parallel_loop3A_1064 : i32 to index
        %parallel_loop3A_1066 = arith.constant 16 : index
        %parallel_loop3A_1067 = tpu.vector_load %arg18[%parallel_loop3A_1065, %parallel_loop3A_1066] {strides = array<i32>} : memref<1024x64xf32, #tpu.memory_space<vmem>>, vector<16xf32>,
        tpu.vector_store %arg18[%parallel_loop3A_1065, %parallel_loop3A_1066], %parallel_loop3A_1062 {strides = array<i32>} : memref<1024x64xf32, #tpu.memory_space<vmem>>, vector<16xf32>,
        %parallel_loop3A_1068 = arith.constant 32 : i32
        %parallel_loop3A_1069 = vector.broadcast %parallel_loop3A_1068 : i32 to vector<16xi32>
        %parallel_loop3A_1070 = arith.addi %iota3A, %parallel_loop3A_1069 : vector<16xi32>
        %parallel_loop3A_1071 = tpu.vector_load_idx %arg15[%parallel_loop3A_1021, %parallel_loop3A_1070] : memref<384x64xf32, #tpu.memory_space<vmem>>[vector<16xi32>, vector<16xi32>], vector<16xf32>,
        %parallel_loop3A_1072 = tpu.vector_load_idx %arg16[%parallel_loop3A_1031, %parallel_loop3A_1070] : memref<64x64xf32, #tpu.memory_space<vmem>>[vector<16xi32>, vector<16xi32>], vector<16xf32>,
        %parallel_loop3A_1073 = arith.addf %parallel_loop3A_1071, %parallel_loop3A_1072 : vector<16xf32>
        %parallel_loop3A_1074 = tpu.vector_load_idx %arg17[%parallel_loop3A_1041, %parallel_loop3A_1070] : memref<64x64xf32, #tpu.memory_space<vmem>>[vector<16xi32>, vector<16xi32>], vector<16xf32>,
        %parallel_loop3A_1075 = arith.addf %parallel_loop3A_1073, %parallel_loop3A_1074 : vector<16xf32>
        %parallel_loop3A_1076 = arith.constant 11 : i32
        %parallel_loop3A_1077 = arith.addi %parallel_loop3A_61, %parallel_loop3A_1076 : i32
        %parallel_loop3A_1078 = arith.index_cast %parallel_loop3A_1077 : i32 to index
        %parallel_loop3A_1079 = arith.constant 32 : index
        %parallel_loop3A_1080 = tpu.vector_load %arg18[%parallel_loop3A_1078, %parallel_loop3A_1079] {strides = array<i32>} : memref<1024x64xf32, #tpu.memory_space<vmem>>, vector<16xf32>,
        tpu.vector_store %arg18[%parallel_loop3A_1078, %parallel_loop3A_1079], %parallel_loop3A_1075 {strides = array<i32>} : memref<1024x64xf32, #tpu.memory_space<vmem>>, vector<16xf32>,
        %parallel_loop3A_1081 = arith.constant 48 : i32
        %parallel_loop3A_1082 = vector.broadcast %parallel_loop3A_1081 : i32 to vector<16xi32>
        %parallel_loop3A_1083 = arith.addi %iota3A, %parallel_loop3A_1082 : vector<16xi32>
        %parallel_loop3A_1084 = tpu.vector_load_idx %arg15[%parallel_loop3A_1021, %parallel_loop3A_1083] : memref<384x64xf32, #tpu.memory_space<vmem>>[vector<16xi32>, vector<16xi32>], vector<16xf32>,
        %parallel_loop3A_1085 = tpu.vector_load_idx %arg16[%parallel_loop3A_1031, %parallel_loop3A_1083] : memref<64x64xf32, #tpu.memory_space<vmem>>[vector<16xi32>, vector<16xi32>], vector<16xf32>,
        %parallel_loop3A_1086 = arith.addf %parallel_loop3A_1084, %parallel_loop3A_1085 : vector<16xf32>
        %parallel_loop3A_1087 = tpu.vector_load_idx %arg17[%parallel_loop3A_1041, %parallel_loop3A_1083] : memref<64x64xf32, #tpu.memory_space<vmem>>[vector<16xi32>, vector<16xi32>], vector<16xf32>,
        %parallel_loop3A_1088 = arith.addf %parallel_loop3A_1086, %parallel_loop3A_1087 : vector<16xf32>
        %parallel_loop3A_1089 = arith.constant 11 : i32
        %parallel_loop3A_1090 = arith.addi %parallel_loop3A_61, %parallel_loop3A_1089 : i32
        %parallel_loop3A_1091 = arith.index_cast %parallel_loop3A_1090 : i32 to index
        %parallel_loop3A_1092 = arith.constant 48 : index
        %parallel_loop3A_1093 = tpu.vector_load %arg18[%parallel_loop3A_1091, %parallel_loop3A_1092] {strides = array<i32>} : memref<1024x64xf32, #tpu.memory_space<vmem>>, vector<16xf32>,
        tpu.vector_store %arg18[%parallel_loop3A_1091, %parallel_loop3A_1092], %parallel_loop3A_1088 {strides = array<i32>} : memref<1024x64xf32, #tpu.memory_space<vmem>>, vector<16xf32>,
        %parallel_loop3A_1094 = arith.constant 12 : i32
        %parallel_loop3A_1095 = vector.broadcast %parallel_loop3A_1094 : i32 to vector<16xi32>
        %parallel_loop3A_1096 = arith.constant 0 : i32
        %parallel_loop3A_1097 = vector.broadcast %parallel_loop3A_1096 : i32 to vector<16xi32>
        %parallel_loop3A_1098 = arith.cmpi slt, %parallel_loop3A_1095, %parallel_loop3A_1097 : vector<16xi32>
        %parallel_loop3A_1099 = arith.constant 16 : i32
        %parallel_loop3A_1100 = vector.broadcast %parallel_loop3A_1099 : i32 to vector<16xi32>
        %parallel_loop3A_1101 = arith.addi %parallel_loop3A_1095, %parallel_loop3A_1100 : vector<16xi32>
        %parallel_loop3A_1102 = arith.select %parallel_loop3A_1098, %parallel_loop3A_1101, %parallel_loop3A_1095 : vector<16xi1>, vector<16xi32>
        %parallel_loop3A_1103 = vector.shape_cast %parallel_loop3A_1102 : vector<16xi32> to vector<16x1xi32>
        %parallel_loop3A_1104 = vector.shape_cast %parallel_loop3A_1103 : vector<16x1xi32> to vector<16xi32>
        %parallel_loop3A_1105 = tpu.dynamic_gather %parallel_loop3A_75[%parallel_loop3A_1104] in [0] : vector<16xi32>, vector<16xi32> -> vector<16xi32>
        %parallel_loop3A_1106 = arith.constant 0 : i32
        %parallel_loop3A_1107 = vector.broadcast %parallel_loop3A_1106 : i32 to vector<16xi32>
        %parallel_loop3A_1108 = arith.cmpi slt, %parallel_loop3A_1095, %parallel_loop3A_1107 : vector<16xi32>
        %parallel_loop3A_1109 = arith.constant 16 : i32
        %parallel_loop3A_1110 = vector.broadcast %parallel_loop3A_1109 : i32 to vector<16xi32>
        %parallel_loop3A_1111 = arith.addi %parallel_loop3A_1095, %parallel_loop3A_1110 : vector<16xi32>
        %parallel_loop3A_1112 = arith.select %parallel_loop3A_1108, %parallel_loop3A_1111, %parallel_loop3A_1095 : vector<16xi1>, vector<16xi32>
        %parallel_loop3A_1113 = vector.shape_cast %parallel_loop3A_1112 : vector<16xi32> to vector<16x1xi32>
        %parallel_loop3A_1114 = vector.shape_cast %parallel_loop3A_1113 : vector<16x1xi32> to vector<16xi32>
        %parallel_loop3A_1115 = tpu.dynamic_gather %parallel_loop3A_80[%parallel_loop3A_1114] in [0] : vector<16xi32>, vector<16xi32> -> vector<16xi32>
        %parallel_loop3A_1116 = arith.constant 0 : i32
        %parallel_loop3A_1117 = vector.broadcast %parallel_loop3A_1116 : i32 to vector<16xi32>
        %parallel_loop3A_1118 = arith.cmpi slt, %parallel_loop3A_1095, %parallel_loop3A_1117 : vector<16xi32>
        %parallel_loop3A_1119 = arith.constant 16 : i32
        %parallel_loop3A_1120 = vector.broadcast %parallel_loop3A_1119 : i32 to vector<16xi32>
        %parallel_loop3A_1121 = arith.addi %parallel_loop3A_1095, %parallel_loop3A_1120 : vector<16xi32>
        %parallel_loop3A_1122 = arith.select %parallel_loop3A_1118, %parallel_loop3A_1121, %parallel_loop3A_1095 : vector<16xi1>, vector<16xi32>
        %parallel_loop3A_1123 = vector.shape_cast %parallel_loop3A_1122 : vector<16xi32> to vector<16x1xi32>
        %parallel_loop3A_1124 = vector.shape_cast %parallel_loop3A_1123 : vector<16x1xi32> to vector<16xi32>
        %parallel_loop3A_1125 = tpu.dynamic_gather %parallel_loop3A_85[%parallel_loop3A_1124] in [0] : vector<16xi32>, vector<16xi32> -> vector<16xi32>
        %parallel_loop3A_1126 = arith.constant 0 : i32
        %parallel_loop3A_1127 = vector.broadcast %parallel_loop3A_1126 : i32 to vector<16xi32>
        %parallel_loop3A_1128 = arith.addi %iota3A, %parallel_loop3A_1127 : vector<16xi32>
        %parallel_loop3A_1129 = tpu.vector_load_idx %arg15[%parallel_loop3A_1105, %parallel_loop3A_1128] : memref<384x64xf32, #tpu.memory_space<vmem>>[vector<16xi32>, vector<16xi32>], vector<16xf32>,
        %parallel_loop3A_1130 = tpu.vector_load_idx %arg16[%parallel_loop3A_1115, %parallel_loop3A_1128] : memref<64x64xf32, #tpu.memory_space<vmem>>[vector<16xi32>, vector<16xi32>], vector<16xf32>,
        %parallel_loop3A_1131 = arith.addf %parallel_loop3A_1129, %parallel_loop3A_1130 : vector<16xf32>
        %parallel_loop3A_1132 = tpu.vector_load_idx %arg17[%parallel_loop3A_1125, %parallel_loop3A_1128] : memref<64x64xf32, #tpu.memory_space<vmem>>[vector<16xi32>, vector<16xi32>], vector<16xf32>,
        %parallel_loop3A_1133 = arith.addf %parallel_loop3A_1131, %parallel_loop3A_1132 : vector<16xf32>
        %parallel_loop3A_1134 = arith.constant 12 : i32
        %parallel_loop3A_1135 = arith.addi %parallel_loop3A_61, %parallel_loop3A_1134 : i32
        %parallel_loop3A_1136 = arith.index_cast %parallel_loop3A_1135 : i32 to index
        %parallel_loop3A_1137 = arith.constant 0 : index
        %parallel_loop3A_1138 = tpu.vector_load %arg18[%parallel_loop3A_1136, %parallel_loop3A_1137] {strides = array<i32>} : memref<1024x64xf32, #tpu.memory_space<vmem>>, vector<16xf32>,
        tpu.vector_store %arg18[%parallel_loop3A_1136, %parallel_loop3A_1137], %parallel_loop3A_1133 {strides = array<i32>} : memref<1024x64xf32, #tpu.memory_space<vmem>>, vector<16xf32>,
        %parallel_loop3A_1139 = arith.constant 16 : i32
        %parallel_loop3A_1140 = vector.broadcast %parallel_loop3A_1139 : i32 to vector<16xi32>
        %parallel_loop3A_1141 = arith.addi %iota3A, %parallel_loop3A_1140 : vector<16xi32>
        %parallel_loop3A_1142 = tpu.vector_load_idx %arg15[%parallel_loop3A_1105, %parallel_loop3A_1141] : memref<384x64xf32, #tpu.memory_space<vmem>>[vector<16xi32>, vector<16xi32>], vector<16xf32>,
        %parallel_loop3A_1143 = tpu.vector_load_idx %arg16[%parallel_loop3A_1115, %parallel_loop3A_1141] : memref<64x64xf32, #tpu.memory_space<vmem>>[vector<16xi32>, vector<16xi32>], vector<16xf32>,
        %parallel_loop3A_1144 = arith.addf %parallel_loop3A_1142, %parallel_loop3A_1143 : vector<16xf32>
        %parallel_loop3A_1145 = tpu.vector_load_idx %arg17[%parallel_loop3A_1125, %parallel_loop3A_1141] : memref<64x64xf32, #tpu.memory_space<vmem>>[vector<16xi32>, vector<16xi32>], vector<16xf32>,
        %parallel_loop3A_1146 = arith.addf %parallel_loop3A_1144, %parallel_loop3A_1145 : vector<16xf32>
        %parallel_loop3A_1147 = arith.constant 12 : i32
        %parallel_loop3A_1148 = arith.addi %parallel_loop3A_61, %parallel_loop3A_1147 : i32
        %parallel_loop3A_1149 = arith.index_cast %parallel_loop3A_1148 : i32 to index
        %parallel_loop3A_1150 = arith.constant 16 : index
        %parallel_loop3A_1151 = tpu.vector_load %arg18[%parallel_loop3A_1149, %parallel_loop3A_1150] {strides = array<i32>} : memref<1024x64xf32, #tpu.memory_space<vmem>>, vector<16xf32>,
        tpu.vector_store %arg18[%parallel_loop3A_1149, %parallel_loop3A_1150], %parallel_loop3A_1146 {strides = array<i32>} : memref<1024x64xf32, #tpu.memory_space<vmem>>, vector<16xf32>,
        %parallel_loop3A_1152 = arith.constant 32 : i32
        %parallel_loop3A_1153 = vector.broadcast %parallel_loop3A_1152 : i32 to vector<16xi32>
        %parallel_loop3A_1154 = arith.addi %iota3A, %parallel_loop3A_1153 : vector<16xi32>
        %parallel_loop3A_1155 = tpu.vector_load_idx %arg15[%parallel_loop3A_1105, %parallel_loop3A_1154] : memref<384x64xf32, #tpu.memory_space<vmem>>[vector<16xi32>, vector<16xi32>], vector<16xf32>,
        %parallel_loop3A_1156 = tpu.vector_load_idx %arg16[%parallel_loop3A_1115, %parallel_loop3A_1154] : memref<64x64xf32, #tpu.memory_space<vmem>>[vector<16xi32>, vector<16xi32>], vector<16xf32>,
        %parallel_loop3A_1157 = arith.addf %parallel_loop3A_1155, %parallel_loop3A_1156 : vector<16xf32>
        %parallel_loop3A_1158 = tpu.vector_load_idx %arg17[%parallel_loop3A_1125, %parallel_loop3A_1154] : memref<64x64xf32, #tpu.memory_space<vmem>>[vector<16xi32>, vector<16xi32>], vector<16xf32>,
        %parallel_loop3A_1159 = arith.addf %parallel_loop3A_1157, %parallel_loop3A_1158 : vector<16xf32>
        %parallel_loop3A_1160 = arith.constant 12 : i32
        %parallel_loop3A_1161 = arith.addi %parallel_loop3A_61, %parallel_loop3A_1160 : i32
        %parallel_loop3A_1162 = arith.index_cast %parallel_loop3A_1161 : i32 to index
        %parallel_loop3A_1163 = arith.constant 32 : index
        %parallel_loop3A_1164 = tpu.vector_load %arg18[%parallel_loop3A_1162, %parallel_loop3A_1163] {strides = array<i32>} : memref<1024x64xf32, #tpu.memory_space<vmem>>, vector<16xf32>,
        tpu.vector_store %arg18[%parallel_loop3A_1162, %parallel_loop3A_1163], %parallel_loop3A_1159 {strides = array<i32>} : memref<1024x64xf32, #tpu.memory_space<vmem>>, vector<16xf32>,
        %parallel_loop3A_1165 = arith.constant 48 : i32
        %parallel_loop3A_1166 = vector.broadcast %parallel_loop3A_1165 : i32 to vector<16xi32>
        %parallel_loop3A_1167 = arith.addi %iota3A, %parallel_loop3A_1166 : vector<16xi32>
        %parallel_loop3A_1168 = tpu.vector_load_idx %arg15[%parallel_loop3A_1105, %parallel_loop3A_1167] : memref<384x64xf32, #tpu.memory_space<vmem>>[vector<16xi32>, vector<16xi32>], vector<16xf32>,
        %parallel_loop3A_1169 = tpu.vector_load_idx %arg16[%parallel_loop3A_1115, %parallel_loop3A_1167] : memref<64x64xf32, #tpu.memory_space<vmem>>[vector<16xi32>, vector<16xi32>], vector<16xf32>,
        %parallel_loop3A_1170 = arith.addf %parallel_loop3A_1168, %parallel_loop3A_1169 : vector<16xf32>
        %parallel_loop3A_1171 = tpu.vector_load_idx %arg17[%parallel_loop3A_1125, %parallel_loop3A_1167] : memref<64x64xf32, #tpu.memory_space<vmem>>[vector<16xi32>, vector<16xi32>], vector<16xf32>,
        %parallel_loop3A_1172 = arith.addf %parallel_loop3A_1170, %parallel_loop3A_1171 : vector<16xf32>
        %parallel_loop3A_1173 = arith.constant 12 : i32
        %parallel_loop3A_1174 = arith.addi %parallel_loop3A_61, %parallel_loop3A_1173 : i32
        %parallel_loop3A_1175 = arith.index_cast %parallel_loop3A_1174 : i32 to index
        %parallel_loop3A_1176 = arith.constant 48 : index
        %parallel_loop3A_1177 = tpu.vector_load %arg18[%parallel_loop3A_1175, %parallel_loop3A_1176] {strides = array<i32>} : memref<1024x64xf32, #tpu.memory_space<vmem>>, vector<16xf32>,
        tpu.vector_store %arg18[%parallel_loop3A_1175, %parallel_loop3A_1176], %parallel_loop3A_1172 {strides = array<i32>} : memref<1024x64xf32, #tpu.memory_space<vmem>>, vector<16xf32>,
        %parallel_loop3A_1178 = arith.constant 13 : i32
        %parallel_loop3A_1179 = vector.broadcast %parallel_loop3A_1178 : i32 to vector<16xi32>
        %parallel_loop3A_1180 = arith.constant 0 : i32
        %parallel_loop3A_1181 = vector.broadcast %parallel_loop3A_1180 : i32 to vector<16xi32>
        %parallel_loop3A_1182 = arith.cmpi slt, %parallel_loop3A_1179, %parallel_loop3A_1181 : vector<16xi32>
        %parallel_loop3A_1183 = arith.constant 16 : i32
        %parallel_loop3A_1184 = vector.broadcast %parallel_loop3A_1183 : i32 to vector<16xi32>
        %parallel_loop3A_1185 = arith.addi %parallel_loop3A_1179, %parallel_loop3A_1184 : vector<16xi32>
        %parallel_loop3A_1186 = arith.select %parallel_loop3A_1182, %parallel_loop3A_1185, %parallel_loop3A_1179 : vector<16xi1>, vector<16xi32>
        %parallel_loop3A_1187 = vector.shape_cast %parallel_loop3A_1186 : vector<16xi32> to vector<16x1xi32>
        %parallel_loop3A_1188 = vector.shape_cast %parallel_loop3A_1187 : vector<16x1xi32> to vector<16xi32>
        %parallel_loop3A_1189 = tpu.dynamic_gather %parallel_loop3A_75[%parallel_loop3A_1188] in [0] : vector<16xi32>, vector<16xi32> -> vector<16xi32>
        %parallel_loop3A_1190 = arith.constant 0 : i32
        %parallel_loop3A_1191 = vector.broadcast %parallel_loop3A_1190 : i32 to vector<16xi32>
        %parallel_loop3A_1192 = arith.cmpi slt, %parallel_loop3A_1179, %parallel_loop3A_1191 : vector<16xi32>
        %parallel_loop3A_1193 = arith.constant 16 : i32
        %parallel_loop3A_1194 = vector.broadcast %parallel_loop3A_1193 : i32 to vector<16xi32>
        %parallel_loop3A_1195 = arith.addi %parallel_loop3A_1179, %parallel_loop3A_1194 : vector<16xi32>
        %parallel_loop3A_1196 = arith.select %parallel_loop3A_1192, %parallel_loop3A_1195, %parallel_loop3A_1179 : vector<16xi1>, vector<16xi32>
        %parallel_loop3A_1197 = vector.shape_cast %parallel_loop3A_1196 : vector<16xi32> to vector<16x1xi32>
        %parallel_loop3A_1198 = vector.shape_cast %parallel_loop3A_1197 : vector<16x1xi32> to vector<16xi32>
        %parallel_loop3A_1199 = tpu.dynamic_gather %parallel_loop3A_80[%parallel_loop3A_1198] in [0] : vector<16xi32>, vector<16xi32> -> vector<16xi32>
        %parallel_loop3A_1200 = arith.constant 0 : i32
        %parallel_loop3A_1201 = vector.broadcast %parallel_loop3A_1200 : i32 to vector<16xi32>
        %parallel_loop3A_1202 = arith.cmpi slt, %parallel_loop3A_1179, %parallel_loop3A_1201 : vector<16xi32>
        %parallel_loop3A_1203 = arith.constant 16 : i32
        %parallel_loop3A_1204 = vector.broadcast %parallel_loop3A_1203 : i32 to vector<16xi32>
        %parallel_loop3A_1205 = arith.addi %parallel_loop3A_1179, %parallel_loop3A_1204 : vector<16xi32>
        %parallel_loop3A_1206 = arith.select %parallel_loop3A_1202, %parallel_loop3A_1205, %parallel_loop3A_1179 : vector<16xi1>, vector<16xi32>
        %parallel_loop3A_1207 = vector.shape_cast %parallel_loop3A_1206 : vector<16xi32> to vector<16x1xi32>
        %parallel_loop3A_1208 = vector.shape_cast %parallel_loop3A_1207 : vector<16x1xi32> to vector<16xi32>
        %parallel_loop3A_1209 = tpu.dynamic_gather %parallel_loop3A_85[%parallel_loop3A_1208] in [0] : vector<16xi32>, vector<16xi32> -> vector<16xi32>
        %parallel_loop3A_1210 = arith.constant 0 : i32
        %parallel_loop3A_1211 = vector.broadcast %parallel_loop3A_1210 : i32 to vector<16xi32>
        %parallel_loop3A_1212 = arith.addi %iota3A, %parallel_loop3A_1211 : vector<16xi32>
        %parallel_loop3A_1213 = tpu.vector_load_idx %arg15[%parallel_loop3A_1189, %parallel_loop3A_1212] : memref<384x64xf32, #tpu.memory_space<vmem>>[vector<16xi32>, vector<16xi32>], vector<16xf32>,
        %parallel_loop3A_1214 = tpu.vector_load_idx %arg16[%parallel_loop3A_1199, %parallel_loop3A_1212] : memref<64x64xf32, #tpu.memory_space<vmem>>[vector<16xi32>, vector<16xi32>], vector<16xf32>,
        %parallel_loop3A_1215 = arith.addf %parallel_loop3A_1213, %parallel_loop3A_1214 : vector<16xf32>
        %parallel_loop3A_1216 = tpu.vector_load_idx %arg17[%parallel_loop3A_1209, %parallel_loop3A_1212] : memref<64x64xf32, #tpu.memory_space<vmem>>[vector<16xi32>, vector<16xi32>], vector<16xf32>,
        %parallel_loop3A_1217 = arith.addf %parallel_loop3A_1215, %parallel_loop3A_1216 : vector<16xf32>
        %parallel_loop3A_1218 = arith.constant 13 : i32
        %parallel_loop3A_1219 = arith.addi %parallel_loop3A_61, %parallel_loop3A_1218 : i32
        %parallel_loop3A_1220 = arith.index_cast %parallel_loop3A_1219 : i32 to index
        %parallel_loop3A_1221 = arith.constant 0 : index
        %parallel_loop3A_1222 = tpu.vector_load %arg18[%parallel_loop3A_1220, %parallel_loop3A_1221] {strides = array<i32>} : memref<1024x64xf32, #tpu.memory_space<vmem>>, vector<16xf32>,
        tpu.vector_store %arg18[%parallel_loop3A_1220, %parallel_loop3A_1221], %parallel_loop3A_1217 {strides = array<i32>} : memref<1024x64xf32, #tpu.memory_space<vmem>>, vector<16xf32>,
        %parallel_loop3A_1223 = arith.constant 16 : i32
        %parallel_loop3A_1224 = vector.broadcast %parallel_loop3A_1223 : i32 to vector<16xi32>
        %parallel_loop3A_1225 = arith.addi %iota3A, %parallel_loop3A_1224 : vector<16xi32>
        %parallel_loop3A_1226 = tpu.vector_load_idx %arg15[%parallel_loop3A_1189, %parallel_loop3A_1225] : memref<384x64xf32, #tpu.memory_space<vmem>>[vector<16xi32>, vector<16xi32>], vector<16xf32>,
        %parallel_loop3A_1227 = tpu.vector_load_idx %arg16[%parallel_loop3A_1199, %parallel_loop3A_1225] : memref<64x64xf32, #tpu.memory_space<vmem>>[vector<16xi32>, vector<16xi32>], vector<16xf32>,
        %parallel_loop3A_1228 = arith.addf %parallel_loop3A_1226, %parallel_loop3A_1227 : vector<16xf32>
        %parallel_loop3A_1229 = tpu.vector_load_idx %arg17[%parallel_loop3A_1209, %parallel_loop3A_1225] : memref<64x64xf32, #tpu.memory_space<vmem>>[vector<16xi32>, vector<16xi32>], vector<16xf32>,
        %parallel_loop3A_1230 = arith.addf %parallel_loop3A_1228, %parallel_loop3A_1229 : vector<16xf32>
        %parallel_loop3A_1231 = arith.constant 13 : i32
        %parallel_loop3A_1232 = arith.addi %parallel_loop3A_61, %parallel_loop3A_1231 : i32
        %parallel_loop3A_1233 = arith.index_cast %parallel_loop3A_1232 : i32 to index
        %parallel_loop3A_1234 = arith.constant 16 : index
        %parallel_loop3A_1235 = tpu.vector_load %arg18[%parallel_loop3A_1233, %parallel_loop3A_1234] {strides = array<i32>} : memref<1024x64xf32, #tpu.memory_space<vmem>>, vector<16xf32>,
        tpu.vector_store %arg18[%parallel_loop3A_1233, %parallel_loop3A_1234], %parallel_loop3A_1230 {strides = array<i32>} : memref<1024x64xf32, #tpu.memory_space<vmem>>, vector<16xf32>,
        %parallel_loop3A_1236 = arith.constant 32 : i32
        %parallel_loop3A_1237 = vector.broadcast %parallel_loop3A_1236 : i32 to vector<16xi32>
        %parallel_loop3A_1238 = arith.addi %iota3A, %parallel_loop3A_1237 : vector<16xi32>
        %parallel_loop3A_1239 = tpu.vector_load_idx %arg15[%parallel_loop3A_1189, %parallel_loop3A_1238] : memref<384x64xf32, #tpu.memory_space<vmem>>[vector<16xi32>, vector<16xi32>], vector<16xf32>,
        %parallel_loop3A_1240 = tpu.vector_load_idx %arg16[%parallel_loop3A_1199, %parallel_loop3A_1238] : memref<64x64xf32, #tpu.memory_space<vmem>>[vector<16xi32>, vector<16xi32>], vector<16xf32>,
        %parallel_loop3A_1241 = arith.addf %parallel_loop3A_1239, %parallel_loop3A_1240 : vector<16xf32>
        %parallel_loop3A_1242 = tpu.vector_load_idx %arg17[%parallel_loop3A_1209, %parallel_loop3A_1238] : memref<64x64xf32, #tpu.memory_space<vmem>>[vector<16xi32>, vector<16xi32>], vector<16xf32>,
        %parallel_loop3A_1243 = arith.addf %parallel_loop3A_1241, %parallel_loop3A_1242 : vector<16xf32>
        %parallel_loop3A_1244 = arith.constant 13 : i32
        %parallel_loop3A_1245 = arith.addi %parallel_loop3A_61, %parallel_loop3A_1244 : i32
        %parallel_loop3A_1246 = arith.index_cast %parallel_loop3A_1245 : i32 to index
        %parallel_loop3A_1247 = arith.constant 32 : index
        %parallel_loop3A_1248 = tpu.vector_load %arg18[%parallel_loop3A_1246, %parallel_loop3A_1247] {strides = array<i32>} : memref<1024x64xf32, #tpu.memory_space<vmem>>, vector<16xf32>,
        tpu.vector_store %arg18[%parallel_loop3A_1246, %parallel_loop3A_1247], %parallel_loop3A_1243 {strides = array<i32>} : memref<1024x64xf32, #tpu.memory_space<vmem>>, vector<16xf32>,
        %parallel_loop3A_1249 = arith.constant 48 : i32
        %parallel_loop3A_1250 = vector.broadcast %parallel_loop3A_1249 : i32 to vector<16xi32>
        %parallel_loop3A_1251 = arith.addi %iota3A, %parallel_loop3A_1250 : vector<16xi32>
        %parallel_loop3A_1252 = tpu.vector_load_idx %arg15[%parallel_loop3A_1189, %parallel_loop3A_1251] : memref<384x64xf32, #tpu.memory_space<vmem>>[vector<16xi32>, vector<16xi32>], vector<16xf32>,
        %parallel_loop3A_1253 = tpu.vector_load_idx %arg16[%parallel_loop3A_1199, %parallel_loop3A_1251] : memref<64x64xf32, #tpu.memory_space<vmem>>[vector<16xi32>, vector<16xi32>], vector<16xf32>,
        %parallel_loop3A_1254 = arith.addf %parallel_loop3A_1252, %parallel_loop3A_1253 : vector<16xf32>
        %parallel_loop3A_1255 = tpu.vector_load_idx %arg17[%parallel_loop3A_1209, %parallel_loop3A_1251] : memref<64x64xf32, #tpu.memory_space<vmem>>[vector<16xi32>, vector<16xi32>], vector<16xf32>,
        %parallel_loop3A_1256 = arith.addf %parallel_loop3A_1254, %parallel_loop3A_1255 : vector<16xf32>
        %parallel_loop3A_1257 = arith.constant 13 : i32
        %parallel_loop3A_1258 = arith.addi %parallel_loop3A_61, %parallel_loop3A_1257 : i32
        %parallel_loop3A_1259 = arith.index_cast %parallel_loop3A_1258 : i32 to index
        %parallel_loop3A_1260 = arith.constant 48 : index
        %parallel_loop3A_1261 = tpu.vector_load %arg18[%parallel_loop3A_1259, %parallel_loop3A_1260] {strides = array<i32>} : memref<1024x64xf32, #tpu.memory_space<vmem>>, vector<16xf32>,
        tpu.vector_store %arg18[%parallel_loop3A_1259, %parallel_loop3A_1260], %parallel_loop3A_1256 {strides = array<i32>} : memref<1024x64xf32, #tpu.memory_space<vmem>>, vector<16xf32>,
        %parallel_loop3A_1262 = arith.constant 14 : i32
        %parallel_loop3A_1263 = vector.broadcast %parallel_loop3A_1262 : i32 to vector<16xi32>
        %parallel_loop3A_1264 = arith.constant 0 : i32
        %parallel_loop3A_1265 = vector.broadcast %parallel_loop3A_1264 : i32 to vector<16xi32>
        %parallel_loop3A_1266 = arith.cmpi slt, %parallel_loop3A_1263, %parallel_loop3A_1265 : vector<16xi32>
        %parallel_loop3A_1267 = arith.constant 16 : i32
        %parallel_loop3A_1268 = vector.broadcast %parallel_loop3A_1267 : i32 to vector<16xi32>
        %parallel_loop3A_1269 = arith.addi %parallel_loop3A_1263, %parallel_loop3A_1268 : vector<16xi32>
        %parallel_loop3A_1270 = arith.select %parallel_loop3A_1266, %parallel_loop3A_1269, %parallel_loop3A_1263 : vector<16xi1>, vector<16xi32>
        %parallel_loop3A_1271 = vector.shape_cast %parallel_loop3A_1270 : vector<16xi32> to vector<16x1xi32>
        %parallel_loop3A_1272 = vector.shape_cast %parallel_loop3A_1271 : vector<16x1xi32> to vector<16xi32>
        %parallel_loop3A_1273 = tpu.dynamic_gather %parallel_loop3A_75[%parallel_loop3A_1272] in [0] : vector<16xi32>, vector<16xi32> -> vector<16xi32>
        %parallel_loop3A_1274 = arith.constant 0 : i32
        %parallel_loop3A_1275 = vector.broadcast %parallel_loop3A_1274 : i32 to vector<16xi32>
        %parallel_loop3A_1276 = arith.cmpi slt, %parallel_loop3A_1263, %parallel_loop3A_1275 : vector<16xi32>
        %parallel_loop3A_1277 = arith.constant 16 : i32
        %parallel_loop3A_1278 = vector.broadcast %parallel_loop3A_1277 : i32 to vector<16xi32>
        %parallel_loop3A_1279 = arith.addi %parallel_loop3A_1263, %parallel_loop3A_1278 : vector<16xi32>
        %parallel_loop3A_1280 = arith.select %parallel_loop3A_1276, %parallel_loop3A_1279, %parallel_loop3A_1263 : vector<16xi1>, vector<16xi32>
        %parallel_loop3A_1281 = vector.shape_cast %parallel_loop3A_1280 : vector<16xi32> to vector<16x1xi32>
        %parallel_loop3A_1282 = vector.shape_cast %parallel_loop3A_1281 : vector<16x1xi32> to vector<16xi32>
        %parallel_loop3A_1283 = tpu.dynamic_gather %parallel_loop3A_80[%parallel_loop3A_1282] in [0] : vector<16xi32>, vector<16xi32> -> vector<16xi32>
        %parallel_loop3A_1284 = arith.constant 0 : i32
        %parallel_loop3A_1285 = vector.broadcast %parallel_loop3A_1284 : i32 to vector<16xi32>
        %parallel_loop3A_1286 = arith.cmpi slt, %parallel_loop3A_1263, %parallel_loop3A_1285 : vector<16xi32>
        %parallel_loop3A_1287 = arith.constant 16 : i32
        %parallel_loop3A_1288 = vector.broadcast %parallel_loop3A_1287 : i32 to vector<16xi32>
        %parallel_loop3A_1289 = arith.addi %parallel_loop3A_1263, %parallel_loop3A_1288 : vector<16xi32>
        %parallel_loop3A_1290 = arith.select %parallel_loop3A_1286, %parallel_loop3A_1289, %parallel_loop3A_1263 : vector<16xi1>, vector<16xi32>
        %parallel_loop3A_1291 = vector.shape_cast %parallel_loop3A_1290 : vector<16xi32> to vector<16x1xi32>
        %parallel_loop3A_1292 = vector.shape_cast %parallel_loop3A_1291 : vector<16x1xi32> to vector<16xi32>
        %parallel_loop3A_1293 = tpu.dynamic_gather %parallel_loop3A_85[%parallel_loop3A_1292] in [0] : vector<16xi32>, vector<16xi32> -> vector<16xi32>
        %parallel_loop3A_1294 = arith.constant 0 : i32
        %parallel_loop3A_1295 = vector.broadcast %parallel_loop3A_1294 : i32 to vector<16xi32>
        %parallel_loop3A_1296 = arith.addi %iota3A, %parallel_loop3A_1295 : vector<16xi32>
        %parallel_loop3A_1297 = tpu.vector_load_idx %arg15[%parallel_loop3A_1273, %parallel_loop3A_1296] : memref<384x64xf32, #tpu.memory_space<vmem>>[vector<16xi32>, vector<16xi32>], vector<16xf32>,
        %parallel_loop3A_1298 = tpu.vector_load_idx %arg16[%parallel_loop3A_1283, %parallel_loop3A_1296] : memref<64x64xf32, #tpu.memory_space<vmem>>[vector<16xi32>, vector<16xi32>], vector<16xf32>,
        %parallel_loop3A_1299 = arith.addf %parallel_loop3A_1297, %parallel_loop3A_1298 : vector<16xf32>
        %parallel_loop3A_1300 = tpu.vector_load_idx %arg17[%parallel_loop3A_1293, %parallel_loop3A_1296] : memref<64x64xf32, #tpu.memory_space<vmem>>[vector<16xi32>, vector<16xi32>], vector<16xf32>,
        %parallel_loop3A_1301 = arith.addf %parallel_loop3A_1299, %parallel_loop3A_1300 : vector<16xf32>
        %parallel_loop3A_1302 = arith.constant 14 : i32
        %parallel_loop3A_1303 = arith.addi %parallel_loop3A_61, %parallel_loop3A_1302 : i32
        %parallel_loop3A_1304 = arith.index_cast %parallel_loop3A_1303 : i32 to index
        %parallel_loop3A_1305 = arith.constant 0 : index
        %parallel_loop3A_1306 = tpu.vector_load %arg18[%parallel_loop3A_1304, %parallel_loop3A_1305] {strides = array<i32>} : memref<1024x64xf32, #tpu.memory_space<vmem>>, vector<16xf32>,
        tpu.vector_store %arg18[%parallel_loop3A_1304, %parallel_loop3A_1305], %parallel_loop3A_1301 {strides = array<i32>} : memref<1024x64xf32, #tpu.memory_space<vmem>>, vector<16xf32>,
        %parallel_loop3A_1307 = arith.constant 16 : i32
        %parallel_loop3A_1308 = vector.broadcast %parallel_loop3A_1307 : i32 to vector<16xi32>
        %parallel_loop3A_1309 = arith.addi %iota3A, %parallel_loop3A_1308 : vector<16xi32>
        %parallel_loop3A_1310 = tpu.vector_load_idx %arg15[%parallel_loop3A_1273, %parallel_loop3A_1309] : memref<384x64xf32, #tpu.memory_space<vmem>>[vector<16xi32>, vector<16xi32>], vector<16xf32>,
        %parallel_loop3A_1311 = tpu.vector_load_idx %arg16[%parallel_loop3A_1283, %parallel_loop3A_1309] : memref<64x64xf32, #tpu.memory_space<vmem>>[vector<16xi32>, vector<16xi32>], vector<16xf32>,
        %parallel_loop3A_1312 = arith.addf %parallel_loop3A_1310, %parallel_loop3A_1311 : vector<16xf32>
        %parallel_loop3A_1313 = tpu.vector_load_idx %arg17[%parallel_loop3A_1293, %parallel_loop3A_1309] : memref<64x64xf32, #tpu.memory_space<vmem>>[vector<16xi32>, vector<16xi32>], vector<16xf32>,
        %parallel_loop3A_1314 = arith.addf %parallel_loop3A_1312, %parallel_loop3A_1313 : vector<16xf32>
        %parallel_loop3A_1315 = arith.constant 14 : i32
        %parallel_loop3A_1316 = arith.addi %parallel_loop3A_61, %parallel_loop3A_1315 : i32
        %parallel_loop3A_1317 = arith.index_cast %parallel_loop3A_1316 : i32 to index
        %parallel_loop3A_1318 = arith.constant 16 : index
        %parallel_loop3A_1319 = tpu.vector_load %arg18[%parallel_loop3A_1317, %parallel_loop3A_1318] {strides = array<i32>} : memref<1024x64xf32, #tpu.memory_space<vmem>>, vector<16xf32>,
        tpu.vector_store %arg18[%parallel_loop3A_1317, %parallel_loop3A_1318], %parallel_loop3A_1314 {strides = array<i32>} : memref<1024x64xf32, #tpu.memory_space<vmem>>, vector<16xf32>,
        %parallel_loop3A_1320 = arith.constant 32 : i32
        %parallel_loop3A_1321 = vector.broadcast %parallel_loop3A_1320 : i32 to vector<16xi32>
        %parallel_loop3A_1322 = arith.addi %iota3A, %parallel_loop3A_1321 : vector<16xi32>
        %parallel_loop3A_1323 = tpu.vector_load_idx %arg15[%parallel_loop3A_1273, %parallel_loop3A_1322] : memref<384x64xf32, #tpu.memory_space<vmem>>[vector<16xi32>, vector<16xi32>], vector<16xf32>,
        %parallel_loop3A_1324 = tpu.vector_load_idx %arg16[%parallel_loop3A_1283, %parallel_loop3A_1322] : memref<64x64xf32, #tpu.memory_space<vmem>>[vector<16xi32>, vector<16xi32>], vector<16xf32>,
        %parallel_loop3A_1325 = arith.addf %parallel_loop3A_1323, %parallel_loop3A_1324 : vector<16xf32>
        %parallel_loop3A_1326 = tpu.vector_load_idx %arg17[%parallel_loop3A_1293, %parallel_loop3A_1322] : memref<64x64xf32, #tpu.memory_space<vmem>>[vector<16xi32>, vector<16xi32>], vector<16xf32>,
        %parallel_loop3A_1327 = arith.addf %parallel_loop3A_1325, %parallel_loop3A_1326 : vector<16xf32>
        %parallel_loop3A_1328 = arith.constant 14 : i32
        %parallel_loop3A_1329 = arith.addi %parallel_loop3A_61, %parallel_loop3A_1328 : i32
        %parallel_loop3A_1330 = arith.index_cast %parallel_loop3A_1329 : i32 to index
        %parallel_loop3A_1331 = arith.constant 32 : index
        %parallel_loop3A_1332 = tpu.vector_load %arg18[%parallel_loop3A_1330, %parallel_loop3A_1331] {strides = array<i32>} : memref<1024x64xf32, #tpu.memory_space<vmem>>, vector<16xf32>,
        tpu.vector_store %arg18[%parallel_loop3A_1330, %parallel_loop3A_1331], %parallel_loop3A_1327 {strides = array<i32>} : memref<1024x64xf32, #tpu.memory_space<vmem>>, vector<16xf32>,
        %parallel_loop3A_1333 = arith.constant 48 : i32
        %parallel_loop3A_1334 = vector.broadcast %parallel_loop3A_1333 : i32 to vector<16xi32>
        %parallel_loop3A_1335 = arith.addi %iota3A, %parallel_loop3A_1334 : vector<16xi32>
        %parallel_loop3A_1336 = tpu.vector_load_idx %arg15[%parallel_loop3A_1273, %parallel_loop3A_1335] : memref<384x64xf32, #tpu.memory_space<vmem>>[vector<16xi32>, vector<16xi32>], vector<16xf32>,
        %parallel_loop3A_1337 = tpu.vector_load_idx %arg16[%parallel_loop3A_1283, %parallel_loop3A_1335] : memref<64x64xf32, #tpu.memory_space<vmem>>[vector<16xi32>, vector<16xi32>], vector<16xf32>,
        %parallel_loop3A_1338 = arith.addf %parallel_loop3A_1336, %parallel_loop3A_1337 : vector<16xf32>
        %parallel_loop3A_1339 = tpu.vector_load_idx %arg17[%parallel_loop3A_1293, %parallel_loop3A_1335] : memref<64x64xf32, #tpu.memory_space<vmem>>[vector<16xi32>, vector<16xi32>], vector<16xf32>,
        %parallel_loop3A_1340 = arith.addf %parallel_loop3A_1338, %parallel_loop3A_1339 : vector<16xf32>
        %parallel_loop3A_1341 = arith.constant 14 : i32
        %parallel_loop3A_1342 = arith.addi %parallel_loop3A_61, %parallel_loop3A_1341 : i32
        %parallel_loop3A_1343 = arith.index_cast %parallel_loop3A_1342 : i32 to index
        %parallel_loop3A_1344 = arith.constant 48 : index
        %parallel_loop3A_1345 = tpu.vector_load %arg18[%parallel_loop3A_1343, %parallel_loop3A_1344] {strides = array<i32>} : memref<1024x64xf32, #tpu.memory_space<vmem>>, vector<16xf32>,
        tpu.vector_store %arg18[%parallel_loop3A_1343, %parallel_loop3A_1344], %parallel_loop3A_1340 {strides = array<i32>} : memref<1024x64xf32, #tpu.memory_space<vmem>>, vector<16xf32>,
        %parallel_loop3A_1346 = arith.constant 15 : i32
        %parallel_loop3A_1347 = vector.broadcast %parallel_loop3A_1346 : i32 to vector<16xi32>
        %parallel_loop3A_1348 = arith.constant 0 : i32
        %parallel_loop3A_1349 = vector.broadcast %parallel_loop3A_1348 : i32 to vector<16xi32>
        %parallel_loop3A_1350 = arith.cmpi slt, %parallel_loop3A_1347, %parallel_loop3A_1349 : vector<16xi32>
        %parallel_loop3A_1351 = arith.constant 16 : i32
        %parallel_loop3A_1352 = vector.broadcast %parallel_loop3A_1351 : i32 to vector<16xi32>
        %parallel_loop3A_1353 = arith.addi %parallel_loop3A_1347, %parallel_loop3A_1352 : vector<16xi32>
        %parallel_loop3A_1354 = arith.select %parallel_loop3A_1350, %parallel_loop3A_1353, %parallel_loop3A_1347 : vector<16xi1>, vector<16xi32>
        %parallel_loop3A_1355 = vector.shape_cast %parallel_loop3A_1354 : vector<16xi32> to vector<16x1xi32>
        %parallel_loop3A_1356 = vector.shape_cast %parallel_loop3A_1355 : vector<16x1xi32> to vector<16xi32>
        %parallel_loop3A_1357 = tpu.dynamic_gather %parallel_loop3A_75[%parallel_loop3A_1356] in [0] : vector<16xi32>, vector<16xi32> -> vector<16xi32>
        %parallel_loop3A_1358 = arith.constant 0 : i32
        %parallel_loop3A_1359 = vector.broadcast %parallel_loop3A_1358 : i32 to vector<16xi32>
        %parallel_loop3A_1360 = arith.cmpi slt, %parallel_loop3A_1347, %parallel_loop3A_1359 : vector<16xi32>
        %parallel_loop3A_1361 = arith.constant 16 : i32
        %parallel_loop3A_1362 = vector.broadcast %parallel_loop3A_1361 : i32 to vector<16xi32>
        %parallel_loop3A_1363 = arith.addi %parallel_loop3A_1347, %parallel_loop3A_1362 : vector<16xi32>
        %parallel_loop3A_1364 = arith.select %parallel_loop3A_1360, %parallel_loop3A_1363, %parallel_loop3A_1347 : vector<16xi1>, vector<16xi32>
        %parallel_loop3A_1365 = vector.shape_cast %parallel_loop3A_1364 : vector<16xi32> to vector<16x1xi32>
        %parallel_loop3A_1366 = vector.shape_cast %parallel_loop3A_1365 : vector<16x1xi32> to vector<16xi32>
        %parallel_loop3A_1367 = tpu.dynamic_gather %parallel_loop3A_80[%parallel_loop3A_1366] in [0] : vector<16xi32>, vector<16xi32> -> vector<16xi32>
        %parallel_loop3A_1368 = arith.constant 0 : i32
        %parallel_loop3A_1369 = vector.broadcast %parallel_loop3A_1368 : i32 to vector<16xi32>
        %parallel_loop3A_1370 = arith.cmpi slt, %parallel_loop3A_1347, %parallel_loop3A_1369 : vector<16xi32>
        %parallel_loop3A_1371 = arith.constant 16 : i32
        %parallel_loop3A_1372 = vector.broadcast %parallel_loop3A_1371 : i32 to vector<16xi32>
        %parallel_loop3A_1373 = arith.addi %parallel_loop3A_1347, %parallel_loop3A_1372 : vector<16xi32>
        %parallel_loop3A_1374 = arith.select %parallel_loop3A_1370, %parallel_loop3A_1373, %parallel_loop3A_1347 : vector<16xi1>, vector<16xi32>
        %parallel_loop3A_1375 = vector.shape_cast %parallel_loop3A_1374 : vector<16xi32> to vector<16x1xi32>
        %parallel_loop3A_1376 = vector.shape_cast %parallel_loop3A_1375 : vector<16x1xi32> to vector<16xi32>
        %parallel_loop3A_1377 = tpu.dynamic_gather %parallel_loop3A_85[%parallel_loop3A_1376] in [0] : vector<16xi32>, vector<16xi32> -> vector<16xi32>
        %parallel_loop3A_1378 = arith.constant 0 : i32
        %parallel_loop3A_1379 = vector.broadcast %parallel_loop3A_1378 : i32 to vector<16xi32>
        %parallel_loop3A_1380 = arith.addi %iota3A, %parallel_loop3A_1379 : vector<16xi32>
        %parallel_loop3A_1381 = tpu.vector_load_idx %arg15[%parallel_loop3A_1357, %parallel_loop3A_1380] : memref<384x64xf32, #tpu.memory_space<vmem>>[vector<16xi32>, vector<16xi32>], vector<16xf32>,
        %parallel_loop3A_1382 = tpu.vector_load_idx %arg16[%parallel_loop3A_1367, %parallel_loop3A_1380] : memref<64x64xf32, #tpu.memory_space<vmem>>[vector<16xi32>, vector<16xi32>], vector<16xf32>,
        %parallel_loop3A_1383 = arith.addf %parallel_loop3A_1381, %parallel_loop3A_1382 : vector<16xf32>
        %parallel_loop3A_1384 = tpu.vector_load_idx %arg17[%parallel_loop3A_1377, %parallel_loop3A_1380] : memref<64x64xf32, #tpu.memory_space<vmem>>[vector<16xi32>, vector<16xi32>], vector<16xf32>,
        %parallel_loop3A_1385 = arith.addf %parallel_loop3A_1383, %parallel_loop3A_1384 : vector<16xf32>
        %parallel_loop3A_1386 = arith.constant 15 : i32
        %parallel_loop3A_1387 = arith.addi %parallel_loop3A_61, %parallel_loop3A_1386 : i32
        %parallel_loop3A_1388 = arith.index_cast %parallel_loop3A_1387 : i32 to index
        %parallel_loop3A_1389 = arith.constant 0 : index
        %parallel_loop3A_1390 = tpu.vector_load %arg18[%parallel_loop3A_1388, %parallel_loop3A_1389] {strides = array<i32>} : memref<1024x64xf32, #tpu.memory_space<vmem>>, vector<16xf32>,
        tpu.vector_store %arg18[%parallel_loop3A_1388, %parallel_loop3A_1389], %parallel_loop3A_1385 {strides = array<i32>} : memref<1024x64xf32, #tpu.memory_space<vmem>>, vector<16xf32>,
        %parallel_loop3A_1391 = arith.constant 16 : i32
        %parallel_loop3A_1392 = vector.broadcast %parallel_loop3A_1391 : i32 to vector<16xi32>
        %parallel_loop3A_1393 = arith.addi %iota3A, %parallel_loop3A_1392 : vector<16xi32>
        %parallel_loop3A_1394 = tpu.vector_load_idx %arg15[%parallel_loop3A_1357, %parallel_loop3A_1393] : memref<384x64xf32, #tpu.memory_space<vmem>>[vector<16xi32>, vector<16xi32>], vector<16xf32>,
        %parallel_loop3A_1395 = tpu.vector_load_idx %arg16[%parallel_loop3A_1367, %parallel_loop3A_1393] : memref<64x64xf32, #tpu.memory_space<vmem>>[vector<16xi32>, vector<16xi32>], vector<16xf32>,
        %parallel_loop3A_1396 = arith.addf %parallel_loop3A_1394, %parallel_loop3A_1395 : vector<16xf32>
        %parallel_loop3A_1397 = tpu.vector_load_idx %arg17[%parallel_loop3A_1377, %parallel_loop3A_1393] : memref<64x64xf32, #tpu.memory_space<vmem>>[vector<16xi32>, vector<16xi32>], vector<16xf32>,
        %parallel_loop3A_1398 = arith.addf %parallel_loop3A_1396, %parallel_loop3A_1397 : vector<16xf32>
        %parallel_loop3A_1399 = arith.constant 15 : i32
        %parallel_loop3A_1400 = arith.addi %parallel_loop3A_61, %parallel_loop3A_1399 : i32
        %parallel_loop3A_1401 = arith.index_cast %parallel_loop3A_1400 : i32 to index
        %parallel_loop3A_1402 = arith.constant 16 : index
        %parallel_loop3A_1403 = tpu.vector_load %arg18[%parallel_loop3A_1401, %parallel_loop3A_1402] {strides = array<i32>} : memref<1024x64xf32, #tpu.memory_space<vmem>>, vector<16xf32>,
        tpu.vector_store %arg18[%parallel_loop3A_1401, %parallel_loop3A_1402], %parallel_loop3A_1398 {strides = array<i32>} : memref<1024x64xf32, #tpu.memory_space<vmem>>, vector<16xf32>,
        %parallel_loop3A_1404 = arith.constant 32 : i32
        %parallel_loop3A_1405 = vector.broadcast %parallel_loop3A_1404 : i32 to vector<16xi32>
        %parallel_loop3A_1406 = arith.addi %iota3A, %parallel_loop3A_1405 : vector<16xi32>
        %parallel_loop3A_1407 = tpu.vector_load_idx %arg15[%parallel_loop3A_1357, %parallel_loop3A_1406] : memref<384x64xf32, #tpu.memory_space<vmem>>[vector<16xi32>, vector<16xi32>], vector<16xf32>,
        %parallel_loop3A_1408 = tpu.vector_load_idx %arg16[%parallel_loop3A_1367, %parallel_loop3A_1406] : memref<64x64xf32, #tpu.memory_space<vmem>>[vector<16xi32>, vector<16xi32>], vector<16xf32>,
        %parallel_loop3A_1409 = arith.addf %parallel_loop3A_1407, %parallel_loop3A_1408 : vector<16xf32>
        %parallel_loop3A_1410 = tpu.vector_load_idx %arg17[%parallel_loop3A_1377, %parallel_loop3A_1406] : memref<64x64xf32, #tpu.memory_space<vmem>>[vector<16xi32>, vector<16xi32>], vector<16xf32>,
        %parallel_loop3A_1411 = arith.addf %parallel_loop3A_1409, %parallel_loop3A_1410 : vector<16xf32>
        %parallel_loop3A_1412 = arith.constant 15 : i32
        %parallel_loop3A_1413 = arith.addi %parallel_loop3A_61, %parallel_loop3A_1412 : i32
        %parallel_loop3A_1414 = arith.index_cast %parallel_loop3A_1413 : i32 to index
        %parallel_loop3A_1415 = arith.constant 32 : index
        %parallel_loop3A_1416 = tpu.vector_load %arg18[%parallel_loop3A_1414, %parallel_loop3A_1415] {strides = array<i32>} : memref<1024x64xf32, #tpu.memory_space<vmem>>, vector<16xf32>,
        tpu.vector_store %arg18[%parallel_loop3A_1414, %parallel_loop3A_1415], %parallel_loop3A_1411 {strides = array<i32>} : memref<1024x64xf32, #tpu.memory_space<vmem>>, vector<16xf32>,
        %parallel_loop3A_1417 = arith.constant 48 : i32
        %parallel_loop3A_1418 = vector.broadcast %parallel_loop3A_1417 : i32 to vector<16xi32>
        %parallel_loop3A_1419 = arith.addi %iota3A, %parallel_loop3A_1418 : vector<16xi32>
        %parallel_loop3A_1420 = tpu.vector_load_idx %arg15[%parallel_loop3A_1357, %parallel_loop3A_1419] : memref<384x64xf32, #tpu.memory_space<vmem>>[vector<16xi32>, vector<16xi32>], vector<16xf32>,
        %parallel_loop3A_1421 = tpu.vector_load_idx %arg16[%parallel_loop3A_1367, %parallel_loop3A_1419] : memref<64x64xf32, #tpu.memory_space<vmem>>[vector<16xi32>, vector<16xi32>], vector<16xf32>,
        %parallel_loop3A_1422 = arith.addf %parallel_loop3A_1420, %parallel_loop3A_1421 : vector<16xf32>
        %parallel_loop3A_1423 = tpu.vector_load_idx %arg17[%parallel_loop3A_1377, %parallel_loop3A_1419] : memref<64x64xf32, #tpu.memory_space<vmem>>[vector<16xi32>, vector<16xi32>], vector<16xf32>,
        %parallel_loop3A_1424 = arith.addf %parallel_loop3A_1422, %parallel_loop3A_1423 : vector<16xf32>
        %parallel_loop3A_1425 = arith.constant 15 : i32
        %parallel_loop3A_1426 = arith.addi %parallel_loop3A_61, %parallel_loop3A_1425 : i32
        %parallel_loop3A_1427 = arith.index_cast %parallel_loop3A_1426 : i32 to index
        %parallel_loop3A_1428 = arith.constant 48 : index
        %parallel_loop3A_1429 = tpu.vector_load %arg18[%parallel_loop3A_1427, %parallel_loop3A_1428] {strides = array<i32>} : memref<1024x64xf32, #tpu.memory_space<vmem>>, vector<16xf32>,
        tpu.vector_store %arg18[%parallel_loop3A_1427, %parallel_loop3A_1428], %parallel_loop3A_1424 {strides = array<i32>} : memref<1024x64xf32, #tpu.memory_space<vmem>>, vector<16xf32>,
      } {sc.loop_unroll_factor = 2 : i64, sc.parallel_access}
      %parallel_loop3A_46 = arith.constant 128 : i32
      %parallel_loop3A_47 = arith.muli %parallel_loop3A_42, %parallel_loop3A_46 : i32
      %parallel_loop3A_48 = arith.constant 0 : i32
      %parallel_loop3A_49 = tpu.memref_slice %arg18[%parallel_loop3A_47, %parallel_loop3A_48] : memref<1024x64xf32, #tpu.memory_space<vmem>> -> memref<128x64xf32, #tpu.memory_space<vmem>>
      %parallel_loop3A_50 = arith.constant 0 : i32
      %parallel_loop3A_51 = tpu.memref_slice %arg10[%parallel_loop3A_42, %parallel_loop3A_50] : memref<8x128xi32, #tpu.memory_space<vmem>> -> memref<1x128xi32, #tpu.memory_space<vmem>>
      %parallel_loop3A_52 = tpu.memref_squeeze %parallel_loop3A_51 : memref<1x128xi32, #tpu.memory_space<vmem>> -> memref<128xi32, #tpu.memory_space<vmem>>
      %parallel_loop3A_53 = arith.constant 0 : i32
      %parallel_loop3A_54 = arith.constant 0 : i32
      %parallel_loop3A_55 = tpu.memref_slice %arg5[%parallel_loop3A_53, %parallel_loop3A_54] : memref<100001x64xf32, #tpu.memory_space<hbm>> -> memref<100001x64xf32, #tpu.memory_space<hbm>>
      tpu.enqueue_indirect_dma source(%parallel_loop3A_55 : memref<100001x64xf32, #tpu.memory_space<hbm>>) target(%parallel_loop3A_49 : memref<128x64xf32, #tpu.memory_space<vmem>>) offsets(%parallel_loop3A_52 : memref<128xi32, #tpu.memory_space<vmem>>) semaphore(%arg19 : memref<!tpu.dma_semaphore, #tpu.memory_space<semaphore_mem>>) {add = true}
    } {sc.loop_unroll_factor = 1 : i64, sc.parallel_access}
    %dma_wait3A = arith.constant 0 : i32
    %dma_wait3A_37 = tpu.memref_slice %arg9[%select_n3A, %mul3A_32, %dma_wait3A] : memref<4x8192x128xf32, #tpu.memory_space<hbm>> -> memref<1x1024x64xf32, #tpu.memory_space<hbm>>
    %dma_wait3A_38 = tpu.memref_squeeze %dma_wait3A_37 : memref<1x1024x64xf32, #tpu.memory_space<hbm>> -> memref<1024x64xf32, #tpu.memory_space<hbm>>
    %dma_wait3A_39 = arith.constant 0 : i32
    %dma_wait3A_40 = tpu.memref_slice %arg9[%select_n3A, %mul3A_32, %dma_wait3A_39] : memref<4x8192x128xf32, #tpu.memory_space<hbm>> -> memref<1x1024x64xf32, #tpu.memory_space<hbm>>
    %dma_wait3A_41 = tpu.memref_squeeze %dma_wait3A_40 : memref<1x1024x64xf32, #tpu.memory_space<hbm>> -> memref<1024x64xf32, #tpu.memory_space<hbm>>
    tpu.wait_dma2 semaphore(%arg19 : memref<!tpu.dma_semaphore, #tpu.memory_space<semaphore_mem>>) src(%dma_wait3A_41 : memref<1024x64xf32, #tpu.memory_space<hbm>>) dst(%arg18 : memref<1024x64xf32, #tpu.memory_space<vmem>>)
    "tpu.region"() ({
      %run_scoped3A_42 = tpu.sem_alloc : memref<!tpu.dma_semaphore, #tpu.memory_space<semaphore_mem>>
      %dma_start3A = arith.constant 0 : i32
      %dma_start3A_43 = tpu.memref_slice %arg9[%select_n3A, %mul3A_32, %dma_start3A] : memref<4x8192x128xf32, #tpu.memory_space<hbm>> -> memref<1x1024x64xf32, #tpu.memory_space<hbm>>
      %dma_start3A_44 = tpu.memref_squeeze %dma_start3A_43 : memref<1x1024x64xf32, #tpu.memory_space<hbm>> -> memref<1024x64xf32, #tpu.memory_space<hbm>>
      %dma_start3A_45 = arith.constant 0 : i32
      %dma_start3A_46 = tpu.memref_slice %arg9[%select_n3A, %mul3A_32, %dma_start3A_45] : memref<4x8192x128xf32, #tpu.memory_space<hbm>> -> memref<1x1024x64xf32, #tpu.memory_space<hbm>>
      %dma_start3A_47 = tpu.memref_squeeze %dma_start3A_46 : memref<1x1024x64xf32, #tpu.memory_space<hbm>> -> memref<1024x64xf32, #tpu.memory_space<hbm>>
      tpu.enqueue_dma source(%arg18 : memref<1024x64xf32, #tpu.memory_space<vmem>>) target(%dma_start3A_47 : memref<1024x64xf32, #tpu.memory_space<hbm>>) target_semaphore(%run_scoped3A_42 : memref<!tpu.dma_semaphore, #tpu.memory_space<semaphore_mem>>)
      %dma_wait3A_48 = arith.constant 0 : i32
      %dma_wait3A_49 = tpu.memref_slice %arg9[%select_n3A, %mul3A_32, %dma_wait3A_48] : memref<4x8192x128xf32, #tpu.memory_space<hbm>> -> memref<1x1024x64xf32, #tpu.memory_space<hbm>>
      %dma_wait3A_50 = tpu.memref_squeeze %dma_wait3A_49 : memref<1x1024x64xf32, #tpu.memory_space<hbm>> -> memref<1024x64xf32, #tpu.memory_space<hbm>>
      %dma_wait3A_51 = arith.constant 0 : i32
      %dma_wait3A_52 = tpu.memref_slice %arg9[%select_n3A, %mul3A_32, %dma_wait3A_51] : memref<4x8192x128xf32, #tpu.memory_space<hbm>> -> memref<1x1024x64xf32, #tpu.memory_space<hbm>>
      %dma_wait3A_53 = tpu.memref_squeeze %dma_wait3A_52 : memref<1x1024x64xf32, #tpu.memory_space<hbm>> -> memref<1024x64xf32, #tpu.memory_space<hbm>>
      tpu.wait_dma2 semaphore(%run_scoped3A_42 : memref<!tpu.dma_semaphore, #tpu.memory_space<semaphore_mem>>) src(%arg18 : memref<1024x64xf32, #tpu.memory_space<vmem>>) dst(%dma_wait3A_53 : memref<1024x64xf32, #tpu.memory_space<hbm>>)
      tpu.yield
    }) : () -> ()
    return
  }
}

</mosaic_0001>

<sc_bundles>
// kernel: _run.3.cloned.1.call-start
scs
__scs_entry_jumppad:
0x0: {  	(pc) =	sbr.rel $0x88, $3  }
0x1: {  	(tag) =	ssettag $0x0;
	lr =	simm.s32 $0x1  }
0x2: {  	[smem:$0x3F9A] =	sst lr;
	_ =	strace $0xD0000000  }
0x3: {  	_ = 	snop  }
0x4: {  	_ = 	snop  }
0x5: {  	_ = 	snop  }
0x6: {  	_ = 	snop  }
0x7: {  	_ = 	snop  }
__scs_overlays_trampoline_lowered:
0x8: {  	[smem:$0x3FA9] =	sst s0  }
0x9: {  	[smem:$0x3FAA] =	sst s1  }
0xa: {  	[smem:$0x3FAB] =	sst s2  }
0xb: {  	[smem:$0x3FAC] =	sst s3  }
0xc: {  	[smem:$0x3FAD] =	sst s4  }
0xd: {  	[smem:$0x3FAE] =	sst s5  }
0xe: {  	[smem:$0x3FAF] =	sst s6  }
0xf: {  	[smem:$0x3FB0] =	sst s7  }
0x10: {  	[smem:$0x3FB1] =	sst s8  }
0x11: {  	[smem:$0x3FB2] =	sst s9;
	s0 =	simm.s32 @!p0 $0x0  }
0x12: {  	s1 =	sld [smem:$0x3F98];
	s0 =	simm.s32 @p0 $0x1  }
0x13: {  	[smem:$0x3FB3] =	sst s0;
	s0 =	simm.s32 @!p1 $0x0  }
0x14: {  	s2 =	sld [smem:$0x3F97];
	s0 =	simm.s32 @p1 $0x1  }
0x15: {  	[smem:$0x3FB4] =	sst s0;
	s0 =	simm.s32 @!p2 $0x0  }
0x16: {  	s3 =	sld [smem:$0x3FDB];
	s0 =	simm.s32 @p2 $0x1  }
0x17: {  	s4 =	simm.s32 $0x1BF5;
	[smem:$0x3FB6] =	sst s0  }
0x18: {  	s0 =	sld [smem:$0x3F99];
	_ =	swait.ge [sflag:s4], $0x0  }
0x19: {  	s7 =	sld [smem:$0x3F9A]  }
0x1a: {  	s8 =	sadd.s32 $0xFFFFE003, lr  }
0x1b: {  	s9 =	sadd.s32 $0xFFFFFEF7, lr;
	s5 =	simm.s32 $0xFFFFFFFF;
	p2 =	slt.u32 s8, $0xFFFFF086  }
0x1c: {  	p1 =	slt.u32 s9, $0xF7A;
	s5 =	simm.s32 @!p2 $0x0  }
0x1d: {  	s5 =	simm.s32 @p1 $0x1;
	p0 =	seq.s32 s7, s2  }
0x1e: {  	s7 =	smul.u32 @!p0 $0xF7A, s2;
	p2 =	seq.s32 @!p0 s5, $0x0  }
0x1f: {  	s9 =	smul.u32 $0xF7A, s1;
	s8 =	simm.s32 @!p0 $0x1BF5;
	p2 =	por !p2, p0  }
0x20: {  	[sflag:s8] =	ssyncset.s32 @!p0 $0xFFFFF086;
	s6 =	sadd.s32 @!p0 s3, s7;
	s7 =	simm.s32 @!p0 $0x108  }
0x21: {  	s3 =	sadd.s32 s3, s9;
	s6 =	sadd.s32 @!p0 $0x88, s6;
	s7 =	simm.s32 @p2 $0x1082  }
0x22: {  	[simem:s7], [sflag:s8] =	dma.local @!p0 [hbm:s6], $0xF7A  }
0x23: {  	s9 =	sor.u32 $0xD0000000, s2;
	s6 =	simm.s32 $0x108;
	_ =	swait.ge @!p0 [sflag:s8], $0x0  }
0x24: {  	s3 =	sadd.s32 $0x88, s3;
	s6 =	simm.s32 @!p1 $0x1082;
	[sflag:s4] =	ssyncset.s32 $0xFFFFF086  }
0x25: {  	[simem:s6], [sflag:s4] =	dma.local [hbm:s3], $0xF7A  }
0x26: {  	[smem:$0x3F9A] =	sst s1;
	(tag) =	ssettag s2;
	_ =	strace s9  }
0x27: {  	s1 =	sld [smem:$0x3FAA]  }
0x28: {  	s2 =	sld [smem:$0x3FAB]  }
0x29: {  	s4 =	sld [smem:$0x3FAD]  }
0x2a: {  	p0 =	seq.s32 s5, $0x0;
	s5 =	sld [smem:$0x3FAE]  }
0x2b: {  	s6 =	sld [smem:$0x3FAF]  }
0x2c: {  	s7 =	sld [smem:$0x3FB0]  }
0x2d: {  	s3 =	simm.s32 $0x108;
	s8 =	sld [smem:$0x3FB1]  }
0x2e: {  	s3 =	simm.s32 @!p0 $0x1082;
	s9 =	sld [smem:$0x3FB2]  }
0x2f: {  	lr =	sadd.s32 s0, s3;
	s0 =	sld [smem:$0x3FA9]  }
0x30: {  	s3 =	sld [smem:$0x3FAC]  }
0x31: {  	[smem:$0x3FB5] =	sst s10  }
0x32: {  	s10 =	sld [smem:$0x3FB3];
	_ =	sdelay $0x3  }
0x33: {  	p0 =	seq.s32 s10, $0x1;
	s10 =	sld [smem:$0x3FB5];
	_ =	sdelay $0x3  }
0x34: {  	[smem:$0x3FB5] =	sst s10  }
0x35: {  	s10 =	sld [smem:$0x3FB4];
	_ =	sdelay $0x3  }
0x36: {  	p1 =	seq.s32 s10, $0x1;
	s10 =	sld [smem:$0x3FB5];
	_ =	sdelay $0x3  }
0x37: {  	[smem:$0x3FB5] =	sst s10  }
0x38: {  	s10 =	sld [smem:$0x3FB6]  }
0x39: {  	_ = 	snop;
	(pc) =	sbr.ind lr, $3  }
0x3a: {  	_ = 	snop  }
0x3b: {  	_ = 	snop  }
0x3c: {  	p2 =	seq.s32 s10, $0x1;
	s10 =	sld [smem:$0x3FB5]  }
0x3d: {  	_ =	shalt  }
0x3e: {  	_ =	shalt  }
0x3f: {  	_ =	shalt  }
0x40: {  	_ =	shalt  }
0x41: {  	_ =	shalt  }
0x42: {  	_ =	shalt  }
0x43: {  	_ =	shalt  }
0x44: {  	_ =	shalt  }
0x45: {  	_ =	shalt  }
0x46: {  	_ =	shalt  }
0x47: {  	_ =	shalt  }
0x48: {  	_ =	shalt  }
0x49: {  	_ =	shalt  }
0x4a: {  	_ =	shalt  }
0x4b: {  	_ =	shalt  }
0x4c: {  	_ =	shalt  }
0x4d: {  	_ =	shalt  }
0x4e: {  	_ =	shalt  }
0x4f: {  	_ =	shalt  }
0x50: {  	_ =	shalt  }
0x51: {  	_ =	shalt  }
0x52: {  	_ =	shalt  }
0x53: {  	_ =	shalt  }
0x54: {  	_ =	shalt  }
0x55: {  	_ =	shalt  }
0x56: {  	_ =	shalt  }
0x57: {  	_ =	shalt  }
0x58: {  	_ =	shalt  }
0x59: {  	_ =	shalt  }
0x5a: {  	_ =	shalt  }
0x5b: {  	_ =	shalt  }
0x5c: {  	_ =	shalt  }
0x5d: {  	_ =	shalt  }
0x5e: {  	_ =	shalt  }
0x5f: {  	_ =	shalt  }
0x60: {  	_ =	shalt  }
0x61: {  	_ =	shalt  }
0x62: {  	_ =	shalt  }
0x63: {  	_ =	shalt  }
0x64: {  	_ =	shalt  }
0x65: {  	_ =	shalt  }
0x66: {  	_ =	shalt  }
0x67: {  	_ =	shalt  }
0x68: {  	_ =	shalt  }
0x69: {  	_ =	shalt  }
0x6a: {  	_ =	shalt  }
0x6b: {  	_ =	shalt  }
0x6c: {  	_ =	shalt  }
0x6d: {  	_ =	shalt  }
0x6e: {  	_ =	shalt  }
0x6f: {  	_ =	shalt  }
0x70: {  	_ =	shalt  }
0x71: {  	_ =	shalt  }
0x72: {  	_ =	shalt  }
0x73: {  	_ =	shalt  }
0x74: {  	_ =	shalt  }
0x75: {  	_ =	shalt  }
0x76: {  	_ =	shalt  }
0x77: {  	_ =	shalt  }
0x78: {  	_ =	shalt  }
0x79: {  	_ =	shalt  }
0x7a: {  	_ =	shalt  }
0x7b: {  	_ =	shalt  }
0x7c: {  	_ =	shalt  }
0x7d: {  	_ =	shalt  }
0x7e: {  	_ =	shalt  }
0x7f: {  	_ =	shalt  }
0x80: {  	_ =	shalt  }
0x81: {  	_ =	shalt  }
0x82: {  	_ =	shalt  }
0x83: {  	_ =	shalt  }
0x84: {  	_ =	shalt  }
0x85: {  	_ =	shalt  }
0x86: {  	_ =	shalt  }
0x87: {  	_ =	shalt  }
.Lfunc_end0:
.L_simem_size_0:
called_computation_lowered:
.L_overlay_start_0:
0x88: {  	s2 =	sld [smem:$0x3FD9]  }
0x89: {  	s3 =	sld [smem:$0x3FFE];
	_ =	sdelay $0x1  }
0x8a: {  	s1 =	srdreg.scid  }
0x8b: {  	s0 =	sand.u32 $0x1, s1  }
0x8c: {  	s17 =	sshll.u32 s0, $0xA;
	s2 =	sadd.s32 s3, s2  }
0x8d: {  	s2 =	sadd.s32 s2, s17  }
0x8e: {  	[smem:$0x3FC1] =	sst s2  }
0x8f: {  	_ = 	snop  }
0x90: {  	s2 =	sld [smem:$0x3FD0];
	(tm) =	ssettm $0x1  }
0x91: {  	s18 =	sld [smem:$0x3FFB];
	_ =	sdelay $0x3  }
0x92: {  	_ =	strace s18  }
0x93: {  	s3 =	sld [smem:$0x3FFC];
	_ =	sdelay $0x3  }
0x94: {  	_ =	strace s3  }
0x95: {  	s3 =	sld [smem:$0x3FFD];
	_ =	sdelay $0x3  }
0x96: {  	_ =	strace s3  }
0x97: {  	_ =	strace $0x8FFFFFFF  }
0x98: {  	s19 =	sld [smem:$0x3FDB];
	_ =	sdelay $0x1  }
0x99: {  	s4 =	simm.s32 $_scs_section_size  }
0x9a: {  	s5 =	simm.s32 $_size__tile_overlayer_lowered;
	s6 =	simm.s32 $_tile_overlayer_lowered  }
0x9b: {  	s22 =	simm.s32 $0x1BFF;
	s21 =	sshll.u32 s6, $0x1;
	s3 =	sadd.s32 s4, s19  }
0x9c: {  	s7 =	simm.s32 $0x0;
	s20 =	sshll.u32 s5, $0x1;
	s5 =	sadd.s32 s21, s3  }
0x9d: {  	[timem:s7], [sflag:s22] =	dma.local [hbm:s5], s20  }
0x9e: {  	_ =	swait.ge [sflag:s22], s20  }
0x9f: {  	s4 =	ssub.s32 $0x0, s20;
	[sflag:s22] =	ssyncset.done $0x0  }
0xa0: {  	[sflag:s22] =	ssyncadd.s32 s4;
	_ =	sdelay $0x1  }
0xa1: {  	s23 =	simm.s32 $0x1B8B  }
0xa2: {  	_ =	swait.ge [sflag:s23], $0x1  }
0xa3: {  	[sflag:s23] =	ssyncset.done $0x0  }
0xa4: {  	s25 =	simm.s32 $0x1B8E;
	s24 =	sld [smem:$0x3FFE];
	[sflag:s23] =	ssyncadd.s32 $0xFFFFFFFF  }
0xa5: {  	s26 =	simm.s32 $execute0_lowered;
	[smem:$0x3FD2] =	sst s25  }
0xa6: {  	s5 =	sshll.u32 s26, $0x1;
	_ =	strace $0x80000046;
	[dreg:$0x1] =	wrdreg $0xFFFFFFFF  }
0xa7: {  	s28 =	simm.s32 $_size_execute0_lowered;
	s3 =	sadd.s32 s3, s5;
	[dreg:$0x0] =	wrdreg $0x0  }
0xa8: {  	s5 =	sshll.u32 s28, $0x1;
	[dreg:$0x2] =	wrdreg s3  }
0xa9: {  	[dreg:$0x3] =	wrdreg s5  }
0xaa: {  	[dreg:$0x4] =	wrdreg $0xC0  }
0xab: {  	_ =	task [dreg:s7], $0x5FFFF  }
0xac: {  	[dreg:$0x1] =	wrdreg $0xFFFFFFFF  }
0xad: {  	[dreg:$0x0] =	wrdreg $0x60  }
0xae: {  	[dreg:$0x2] =	wrdreg s24  }
0xaf: {  	[dreg:$0x3] =	wrdreg s2  }
0xb0: {  	[dreg:$0x4] =	wrdreg $0x9  }
0xb1: {  	_ =	task.clear_ibuf [dreg:s7], $0x5FFFF;
	_ =	strace $0x90000046  }
0xb2: {  	s29 =	simm.s32 $0x9;
	_ =	strace $0x80000048  }
0xb3: {  	_ =	swait.ge [sflag:s29], $0x1  }
0xb4: {  	[sflag:s29] =	ssyncadd.s32 $0xFFFFFFFF  }
0xb5: {  	_ =	strace $0x90000048  }
0xb6: {  	_ =	sfence  }
0xb7: {  	s30 =	sld [smem:$0x0];
	_ =	sdelay $0x2  }
0xb8: {  	s31 =	sshll.u32 s1, $0xD;
	s1 =	sshrl.u32 s1, $0x2  }
0xb9: {  	s3 =	sand.u32 $0x4000, s31;
	s1 =	sadd.s32 s1, s30  }
0xba: {  	s0 =	sor.u32 s3, s0;
	s1 =	sshll.u32 s1, $0x11  }
0xbb: {  	s0 =	sor.u32 s1, s0  }
0xbc: {  	s0 =	sadd.s32 $0x8F2B, s0  }
0xbd: {  	[sflag:s0] =	ssyncadd.remote.s32 $0x1  }
0xbe: {  	_ =	sfence.sel $0xFFFF  }
0xbf: {  	[dreg:$0x0] =	wrdreg $0xFFFFFFFF;
	(pc) =	sbr.abs _section_cstart, $3  }
0xc0: {  	[dreg:$0x1] =	wrdreg $0xFFFFFFFF  }
0xc1: {  	_ =	task.clear_ibuf [dreg:s7], $0x2FFFF;
	_ =	strace $0x9FFFFFFF  }
0xc2: {  	(tm) =	ssettm $0x7FFFFFFF  }
0xc3: {  	_ =	shalt  }
tec
execute0_lowered:
.L_overlay_start_1:
0x0: {  	(tag) =	ssettag $0x1  }
0x1: {  	s0 =	rddreg [dreg:$0x0]  }
0x2: {  	s1 =	rddreg [dreg:$0x1]  }
0x3: {  	s3 =	srdreg.scid;
	s10 =	stileid.u32;
	s2 =	simm.s32 $0x0  }
0x4: {  	s14 =	simm.s32 $0x2;
	s19 =	simm.s32 $0x1400;
	s20 =	simm.s32 $0x7400  }
0x5: {  	s21 =	simm.s32 $0x8400;
	s22 =	simm.s32 $0x80;
	s23 =	simm.s32 $0x1  }
0x6: {  	s26 =	simm.s32 $0x0;
	s4 =	sand.u32 $0x1, s3;
	s30 =	sshll.u32 s10, $0x1  }
0x7: {  	[smem:$0x7FF] =	sst s2;
	s5 =	sadd.s32 $0x6E00, s0;
	s6 =	sadd.s32 $0x6C00, s0  }
0x8: {  	v0 =	vimm.s32 $0x6;
	v1 =	vlaneseq.u32;
	s10 =	sshll.u32 s10, $0xF;
	s7 =	sor.u32 s4, s30;
	_ =	strace $0x80000047  }
0x9: {  	v2 =	vimm.s32 $0x0;
	v6 =	vimm.s32 $0x1;
	v7 =	vimm.s32 $0x2;
	s8 =	ssub.s32 $0x2, s4;
	s4 =	sadd.s32 $0x4000, s0;
	s13 =	sand.u32 $0x60000, s10  }
0xa: {  	v8 =	vimm.s32 $0x3;
	v9 =	vimm.s32 $0x4;
	v10 =	vimm.s32 $0x5;
	s3 =	sshll.u32 s7, $0x7;
	s9 =	sshrl.u32 s8, $0x1;
	s7 =	sshll.u32 s7, $0xE  }
0xb: {  	v11 =	vimm.s32 $0x7;
	v12 =	vimm.s32 $0x8;
	v13 =	vimm.s32 $0x9;
	s1 =	sadd.s32 s1, s13;
	s11 =	sadd.s32 s3, s0;
	s3 =	sadd.s32 $0x187C00, s0  }
0xc: {  	v14 =	vimm.s32 $0xA;
	v15 =	vimm.s32 $0xB;
	v16 =	vimm.s32 $0xC;
	s31 =	ssub.s32 s8, s9;
	s12 =	sand.u32 $0x1C000, s7;
	s7 =	sadd.s32 $0x5C00, s11  }
0xd: {  	v17 =	vimm.s32 $0xD;
	v18 =	vimm.s32 $0xE;
	v19 =	vimm.s32 $0xF;
	s8 =	sadd.s32 $0x4C00, s11;
	s9 =	sadd.s32 $0x1000, s11;
	s10 =	sadd.s32 $0x2000, s11  }
0xe: {  	v3 =	vor.u32 $0x10, v1;
	v4 =	vor.u32 $0x20, v1;
	v5 =	vor.u32 $0x30, v1;
	s11 =	sadd.s32 $0x3000, s11;
	s12 =	sadd.s32 s12, s1;
	s13 =	smax.u32 s31, $0x1  }
.LBB2_1:
0xf: {  	[tilespmem:s2], [sflag:$0x2] =	stream.linear.gather [hbm4b:s7+s2], $0x400, $0x38;
	[tilespmem:$0x19400] =	vst v63  }
0x10: {  	_ =	swait.ge [sflag:s14], $0x400  }
0x11: {  	[sflag:s14] =	ssyncset.done $0x0  }
0x12: {  	s0 =	simm.s32 $0x400;
	[sflag:s14] =	ssyncadd.s32 $0xFFFFFC00  }
0x13: {  	[tilespmem:s0], [sflag:$0x2] =	stream.linear.gather [hbm4b:s8+s2], $0x400, $0x38;
	[tilespmem:$0x19400] =	vst v63  }
0x14: {  	_ =	swait.ge [sflag:s14], $0x400  }
0x15: {  	[sflag:s14] =	ssyncset.done $0x0  }
0x16: {  	s29 =	simm.s32 $0x800;
	[sflag:s14] =	ssyncadd.s32 $0xFFFFFC00  }
0x17: {  	[tilespmem:s29], [sflag:$0x2] =	stream.linear.gather [hbm4b:s9+s2], $0x400, $0x38;
	[tilespmem:$0x19400] =	vst v63  }
0x18: {  	_ =	swait.ge [sflag:s14], $0x400  }
0x19: {  	[sflag:s14] =	ssyncset.done $0x0  }
0x1a: {  	s30 =	simm.s32 $0xC00;
	[sflag:s14] =	ssyncadd.s32 $0xFFFFFC00  }
0x1b: {  	[tilespmem:s30], [sflag:$0x2] =	stream.linear.gather [hbm4b:s10+s2], $0x400, $0x38;
	[tilespmem:$0x19400] =	vst v63  }
0x1c: {  	_ =	swait.ge [sflag:s14], $0x400  }
0x1d: {  	[sflag:s14] =	ssyncset.done $0x0  }
0x1e: {  	s31 =	simm.s32 $0x1000;
	[sflag:s14] =	ssyncadd.s32 $0xFFFFFC00  }
0x1f: {  	[tilespmem:s31], [sflag:$0x2] =	stream.linear.gather [hbm4b:s11+s2], $0x400, $0x38;
	[tilespmem:$0x19400] =	vst v63  }
0x20: {  	_ =	swait.ge [sflag:s14], $0x400  }
0x21: {  	[sflag:s14] =	ssyncset.done $0x0  }
0x22: {  	[sflag:s14] =	ssyncadd.s32 $0xFFFFFC00  }
0x23: {  	[tilespmem:s19], [sflag:$0x2] =	stream.linear.gather [hbm4b:s4+s2], $0x6000, $0x38;
	[tilespmem:$0x19400] =	vst v63  }
0x24: {  	_ =	swait.ge [sflag:s14], $0x6000  }
0x25: {  	[sflag:s14] =	ssyncset.done $0x0  }
0x26: {  	[sflag:s14] =	ssyncadd.s32 $0xFFFFA000  }
0x27: {  	[tilespmem:s20], [sflag:$0x2] =	stream.linear.gather [hbm4b:s5+s2], $0x1000, $0x38;
	[tilespmem:$0x19400] =	vst v63  }
0x28: {  	_ =	swait.ge [sflag:s14], $0x1000  }
0x29: {  	[sflag:s14] =	ssyncset.done $0x0  }
0x2a: {  	[sflag:s14] =	ssyncadd.s32 $0xFFFFF000  }
0x2b: {  	[tilespmem:s21], [sflag:$0x2] =	stream.linear.gather [hbm4b:s6+s2], $0x1000, $0x38;
	[tilespmem:$0x19400] =	vst v63  }
0x2c: {  	s25 =	simm.s32 $0x1010;
	s24 =	simm.s32 $0xC10;
	_ =	swait.ge [sflag:s14], $0x1000  }
0x2d: {  	s18 =	simm.s32 $0x810;
	s17 =	simm.s32 $0x410;
	[sflag:s14] =	ssyncset.done $0x0  }
0x2e: {  	s16 =	simm.s32 $0x9800;
	s1 =	simm.s32 $0x0;
	[sflag:s14] =	ssyncadd.s32 $0xFFFFF000  }
.LBB2_2:
0x2f: {  	s15 =	simm.s32 $0xFFFFFFFE;
	s0 =	smov.u32 s16;
	s31 =	smov.u32 s17  }
0x30: {  	s30 =	smov.u32 s18;
	s29 =	smov.u32 s24;
	s28 =	smov.u32 s25  }
.LBB2_3:
0x31: {  	v21 =	vld [tilespmem:s31+$0xFFFFFFF0]  }
0x32: {  	v22 =	vld [tilespmem:s30+$0xFFFFFFF0]  }
0x33: {  	v20 =	vld [tilespmem:s29+$0xFFFFFFF0];
	_ =	sdelay $0x2  }
0x34: {  	v23 =	vshll.u32 v21, $0x6;
	v21 =	vld [tilespmem:s28+$0xFFFFFFF0];
	_ =	sdelay $0x1  }
0x35: {  	v24 =	vperm.xlane v20, v2;
	v22 =	vadd.s32 v22, v23  }
0x36: {  	v23 =	vperm.xlane v22, v2  }
0x37: {  	v24 =	vshll.u32 v24, $0x6  }
0x38: {  	v27 =	vor.u32 v1, v24;
	v23 =	vshll.u32 v23, $0x6;
	v25 =	vperm.xlane v21, v2  }
0x39: {  	v26 =	vor.u32 v1, v23  }
0x3a: {  	v25 =	vshll.u32 v25, $0x6  }
0x3b: {  	v28 =	vor.u32 v1, v25;
	_ =	sdelay $0x1  }
0x3c: {  	v27 =	vld.idx.msk [tilespmem:v27+s20+$0x0], $0xffff  }
0x3d: {  	v26 =	vld.idx.msk [tilespmem:v26+s19+$0x0], $0xffff;
	_ =	sdelay $0x1  }
0x3e: {  	v28 =	vld.idx.msk [tilespmem:v28+s21+$0x0], $0xffff;
	_ =	sdelay $0x2  }
0x3f: {  	v37 =	vor.u32 v3, v23;
	v26 =	vadd.f32 v27, v26  }
0x40: {  	v29 =	vor.u32 v3, v24  }
0x41: {  	v26 =	vadd.f32 v28, v26  }
0x42: {  	v38 =	vor.u32 v3, v25  }
0x43: {  	[tilespmem:s0+$0xFFFFFC00] =	vst v26  }
0x44: {  	v26 =	vld.idx.msk [tilespmem:v37+s19+$0x0], $0xffff  }
0x45: {  	v39 =	vld.idx.msk [tilespmem:v29+s20+$0x0], $0xffff;
	_ =	sdelay $0x1  }
0x46: {  	v28 =	vld.idx.msk [tilespmem:v38+s21+$0x0], $0xffff;
	_ =	sdelay $0x2  }
0x47: {  	v40 =	vor.u32 v4, v23;
	v26 =	vadd.f32 v39, v26  }
0x48: {  	v41 =	vor.u32 v4, v24  }
0x49: {  	v26 =	vadd.f32 v28, v26  }
0x4a: {  	v42 =	vor.u32 v4, v25  }
0x4b: {  	[tilespmem:s0+$0xFFFFFC10] =	vst v26  }
0x4c: {  	v26 =	vld.idx.msk [tilespmem:v40+s19+$0x0], $0xffff  }
0x4d: {  	v43 =	vld.idx.msk [tilespmem:v41+s20+$0x0], $0xffff;
	_ =	sdelay $0x1  }
0x4e: {  	v28 =	vld.idx.msk [tilespmem:v42+s21+$0x0], $0xffff;
	_ =	sdelay $0x2  }
0x4f: {  	v23 =	vor.u32 v5, v23;
	v26 =	vadd.f32 v43, v26  }
0x50: {  	v24 =	vor.u32 v5, v24  }
0x51: {  	v26 =	vadd.f32 v28, v26  }
0x52: {  	v25 =	vor.u32 v5, v25  }
0x53: {  	[tilespmem:s0+$0xFFFFFC20] =	vst v26  }
0x54: {  	v23 =	vld.idx.msk [tilespmem:v23+s19+$0x0], $0xffff  }
0x55: {  	v24 =	vld.idx.msk [tilespmem:v24+s20+$0x0], $0xffff;
	_ =	sdelay $0x1  }
0x56: {  	v44 =	vperm.xlane v22, v6;
	v25 =	vld.idx.msk [tilespmem:v25+s21+$0x0], $0xffff;
	_ =	sdelay $0x1  }
0x57: {  	v26 =	vshll.u32 v44, $0x6  }
0x58: {  	v45 =	vor.u32 v1, v26;
	v23 =	vadd.f32 v24, v23;
	_ =	sdelay $0x1  }
0x59: {  	v23 =	vadd.f32 v25, v23;
	_ =	sdelay $0x1  }
0x5a: {  	[tilespmem:s0+$0xFFFFFC30] =	vst v23  }
0x5b: {  	v46 =	vld.idx.msk [tilespmem:v45+s19+$0x0], $0xffff  }
0x5c: {  	v47 =	vld [tilespmem:s31+$0x0]  }
0x5d: {  	v48 =	vld [tilespmem:s30+$0x0]  }
0x5e: {  	v24 =	vld [tilespmem:s29+$0x0];
	_ =	sdelay $0x2  }
0x5f: {  	v23 =	vld [tilespmem:s28+$0x0]  }
0x60: {  	v49 =	vshll.u32 v47, $0x6  }
0x61: {  	v50 =	vperm.xlane v24, v2;
	v25 =	vadd.s32 v48, v49  }
0x62: {  	v28 =	vperm.xlane v25, v2  }
0x63: {  	v29 =	vshll.u32 v50, $0x6  }
0x64: {  	v30 =	vperm.xlane v23, v2;
	v32 =	vor.u32 v1, v29;
	v28 =	vshll.u32 v28, $0x6  }
0x65: {  	v31 =	vor.u32 v1, v28  }
0x66: {  	v30 =	vshll.u32 v30, $0x6  }
0x67: {  	v33 =	vor.u32 v1, v30;
	_ =	sdelay $0x1  }
0x68: {  	v32 =	vld.idx.msk [tilespmem:v32+s20+$0x0], $0xffff  }
0x69: {  	v31 =	vld.idx.msk [tilespmem:v31+s19+$0x0], $0xffff;
	_ =	sdelay $0x1  }
0x6a: {  	v33 =	vld.idx.msk [tilespmem:v33+s21+$0x0], $0xffff;
	_ =	sdelay $0x2  }
0x6b: {  	v51 =	vor.u32 v3, v28;
	v31 =	vadd.f32 v32, v31  }
0x6c: {  	v34 =	vor.u32 v3, v29  }
0x6d: {  	v31 =	vadd.f32 v33, v31  }
0x6e: {  	v52 =	vor.u32 v3, v30  }
0x6f: {  	[tilespmem:s0+$0x0] =	vst v31  }
0x70: {  	v31 =	vld.idx.msk [tilespmem:v51+s19+$0x0], $0xffff  }
0x71: {  	v53 =	vld.idx.msk [tilespmem:v34+s20+$0x0], $0xffff;
	_ =	sdelay $0x1  }
0x72: {  	v33 =	vld.idx.msk [tilespmem:v52+s21+$0x0], $0xffff;
	_ =	sdelay $0x2  }
0x73: {  	v54 =	vor.u32 v4, v28;
	v31 =	vadd.f32 v53, v31  }
0x74: {  	v55 =	vor.u32 v4, v29  }
0x75: {  	v31 =	vadd.f32 v33, v31  }
0x76: {  	v56 =	vor.u32 v4, v30  }
0x77: {  	[tilespmem:s0+$0x10] =	vst v31  }
0x78: {  	v31 =	vld.idx.msk [tilespmem:v54+s19+$0x0], $0xffff  }
0x79: {  	v57 =	vld.idx.msk [tilespmem:v55+s20+$0x0], $0xffff;
	_ =	sdelay $0x1  }
0x7a: {  	v33 =	vld.idx.msk [tilespmem:v56+s21+$0x0], $0xffff;
	_ =	sdelay $0x2  }
0x7b: {  	v28 =	vor.u32 v5, v28;
	v31 =	vadd.f32 v57, v31  }
0x7c: {  	v29 =	vor.u32 v5, v29  }
0x7d: {  	v31 =	vadd.f32 v33, v31  }
0x7e: {  	v30 =	vor.u32 v5, v30  }
0x7f: {  	[tilespmem:s0+$0x20] =	vst v31  }
0x80: {  	v58 =	vperm.xlane v20, v6;
	v28 =	vld.idx.msk [tilespmem:v28+s19+$0x0], $0xffff  }
0x81: {  	v29 =	vld.idx.msk [tilespmem:v29+s20+$0x0], $0xffff  }
0x82: {  	v59 =	vperm.xlane v21, v6;
	v31 =	vshll.u32 v58, $0x6  }
0x83: {  	v36 =	vperm.xlane v24, v6;
	v60 =	vor.u32 v1, v31;
	v30 =	vld.idx.msk [tilespmem:v30+s21+$0x0], $0xffff  }
0x84: {  	v61 =	vperm.xlane v25, v6;
	v32 =	vshll.u32 v59, $0x6  }
0x85: {  	v62 =	vperm.xlane v23, v6;
	v36 =	vshll.u32 v36, $0x6;
	v35 =	vor.u32 v1, v32  }
0x86: {  	v38 =	vor.u32 v1, v36;
	v28 =	vadd.f32 v29, v28;
	v29 =	vshll.u32 v61, $0x6  }
0x87: {  	v37 =	vor.u32 v1, v29  }
0x88: {  	v33 =	vld.idx.msk [tilespmem:v60+s20+$0x0], $0xffff;
	v28 =	vadd.f32 v30, v28;
	v30 =	vshll.u32 v62, $0x6  }
0x89: {  	v40 =	vor.u32 v1, v30  }
0x8a: {  	v63 =	vld.idx.msk [tilespmem:v35+s21+$0x0], $0xffff;
	[tilespmem:s0+$0x30] =	vst v28  }
0x8b: {  	v42 =	vld.idx.msk [tilespmem:v38+s20+$0x0], $0xffff  }
0x8c: {  	v28 =	vld.idx.msk [tilespmem:v37+s19+$0x0], $0xffff  }
0x8d: {  	v41 =	vor.u32 v3, v26;
	v27 =	vadd.f32 v33, v46  }
0x8e: {  	v43 =	vor.u32 v3, v31;
	v44 =	vld.idx.msk [tilespmem:v40+s21+$0x0], $0xffff  }
0x8f: {  	v27 =	vadd.f32 v63, v27  }
0x90: {  	v45 =	vor.u32 v3, v32  }
0x91: {  	v46 =	vor.u32 v3, v29;
	[tilespmem:s0+$0xFFFFFC40] =	vst v27;
	v28 =	vadd.f32 v42, v28  }
0x92: {  	v48 =	vor.u32 v3, v36;
	v27 =	vld.idx.msk [tilespmem:v41+s19+$0x0], $0xffff  }
0x93: {  	v47 =	vld.idx.msk [tilespmem:v43+s20+$0x0], $0xffff;
	v28 =	vadd.f32 v44, v28  }
0x94: {  	v50 =	vor.u32 v3, v30  }
0x95: {  	v49 =	vld.idx.msk [tilespmem:v45+s21+$0x0], $0xffff;
	[tilespmem:s0+$0x40] =	vst v28  }
0x96: {  	v28 =	vld.idx.msk [tilespmem:v46+s19+$0x0], $0xffff  }
0x97: {  	v52 =	vld.idx.msk [tilespmem:v48+s20+$0x0], $0xffff  }
0x98: {  	v51 =	vor.u32 v4, v26;
	v27 =	vadd.f32 v47, v27  }
0x99: {  	v53 =	vor.u32 v4, v31;
	v54 =	vld.idx.msk [tilespmem:v50+s21+$0x0], $0xffff  }
0x9a: {  	v27 =	vadd.f32 v49, v27  }
0x9b: {  	v55 =	vor.u32 v4, v32  }
0x9c: {  	v56 =	vor.u32 v4, v29;
	[tilespmem:s0+$0xFFFFFC50] =	vst v27;
	v28 =	vadd.f32 v52, v28  }
0x9d: {  	v58 =	vor.u32 v4, v36;
	v27 =	vld.idx.msk [tilespmem:v51+s19+$0x0], $0xffff  }
0x9e: {  	v57 =	vld.idx.msk [tilespmem:v53+s20+$0x0], $0xffff;
	v28 =	vadd.f32 v54, v28  }
0x9f: {  	v60 =	vor.u32 v4, v30  }
0xa0: {  	v59 =	vld.idx.msk [tilespmem:v55+s21+$0x0], $0xffff;
	[tilespmem:s0+$0x50] =	vst v28  }
0xa1: {  	v28 =	vld.idx.msk [tilespmem:v56+s19+$0x0], $0xffff  }
0xa2: {  	v61 =	vld.idx.msk [tilespmem:v58+s20+$0x0], $0xffff  }
0xa3: {  	v26 =	vor.u32 v5, v26;
	v27 =	vadd.f32 v57, v27  }
0xa4: {  	v31 =	vor.u32 v5, v31;
	v62 =	vld.idx.msk [tilespmem:v60+s21+$0x0], $0xffff  }
0xa5: {  	v27 =	vadd.f32 v59, v27  }
0xa6: {  	v63 =	vor.u32 v5, v32  }
0xa7: {  	v29 =	vor.u32 v5, v29;
	[tilespmem:s0+$0xFFFFFC60] =	vst v27;
	v28 =	vadd.f32 v61, v28  }
0xa8: {  	v37 =	vor.u32 v5, v36;
	v26 =	vld.idx.msk [tilespmem:v26+s19+$0x0], $0xffff  }
0xa9: {  	v31 =	vld.idx.msk [tilespmem:v31+s20+$0x0], $0xffff;
	v28 =	vadd.f32 v62, v28  }
0xaa: {  	v39 =	vor.u32 v5, v30  }
0xab: {  	v40 =	vperm.xlane v20, v7;
	v27 =	vld.idx.msk [tilespmem:v63+s21+$0x0], $0xffff;
	[tilespmem:s0+$0x60] =	vst v28  }
0xac: {  	v38 =	vperm.xlane v22, v7;
	v29 =	vld.idx.msk [tilespmem:v29+s19+$0x0], $0xffff  }
0xad: {  	v41 =	vperm.xlane v21, v7;
	v30 =	vshll.u32 v40, $0x6;
	v32 =	vld.idx.msk [tilespmem:v37+s20+$0x0], $0xffff  }
0xae: {  	v43 =	vor.u32 v1, v30;
	v26 =	vadd.f32 v31, v26;
	v31 =	vshll.u32 v38, $0x6  }
0xaf: {  	v46 =	vperm.xlane v24, v7;
	v42 =	vor.u32 v1, v31;
	v28 =	vld.idx.msk [tilespmem:v39+s21+$0x0], $0xffff  }
0xb0: {  	v44 =	vperm.xlane v25, v7;
	v26 =	vadd.f32 v27, v26;
	v27 =	vshll.u32 v41, $0x6  }
0xb1: {  	v49 =	vperm.xlane v23, v7;
	v37 =	vshll.u32 v46, $0x6;
	v45 =	vor.u32 v1, v27  }
0xb2: {  	v51 =	vor.u32 v1, v37;
	[tilespmem:s0+$0xFFFFFC70] =	vst v26;
	v47 =	vadd.f32 v32, v29;
	v29 =	vshll.u32 v44, $0x6  }
0xb3: {  	v35 =	vld.idx.msk [tilespmem:v43+s20+$0x0], $0xffff;
	v50 =	vor.u32 v1, v29  }
0xb4: {  	v48 =	vld.idx.msk [tilespmem:v42+s19+$0x0], $0xffff;
	v26 =	vadd.f32 v28, v47;
	v28 =	vshll.u32 v49, $0x6  }
0xb5: {  	v53 =	vor.u32 v1, v28  }
0xb6: {  	v52 =	vld.idx.msk [tilespmem:v45+s21+$0x0], $0xffff;
	[tilespmem:s0+$0x70] =	vst v26  }
0xb7: {  	v55 =	vld.idx.msk [tilespmem:v51+s20+$0x0], $0xffff  }
0xb8: {  	v26 =	vld.idx.msk [tilespmem:v50+s19+$0x0], $0xffff  }
0xb9: {  	v54 =	vor.u32 v3, v31;
	v32 =	vadd.f32 v35, v48  }
0xba: {  	v56 =	vor.u32 v3, v30;
	v57 =	vld.idx.msk [tilespmem:v53+s21+$0x0], $0xffff  }
0xbb: {  	v32 =	vadd.f32 v52, v32  }
0xbc: {  	v58 =	vor.u32 v3, v27  }
0xbd: {  	v59 =	vor.u32 v3, v29;
	[tilespmem:s0+$0xFFFFFC80] =	vst v32;
	v26 =	vadd.f32 v55, v26  }
0xbe: {  	v61 =	vor.u32 v3, v37;
	v32 =	vld.idx.msk [tilespmem:v54+s19+$0x0], $0xffff  }
0xbf: {  	v60 =	vld.idx.msk [tilespmem:v56+s20+$0x0], $0xffff;
	v26 =	vadd.f32 v57, v26  }
0xc0: {  	v63 =	vor.u32 v3, v28  }
0xc1: {  	v62 =	vld.idx.msk [tilespmem:v58+s21+$0x0], $0xffff;
	[tilespmem:s0+$0x80] =	vst v26  }
0xc2: {  	v26 =	vld.idx.msk [tilespmem:v59+s19+$0x0], $0xffff  }
0xc3: {  	v41 =	vld.idx.msk [tilespmem:v61+s20+$0x0], $0xffff  }
0xc4: {  	v40 =	vor.u32 v4, v31;
	v32 =	vadd.f32 v60, v32  }
0xc5: {  	v42 =	vor.u32 v4, v30;
	v43 =	vld.idx.msk [tilespmem:v63+s21+$0x0], $0xffff  }
0xc6: {  	v32 =	vadd.f32 v62, v32  }
0xc7: {  	v44 =	vor.u32 v4, v27  }
0xc8: {  	v45 =	vor.u32 v4, v29;
	[tilespmem:s0+$0xFFFFFC90] =	vst v32;
	v26 =	vadd.f32 v41, v26  }
0xc9: {  	v47 =	vor.u32 v4, v37;
	v32 =	vld.idx.msk [tilespmem:v40+s19+$0x0], $0xffff  }
0xca: {  	v46 =	vld.idx.msk [tilespmem:v42+s20+$0x0], $0xffff;
	v26 =	vadd.f32 v43, v26  }
0xcb: {  	v49 =	vor.u32 v4, v28  }
0xcc: {  	v48 =	vld.idx.msk [tilespmem:v44+s21+$0x0], $0xffff;
	[tilespmem:s0+$0x90] =	vst v26  }
0xcd: {  	v26 =	vld.idx.msk [tilespmem:v45+s19+$0x0], $0xffff  }
0xce: {  	v50 =	vld.idx.msk [tilespmem:v47+s20+$0x0], $0xffff  }
0xcf: {  	v31 =	vor.u32 v5, v31;
	v32 =	vadd.f32 v46, v32  }
0xd0: {  	v30 =	vor.u32 v5, v30;
	v51 =	vld.idx.msk [tilespmem:v49+s21+$0x0], $0xffff  }
0xd1: {  	v32 =	vadd.f32 v48, v32  }
0xd2: {  	v27 =	vor.u32 v5, v27  }
0xd3: {  	v29 =	vor.u32 v5, v29;
	[tilespmem:s0+$0xFFFFFCA0] =	vst v32;
	v26 =	vadd.f32 v50, v26  }
0xd4: {  	v52 =	vor.u32 v5, v37;
	v31 =	vld.idx.msk [tilespmem:v31+s19+$0x0], $0xffff  }
0xd5: {  	v30 =	vld.idx.msk [tilespmem:v30+s20+$0x0], $0xffff;
	v26 =	vadd.f32 v51, v26  }
0xd6: {  	v54 =	vor.u32 v5, v28  }
0xd7: {  	v55 =	vperm.xlane v20, v8;
	v27 =	vld.idx.msk [tilespmem:v27+s21+$0x0], $0xffff;
	[tilespmem:s0+$0xA0] =	vst v26  }
0xd8: {  	v53 =	vperm.xlane v22, v8;
	v29 =	vld.idx.msk [tilespmem:v29+s19+$0x0], $0xffff  }
0xd9: {  	v56 =	vperm.xlane v21, v8;
	v28 =	vshll.u32 v55, $0x6;
	v32 =	vld.idx.msk [tilespmem:v52+s20+$0x0], $0xffff  }
0xda: {  	v58 =	vor.u32 v1, v28;
	v30 =	vadd.f32 v30, v31;
	v31 =	vshll.u32 v53, $0x6  }
0xdb: {  	v61 =	vperm.xlane v24, v8;
	v57 =	vor.u32 v1, v31;
	v26 =	vld.idx.msk [tilespmem:v54+s21+$0x0], $0xffff  }
0xdc: {  	v59 =	vperm.xlane v25, v8;
	v27 =	vadd.f32 v27, v30;
	v30 =	vshll.u32 v56, $0x6  }
0xdd: {  	v37 =	vshll.u32 v61, $0x6;
	v40 =	vperm.xlane v23, v8;
	v60 =	vor.u32 v1, v30  }
0xde: {  	v42 =	vor.u32 v1, v37;
	[tilespmem:s0+$0xFFFFFCB0] =	vst v27;
	v62 =	vadd.f32 v32, v29;
	v29 =	vshll.u32 v59, $0x6  }
0xdf: {  	v35 =	vld.idx.msk [tilespmem:v58+s20+$0x0], $0xffff;
	v41 =	vor.u32 v1, v29  }
0xe0: {  	v27 =	vshll.u32 v40, $0x6;
	v63 =	vld.idx.msk [tilespmem:v57+s19+$0x0], $0xffff;
	v26 =	vadd.f32 v26, v62  }
0xe1: {  	v44 =	vor.u32 v1, v27  }
0xe2: {  	v43 =	vld.idx.msk [tilespmem:v60+s21+$0x0], $0xffff;
	[tilespmem:s0+$0xB0] =	vst v26  }
0xe3: {  	v46 =	vld.idx.msk [tilespmem:v42+s20+$0x0], $0xffff  }
0xe4: {  	v26 =	vld.idx.msk [tilespmem:v41+s19+$0x0], $0xffff  }
0xe5: {  	v45 =	vor.u32 v3, v31;
	v32 =	vadd.f32 v35, v63  }
0xe6: {  	v47 =	vor.u32 v3, v28;
	v48 =	vld.idx.msk [tilespmem:v44+s21+$0x0], $0xffff  }
0xe7: {  	v32 =	vadd.f32 v43, v32  }
0xe8: {  	v49 =	vor.u32 v3, v30  }
0xe9: {  	v50 =	vor.u32 v3, v29;
	[tilespmem:s0+$0xFFFFFCC0] =	vst v32;
	v26 =	vadd.f32 v46, v26  }
0xea: {  	v52 =	vor.u32 v3, v37;
	v32 =	vld.idx.msk [tilespmem:v45+s19+$0x0], $0xffff  }
0xeb: {  	v51 =	vld.idx.msk [tilespmem:v47+s20+$0x0], $0xffff;
	v26 =	vadd.f32 v48, v26  }
0xec: {  	v54 =	vor.u32 v3, v27  }
0xed: {  	v53 =	vld.idx.msk [tilespmem:v49+s21+$0x0], $0xffff;
	[tilespmem:s0+$0xC0] =	vst v26  }
0xee: {  	v26 =	vld.idx.msk [tilespmem:v50+s19+$0x0], $0xffff  }
0xef: {  	v56 =	vld.idx.msk [tilespmem:v52+s20+$0x0], $0xffff  }
0xf0: {  	v55 =	vor.u32 v4, v31;
	v32 =	vadd.f32 v51, v32  }
0xf1: {  	v57 =	vor.u32 v4, v28;
	v58 =	vld.idx.msk [tilespmem:v54+s21+$0x0], $0xffff  }
0xf2: {  	v32 =	vadd.f32 v53, v32  }
0xf3: {  	v59 =	vor.u32 v4, v30  }
0xf4: {  	v60 =	vor.u32 v4, v29;
	[tilespmem:s0+$0xFFFFFCD0] =	vst v32;
	v26 =	vadd.f32 v56, v26  }
0xf5: {  	v62 =	vor.u32 v4, v37;
	v32 =	vld.idx.msk [tilespmem:v55+s19+$0x0], $0xffff  }
0xf6: {  	v61 =	vld.idx.msk [tilespmem:v57+s20+$0x0], $0xffff;
	v26 =	vadd.f32 v58, v26  }
0xf7: {  	v40 =	vor.u32 v4, v27  }
0xf8: {  	v63 =	vld.idx.msk [tilespmem:v59+s21+$0x0], $0xffff;
	[tilespmem:s0+$0xD0] =	vst v26  }
0xf9: {  	v26 =	vld.idx.msk [tilespmem:v60+s19+$0x0], $0xffff  }
0xfa: {  	v41 =	vld.idx.msk [tilespmem:v62+s20+$0x0], $0xffff  }
0xfb: {  	v31 =	vor.u32 v5, v31;
	v32 =	vadd.f32 v61, v32  }
0xfc: {  	v28 =	vor.u32 v5, v28;
	v42 =	vld.idx.msk [tilespmem:v40+s21+$0x0], $0xffff  }
0xfd: {  	v32 =	vadd.f32 v63, v32  }
0xfe: {  	v30 =	vor.u32 v5, v30  }
0xff: {  	v29 =	vor.u32 v5, v29;
	[tilespmem:s0+$0xFFFFFCE0] =	vst v32;
	v26 =	vadd.f32 v41, v26  }
0x100: {  	v43 =	vor.u32 v5, v37;
	v31 =	vld.idx.msk [tilespmem:v31+s19+$0x0], $0xffff  }
0x101: {  	v28 =	vld.idx.msk [tilespmem:v28+s20+$0x0], $0xffff;
	v26 =	vadd.f32 v42, v26  }
0x102: {  	v45 =	vor.u32 v5, v27  }
0x103: {  	v46 =	vperm.xlane v20, v9;
	v30 =	vld.idx.msk [tilespmem:v30+s21+$0x0], $0xffff;
	[tilespmem:s0+$0xE0] =	vst v26  }
0x104: {  	v44 =	vperm.xlane v22, v9;
	v29 =	vld.idx.msk [tilespmem:v29+s19+$0x0], $0xffff  }
0x105: {  	v47 =	vperm.xlane v21, v9;
	v27 =	vshll.u32 v46, $0x6;
	v32 =	vld.idx.msk [tilespmem:v43+s20+$0x0], $0xffff  }
0x106: {  	v49 =	vor.u32 v1, v27;
	v28 =	vadd.f32 v28, v31;
	v31 =	vshll.u32 v44, $0x6  }
0x107: {  	v52 =	vperm.xlane v24, v9;
	v48 =	vor.u32 v1, v31;
	v26 =	vld.idx.msk [tilespmem:v45+s21+$0x0], $0xffff  }
0x108: {  	v50 =	vperm.xlane v25, v9;
	v28 =	vadd.f32 v30, v28;
	v30 =	vshll.u32 v47, $0x6  }
0x109: {  	v37 =	vshll.u32 v52, $0x6;
	v55 =	vperm.xlane v23, v9;
	v51 =	vor.u32 v1, v30  }
0x10a: {  	v57 =	vor.u32 v1, v37;
	[tilespmem:s0+$0xFFFFFCF0] =	vst v28;
	v53 =	vadd.f32 v32, v29;
	v29 =	vshll.u32 v50, $0x6  }
0x10b: {  	v35 =	vld.idx.msk [tilespmem:v49+s20+$0x0], $0xffff;
	v56 =	vor.u32 v1, v29  }
0x10c: {  	v28 =	vshll.u32 v55, $0x6;
	v54 =	vld.idx.msk [tilespmem:v48+s19+$0x0], $0xffff;
	v26 =	vadd.f32 v26, v53  }
0x10d: {  	v59 =	vor.u32 v1, v28  }
0x10e: {  	v58 =	vld.idx.msk [tilespmem:v51+s21+$0x0], $0xffff;
	[tilespmem:s0+$0xF0] =	vst v26  }
0x10f: {  	v61 =	vld.idx.msk [tilespmem:v57+s20+$0x0], $0xffff  }
0x110: {  	v26 =	vld.idx.msk [tilespmem:v56+s19+$0x0], $0xffff  }
0x111: {  	v60 =	vor.u32 v3, v31;
	v32 =	vadd.f32 v35, v54  }
0x112: {  	v62 =	vor.u32 v3, v27;
	v63 =	vld.idx.msk [tilespmem:v59+s21+$0x0], $0xffff  }
0x113: {  	v32 =	vadd.f32 v58, v32  }
0x114: {  	v40 =	vor.u32 v3, v30  }
0x115: {  	v41 =	vor.u32 v3, v29;
	[tilespmem:s0+$0xFFFFFD00] =	vst v32;
	v26 =	vadd.f32 v61, v26  }
0x116: {  	v43 =	vor.u32 v3, v37;
	v32 =	vld.idx.msk [tilespmem:v60+s19+$0x0], $0xffff  }
0x117: {  	v42 =	vld.idx.msk [tilespmem:v62+s20+$0x0], $0xffff;
	v26 =	vadd.f32 v63, v26  }
0x118: {  	v45 =	vor.u32 v3, v28  }
0x119: {  	v44 =	vld.idx.msk [tilespmem:v40+s21+$0x0], $0xffff;
	[tilespmem:s0+$0x100] =	vst v26  }
0x11a: {  	v26 =	vld.idx.msk [tilespmem:v41+s19+$0x0], $0xffff  }
0x11b: {  	v47 =	vld.idx.msk [tilespmem:v43+s20+$0x0], $0xffff  }
0x11c: {  	v46 =	vor.u32 v4, v31;
	v32 =	vadd.f32 v42, v32  }
0x11d: {  	v48 =	vor.u32 v4, v27;
	v49 =	vld.idx.msk [tilespmem:v45+s21+$0x0], $0xffff  }
0x11e: {  	v32 =	vadd.f32 v44, v32  }
0x11f: {  	v50 =	vor.u32 v4, v30  }
0x120: {  	v51 =	vor.u32 v4, v29;
	[tilespmem:s0+$0xFFFFFD10] =	vst v32;
	v26 =	vadd.f32 v47, v26  }
0x121: {  	v53 =	vor.u32 v4, v37;
	v32 =	vld.idx.msk [tilespmem:v46+s19+$0x0], $0xffff  }
0x122: {  	v52 =	vld.idx.msk [tilespmem:v48+s20+$0x0], $0xffff;
	v26 =	vadd.f32 v49, v26  }
0x123: {  	v55 =	vor.u32 v4, v28  }
0x124: {  	v54 =	vld.idx.msk [tilespmem:v50+s21+$0x0], $0xffff;
	[tilespmem:s0+$0x110] =	vst v26  }
0x125: {  	v26 =	vld.idx.msk [tilespmem:v51+s19+$0x0], $0xffff  }
0x126: {  	v56 =	vld.idx.msk [tilespmem:v53+s20+$0x0], $0xffff  }
0x127: {  	v31 =	vor.u32 v5, v31;
	v32 =	vadd.f32 v52, v32  }
0x128: {  	v27 =	vor.u32 v5, v27;
	v57 =	vld.idx.msk [tilespmem:v55+s21+$0x0], $0xffff  }
0x129: {  	v32 =	vadd.f32 v54, v32  }
0x12a: {  	v30 =	vor.u32 v5, v30  }
0x12b: {  	v29 =	vor.u32 v5, v29;
	[tilespmem:s0+$0xFFFFFD20] =	vst v32;
	v26 =	vadd.f32 v56, v26  }
0x12c: {  	v58 =	vor.u32 v5, v37;
	v31 =	vld.idx.msk [tilespmem:v31+s19+$0x0], $0xffff  }
0x12d: {  	v27 =	vld.idx.msk [tilespmem:v27+s20+$0x0], $0xffff;
	v26 =	vadd.f32 v57, v26  }
0x12e: {  	v60 =	vor.u32 v5, v28  }
0x12f: {  	v61 =	vperm.xlane v20, v10;
	v30 =	vld.idx.msk [tilespmem:v30+s21+$0x0], $0xffff;
	[tilespmem:s0+$0x120] =	vst v26  }
0x130: {  	v59 =	vperm.xlane v22, v10;
	v29 =	vld.idx.msk [tilespmem:v29+s19+$0x0], $0xffff  }
0x131: {  	v62 =	vperm.xlane v21, v10;
	v28 =	vshll.u32 v61, $0x6;
	v32 =	vld.idx.msk [tilespmem:v58+s20+$0x0], $0xffff  }
0x132: {  	v40 =	vor.u32 v1, v28;
	v27 =	vadd.f32 v27, v31;
	v31 =	vshll.u32 v59, $0x6  }
0x133: {  	v43 =	vperm.xlane v24, v10;
	v63 =	vor.u32 v1, v31;
	v26 =	vld.idx.msk [tilespmem:v60+s21+$0x0], $0xffff  }
0x134: {  	v41 =	vperm.xlane v25, v10;
	v27 =	vadd.f32 v30, v27;
	v30 =	vshll.u32 v62, $0x6  }
0x135: {  	v37 =	vshll.u32 v43, $0x6;
	v46 =	vperm.xlane v23, v10;
	v42 =	vor.u32 v1, v30  }
0x136: {  	v48 =	vor.u32 v1, v37;
	[tilespmem:s0+$0xFFFFFD30] =	vst v27;
	v44 =	vadd.f32 v32, v29;
	v29 =	vshll.u32 v41, $0x6  }
0x137: {  	v35 =	vld.idx.msk [tilespmem:v40+s20+$0x0], $0xffff;
	v47 =	vor.u32 v1, v29  }
0x138: {  	v27 =	vshll.u32 v46, $0x6;
	v45 =	vld.idx.msk [tilespmem:v63+s19+$0x0], $0xffff;
	v26 =	vadd.f32 v26, v44  }
0x139: {  	v50 =	vor.u32 v1, v27  }
0x13a: {  	v49 =	vld.idx.msk [tilespmem:v42+s21+$0x0], $0xffff;
	[tilespmem:s0+$0x130] =	vst v26  }
0x13b: {  	v52 =	vld.idx.msk [tilespmem:v48+s20+$0x0], $0xffff  }
0x13c: {  	v26 =	vld.idx.msk [tilespmem:v47+s19+$0x0], $0xffff  }
0x13d: {  	v51 =	vor.u32 v3, v31;
	v32 =	vadd.f32 v35, v45  }
0x13e: {  	v53 =	vor.u32 v3, v28;
	v54 =	vld.idx.msk [tilespmem:v50+s21+$0x0], $0xffff  }
0x13f: {  	v32 =	vadd.f32 v49, v32  }
0x140: {  	v55 =	vor.u32 v3, v30  }
0x141: {  	v56 =	vor.u32 v3, v29;
	[tilespmem:s0+$0xFFFFFD40] =	vst v32;
	v26 =	vadd.f32 v52, v26  }
0x142: {  	v58 =	vor.u32 v3, v37;
	v32 =	vld.idx.msk [tilespmem:v51+s19+$0x0], $0xffff  }
0x143: {  	v57 =	vld.idx.msk [tilespmem:v53+s20+$0x0], $0xffff;
	v26 =	vadd.f32 v54, v26  }
0x144: {  	v60 =	vor.u32 v3, v27  }
0x145: {  	v59 =	vld.idx.msk [tilespmem:v55+s21+$0x0], $0xffff;
	[tilespmem:s0+$0x140] =	vst v26  }
0x146: {  	v26 =	vld.idx.msk [tilespmem:v56+s19+$0x0], $0xffff  }
0x147: {  	v62 =	vld.idx.msk [tilespmem:v58+s20+$0x0], $0xffff  }
0x148: {  	v61 =	vor.u32 v4, v31;
	v32 =	vadd.f32 v57, v32  }
0x149: {  	v63 =	vor.u32 v4, v28;
	v40 =	vld.idx.msk [tilespmem:v60+s21+$0x0], $0xffff  }
0x14a: {  	v32 =	vadd.f32 v59, v32  }
0x14b: {  	v41 =	vor.u32 v4, v30  }
0x14c: {  	v42 =	vor.u32 v4, v29;
	[tilespmem:s0+$0xFFFFFD50] =	vst v32;
	v26 =	vadd.f32 v62, v26  }
0x14d: {  	v44 =	vor.u32 v4, v37;
	v32 =	vld.idx.msk [tilespmem:v61+s19+$0x0], $0xffff  }
0x14e: {  	v43 =	vld.idx.msk [tilespmem:v63+s20+$0x0], $0xffff;
	v26 =	vadd.f32 v40, v26  }
0x14f: {  	v46 =	vor.u32 v4, v27  }
0x150: {  	v45 =	vld.idx.msk [tilespmem:v41+s21+$0x0], $0xffff;
	[tilespmem:s0+$0x150] =	vst v26  }
0x151: {  	v26 =	vld.idx.msk [tilespmem:v42+s19+$0x0], $0xffff  }
0x152: {  	v47 =	vld.idx.msk [tilespmem:v44+s20+$0x0], $0xffff  }
0x153: {  	v31 =	vor.u32 v5, v31;
	v32 =	vadd.f32 v43, v32  }
0x154: {  	v28 =	vor.u32 v5, v28;
	v48 =	vld.idx.msk [tilespmem:v46+s21+$0x0], $0xffff  }
0x155: {  	v32 =	vadd.f32 v45, v32  }
0x156: {  	v30 =	vor.u32 v5, v30  }
0x157: {  	v29 =	vor.u32 v5, v29;
	[tilespmem:s0+$0xFFFFFD60] =	vst v32;
	v26 =	vadd.f32 v47, v26  }
0x158: {  	v49 =	vor.u32 v5, v37;
	v31 =	vld.idx.msk [tilespmem:v31+s19+$0x0], $0xffff  }
0x159: {  	v28 =	vld.idx.msk [tilespmem:v28+s20+$0x0], $0xffff;
	v26 =	vadd.f32 v48, v26  }
0x15a: {  	v51 =	vor.u32 v5, v27  }
0x15b: {  	v52 =	vperm.xlane v20, v0;
	v30 =	vld.idx.msk [tilespmem:v30+s21+$0x0], $0xffff;
	[tilespmem:s0+$0x160] =	vst v26  }
0x15c: {  	v50 =	vperm.xlane v22, v0;
	v29 =	vld.idx.msk [tilespmem:v29+s19+$0x0], $0xffff  }
0x15d: {  	v53 =	vperm.xlane v21, v0;
	v27 =	vshll.u32 v52, $0x6;
	v32 =	vld.idx.msk [tilespmem:v49+s20+$0x0], $0xffff  }
0x15e: {  	v55 =	vor.u32 v1, v27;
	v28 =	vadd.f32 v28, v31;
	v31 =	vshll.u32 v50, $0x6  }
0x15f: {  	v58 =	vperm.xlane v24, v0;
	v54 =	vor.u32 v1, v31;
	v26 =	vld.idx.msk [tilespmem:v51+s21+$0x0], $0xffff  }
0x160: {  	v56 =	vperm.xlane v25, v0;
	v28 =	vadd.f32 v30, v28;
	v30 =	vshll.u32 v53, $0x6  }
0x161: {  	v37 =	vshll.u32 v58, $0x6;
	v61 =	vperm.xlane v23, v0;
	v57 =	vor.u32 v1, v30  }
0x162: {  	v63 =	vor.u32 v1, v37;
	[tilespmem:s0+$0xFFFFFD70] =	vst v28;
	v59 =	vadd.f32 v32, v29;
	v29 =	vshll.u32 v56, $0x6  }
0x163: {  	v35 =	vld.idx.msk [tilespmem:v55+s20+$0x0], $0xffff;
	v62 =	vor.u32 v1, v29  }
0x164: {  	v40 =	vshll.u32 v61, $0x6;
	v60 =	vld.idx.msk [tilespmem:v54+s19+$0x0], $0xffff;
	v26 =	vadd.f32 v26, v59  }
0x165: {  	v42 =	vor.u32 v1, v40  }
0x166: {  	v41 =	vld.idx.msk [tilespmem:v57+s21+$0x0], $0xffff;
	[tilespmem:s0+$0x170] =	vst v26  }
0x167: {  	v44 =	vld.idx.msk [tilespmem:v63+s20+$0x0], $0xffff  }
0x168: {  	v26 =	vld.idx.msk [tilespmem:v62+s19+$0x0], $0xffff  }
0x169: {  	v43 =	vor.u32 v3, v31;
	v32 =	vadd.f32 v35, v60  }
0x16a: {  	v45 =	vor.u32 v3, v27;
	v46 =	vld.idx.msk [tilespmem:v42+s21+$0x0], $0xffff  }
0x16b: {  	v32 =	vadd.f32 v41, v32  }
0x16c: {  	v47 =	vor.u32 v3, v30  }
0x16d: {  	v48 =	vor.u32 v3, v29;
	[tilespmem:s0+$0xFFFFFD80] =	vst v32;
	v26 =	vadd.f32 v44, v26  }
0x16e: {  	v50 =	vor.u32 v3, v37;
	v32 =	vld.idx.msk [tilespmem:v43+s19+$0x0], $0xffff  }
0x16f: {  	v49 =	vld.idx.msk [tilespmem:v45+s20+$0x0], $0xffff;
	v26 =	vadd.f32 v46, v26  }
0x170: {  	v52 =	vor.u32 v3, v40  }
0x171: {  	v51 =	vld.idx.msk [tilespmem:v47+s21+$0x0], $0xffff;
	[tilespmem:s0+$0x180] =	vst v26  }
0x172: {  	v26 =	vld.idx.msk [tilespmem:v48+s19+$0x0], $0xffff  }
0x173: {  	v54 =	vld.idx.msk [tilespmem:v50+s20+$0x0], $0xffff  }
0x174: {  	v53 =	vor.u32 v4, v31;
	v32 =	vadd.f32 v49, v32  }
0x175: {  	v55 =	vor.u32 v4, v27;
	v56 =	vld.idx.msk [tilespmem:v52+s21+$0x0], $0xffff  }
0x176: {  	v32 =	vadd.f32 v51, v32  }
0x177: {  	v57 =	vor.u32 v4, v30  }
0x178: {  	v58 =	vor.u32 v4, v29;
	[tilespmem:s0+$0xFFFFFD90] =	vst v32;
	v26 =	vadd.f32 v54, v26  }
0x179: {  	v60 =	vor.u32 v4, v37;
	v32 =	vld.idx.msk [tilespmem:v53+s19+$0x0], $0xffff  }
0x17a: {  	v59 =	vld.idx.msk [tilespmem:v55+s20+$0x0], $0xffff;
	v26 =	vadd.f32 v56, v26  }
0x17b: {  	v62 =	vor.u32 v4, v40  }
0x17c: {  	v61 =	vld.idx.msk [tilespmem:v57+s21+$0x0], $0xffff;
	[tilespmem:s0+$0x190] =	vst v26  }
0x17d: {  	v26 =	vld.idx.msk [tilespmem:v58+s19+$0x0], $0xffff  }
0x17e: {  	v63 =	vld.idx.msk [tilespmem:v60+s20+$0x0], $0xffff  }
0x17f: {  	v31 =	vor.u32 v5, v31;
	v32 =	vadd.f32 v59, v32  }
0x180: {  	v27 =	vor.u32 v5, v27;
	v36 =	vld.idx.msk [tilespmem:v62+s21+$0x0], $0xffff  }
0x181: {  	v32 =	vadd.f32 v61, v32  }
0x182: {  	v30 =	vor.u32 v5, v30  }
0x183: {  	v29 =	vor.u32 v5, v29;
	[tilespmem:s0+$0xFFFFFDA0] =	vst v32;
	v26 =	vadd.f32 v63, v26  }
0x184: {  	v37 =	vor.u32 v5, v37;
	v31 =	vld.idx.msk [tilespmem:v31+s19+$0x0], $0xffff  }
0x185: {  	v27 =	vld.idx.msk [tilespmem:v27+s20+$0x0], $0xffff;
	v26 =	vadd.f32 v36, v26  }
0x186: {  	v39 =	vor.u32 v5, v40  }
0x187: {  	v40 =	vperm.xlane v20, v11;
	v30 =	vld.idx.msk [tilespmem:v30+s21+$0x0], $0xffff;
	[tilespmem:s0+$0x1A0] =	vst v26  }
0x188: {  	v38 =	vperm.xlane v22, v11;
	v29 =	vld.idx.msk [tilespmem:v29+s19+$0x0], $0xffff  }
0x189: {  	v41 =	vperm.xlane v21, v11;
	v28 =	vshll.u32 v40, $0x6;
	v32 =	vld.idx.msk [tilespmem:v37+s20+$0x0], $0xffff  }
0x18a: {  	v43 =	vor.u32 v1, v28;
	v27 =	vadd.f32 v27, v31;
	v31 =	vshll.u32 v38, $0x6  }
0x18b: {  	v46 =	vperm.xlane v24, v11;
	v42 =	vor.u32 v1, v31;
	v26 =	vld.idx.msk [tilespmem:v39+s21+$0x0], $0xffff  }
0x18c: {  	v44 =	vperm.xlane v25, v11;
	v27 =	vadd.f32 v30, v27;
	v30 =	vshll.u32 v41, $0x6  }
0x18d: {  	v49 =	vperm.xlane v23, v11;
	v37 =	vshll.u32 v46, $0x6;
	v45 =	vor.u32 v1, v30  }
0x18e: {  	v51 =	vor.u32 v1, v37;
	[tilespmem:s0+$0xFFFFFDB0] =	vst v27;
	v47 =	vadd.f32 v32, v29;
	v29 =	vshll.u32 v44, $0x6  }
0x18f: {  	v35 =	vld.idx.msk [tilespmem:v43+s20+$0x0], $0xffff;
	v50 =	vor.u32 v1, v29  }
0x190: {  	v27 =	vshll.u32 v49, $0x6;
	v48 =	vld.idx.msk [tilespmem:v42+s19+$0x0], $0xffff;
	v26 =	vadd.f32 v26, v47  }
0x191: {  	v53 =	vor.u32 v1, v27  }
0x192: {  	v52 =	vld.idx.msk [tilespmem:v45+s21+$0x0], $0xffff;
	[tilespmem:s0+$0x1B0] =	vst v26  }
0x193: {  	v55 =	vld.idx.msk [tilespmem:v51+s20+$0x0], $0xffff  }
0x194: {  	v26 =	vld.idx.msk [tilespmem:v50+s19+$0x0], $0xffff  }
0x195: {  	v54 =	vor.u32 v3, v31;
	v32 =	vadd.f32 v35, v48  }
0x196: {  	v56 =	vor.u32 v3, v28;
	v57 =	vld.idx.msk [tilespmem:v53+s21+$0x0], $0xffff  }
0x197: {  	v32 =	vadd.f32 v52, v32  }
0x198: {  	v58 =	vor.u32 v3, v30  }
0x199: {  	v59 =	vor.u32 v3, v29;
	[tilespmem:s0+$0xFFFFFDC0] =	vst v32;
	v26 =	vadd.f32 v55, v26  }
0x19a: {  	v61 =	vor.u32 v3, v37;
	v32 =	vld.idx.msk [tilespmem:v54+s19+$0x0], $0xffff  }
0x19b: {  	v60 =	vld.idx.msk [tilespmem:v56+s20+$0x0], $0xffff;
	v26 =	vadd.f32 v57, v26  }
0x19c: {  	v63 =	vor.u32 v3, v27  }
0x19d: {  	v62 =	vld.idx.msk [tilespmem:v58+s21+$0x0], $0xffff;
	[tilespmem:s0+$0x1C0] =	vst v26  }
0x19e: {  	v26 =	vld.idx.msk [tilespmem:v59+s19+$0x0], $0xffff  }
0x19f: {  	v41 =	vld.idx.msk [tilespmem:v61+s20+$0x0], $0xffff  }
0x1a0: {  	v40 =	vor.u32 v4, v31;
	v32 =	vadd.f32 v60, v32  }
0x1a1: {  	v42 =	vor.u32 v4, v28;
	v43 =	vld.idx.msk [tilespmem:v63+s21+$0x0], $0xffff  }
0x1a2: {  	v32 =	vadd.f32 v62, v32  }
0x1a3: {  	v44 =	vor.u32 v4, v30  }
0x1a4: {  	v45 =	vor.u32 v4, v29;
	[tilespmem:s0+$0xFFFFFDD0] =	vst v32;
	v26 =	vadd.f32 v41, v26  }
0x1a5: {  	v47 =	vor.u32 v4, v37;
	v32 =	vld.idx.msk [tilespmem:v40+s19+$0x0], $0xffff  }
0x1a6: {  	v46 =	vld.idx.msk [tilespmem:v42+s20+$0x0], $0xffff;
	v26 =	vadd.f32 v43, v26  }
0x1a7: {  	v49 =	vor.u32 v4, v27  }
0x1a8: {  	v48 =	vld.idx.msk [tilespmem:v44+s21+$0x0], $0xffff;
	[tilespmem:s0+$0x1D0] =	vst v26  }
0x1a9: {  	v26 =	vld.idx.msk [tilespmem:v45+s19+$0x0], $0xffff  }
0x1aa: {  	v50 =	vld.idx.msk [tilespmem:v47+s20+$0x0], $0xffff  }
0x1ab: {  	v31 =	vor.u32 v5, v31;
	v32 =	vadd.f32 v46, v32  }
0x1ac: {  	v28 =	vor.u32 v5, v28;
	v51 =	vld.idx.msk [tilespmem:v49+s21+$0x0], $0xffff  }
0x1ad: {  	v32 =	vadd.f32 v48, v32  }
0x1ae: {  	v30 =	vor.u32 v5, v30  }
0x1af: {  	v29 =	vor.u32 v5, v29;
	[tilespmem:s0+$0xFFFFFDE0] =	vst v32;
	v26 =	vadd.f32 v50, v26  }
0x1b0: {  	v52 =	vor.u32 v5, v37;
	v31 =	vld.idx.msk [tilespmem:v31+s19+$0x0], $0xffff  }
0x1b1: {  	v28 =	vld.idx.msk [tilespmem:v28+s20+$0x0], $0xffff;
	v26 =	vadd.f32 v51, v26  }
0x1b2: {  	v54 =	vor.u32 v5, v27  }
0x1b3: {  	v55 =	vperm.xlane v20, v12;
	v30 =	vld.idx.msk [tilespmem:v30+s21+$0x0], $0xffff;
	[tilespmem:s0+$0x1E0] =	vst v26  }
0x1b4: {  	v53 =	vperm.xlane v22, v12;
	v29 =	vld.idx.msk [tilespmem:v29+s19+$0x0], $0xffff  }
0x1b5: {  	v56 =	vperm.xlane v21, v12;
	v27 =	vshll.u32 v55, $0x6;
	v32 =	vld.idx.msk [tilespmem:v52+s20+$0x0], $0xffff  }
0x1b6: {  	v58 =	vor.u32 v1, v27;
	v28 =	vadd.f32 v28, v31;
	v31 =	vshll.u32 v53, $0x6  }
0x1b7: {  	v61 =	vperm.xlane v24, v12;
	v57 =	vor.u32 v1, v31;
	v26 =	vld.idx.msk [tilespmem:v54+s21+$0x0], $0xffff  }
0x1b8: {  	v59 =	vperm.xlane v25, v12;
	v28 =	vadd.f32 v30, v28;
	v30 =	vshll.u32 v56, $0x6  }
0x1b9: {  	v37 =	vshll.u32 v61, $0x6;
	v40 =	vperm.xlane v23, v12;
	v60 =	vor.u32 v1, v30  }
0x1ba: {  	v42 =	vor.u32 v1, v37;
	[tilespmem:s0+$0xFFFFFDF0] =	vst v28;
	v62 =	vadd.f32 v32, v29;
	v29 =	vshll.u32 v59, $0x6  }
0x1bb: {  	v35 =	vld.idx.msk [tilespmem:v58+s20+$0x0], $0xffff;
	v41 =	vor.u32 v1, v29  }
0x1bc: {  	v28 =	vshll.u32 v40, $0x6;
	v63 =	vld.idx.msk [tilespmem:v57+s19+$0x0], $0xffff;
	v26 =	vadd.f32 v26, v62  }
0x1bd: {  	v44 =	vor.u32 v1, v28  }
0x1be: {  	v43 =	vld.idx.msk [tilespmem:v60+s21+$0x0], $0xffff;
	[tilespmem:s0+$0x1F0] =	vst v26  }
0x1bf: {  	v46 =	vld.idx.msk [tilespmem:v42+s20+$0x0], $0xffff  }
0x1c0: {  	v26 =	vld.idx.msk [tilespmem:v41+s19+$0x0], $0xffff  }
0x1c1: {  	v45 =	vor.u32 v3, v31;
	v32 =	vadd.f32 v35, v63  }
0x1c2: {  	v47 =	vor.u32 v3, v27;
	v48 =	vld.idx.msk [tilespmem:v44+s21+$0x0], $0xffff  }
0x1c3: {  	v32 =	vadd.f32 v43, v32  }
0x1c4: {  	v49 =	vor.u32 v3, v30  }
0x1c5: {  	v50 =	vor.u32 v3, v29;
	[tilespmem:s0+$0xFFFFFE00] =	vst v32;
	v26 =	vadd.f32 v46, v26  }
0x1c6: {  	v52 =	vor.u32 v3, v37;
	v32 =	vld.idx.msk [tilespmem:v45+s19+$0x0], $0xffff  }
0x1c7: {  	v51 =	vld.idx.msk [tilespmem:v47+s20+$0x0], $0xffff;
	v26 =	vadd.f32 v48, v26  }
0x1c8: {  	v54 =	vor.u32 v3, v28  }
0x1c9: {  	v53 =	vld.idx.msk [tilespmem:v49+s21+$0x0], $0xffff;
	[tilespmem:s0+$0x200] =	vst v26  }
0x1ca: {  	v26 =	vld.idx.msk [tilespmem:v50+s19+$0x0], $0xffff  }
0x1cb: {  	v56 =	vld.idx.msk [tilespmem:v52+s20+$0x0], $0xffff  }
0x1cc: {  	v55 =	vor.u32 v4, v31;
	v32 =	vadd.f32 v51, v32  }
0x1cd: {  	v57 =	vor.u32 v4, v27;
	v58 =	vld.idx.msk [tilespmem:v54+s21+$0x0], $0xffff  }
0x1ce: {  	v32 =	vadd.f32 v53, v32  }
0x1cf: {  	v59 =	vor.u32 v4, v30  }
0x1d0: {  	v60 =	vor.u32 v4, v29;
	[tilespmem:s0+$0xFFFFFE10] =	vst v32;
	v26 =	vadd.f32 v56, v26  }
0x1d1: {  	v62 =	vor.u32 v4, v37;
	v32 =	vld.idx.msk [tilespmem:v55+s19+$0x0], $0xffff  }
0x1d2: {  	v61 =	vld.idx.msk [tilespmem:v57+s20+$0x0], $0xffff;
	v26 =	vadd.f32 v58, v26  }
0x1d3: {  	v40 =	vor.u32 v4, v28  }
0x1d4: {  	v63 =	vld.idx.msk [tilespmem:v59+s21+$0x0], $0xffff;
	[tilespmem:s0+$0x210] =	vst v26  }
0x1d5: {  	v26 =	vld.idx.msk [tilespmem:v60+s19+$0x0], $0xffff  }
0x1d6: {  	v41 =	vld.idx.msk [tilespmem:v62+s20+$0x0], $0xffff  }
0x1d7: {  	v31 =	vor.u32 v5, v31;
	v32 =	vadd.f32 v61, v32  }
0x1d8: {  	v27 =	vor.u32 v5, v27;
	v42 =	vld.idx.msk [tilespmem:v40+s21+$0x0], $0xffff  }
0x1d9: {  	v32 =	vadd.f32 v63, v32  }
0x1da: {  	v30 =	vor.u32 v5, v30  }
0x1db: {  	v29 =	vor.u32 v5, v29;
	[tilespmem:s0+$0xFFFFFE20] =	vst v32;
	v26 =	vadd.f32 v41, v26  }
0x1dc: {  	v43 =	vor.u32 v5, v37;
	v31 =	vld.idx.msk [tilespmem:v31+s19+$0x0], $0xffff  }
0x1dd: {  	v27 =	vld.idx.msk [tilespmem:v27+s20+$0x0], $0xffff;
	v26 =	vadd.f32 v42, v26  }
0x1de: {  	v45 =	vor.u32 v5, v28  }
0x1df: {  	v46 =	vperm.xlane v20, v13;
	v30 =	vld.idx.msk [tilespmem:v30+s21+$0x0], $0xffff;
	[tilespmem:s0+$0x220] =	vst v26  }
0x1e0: {  	v44 =	vperm.xlane v22, v13;
	v29 =	vld.idx.msk [tilespmem:v29+s19+$0x0], $0xffff  }
0x1e1: {  	v47 =	vperm.xlane v21, v13;
	v28 =	vshll.u32 v46, $0x6;
	v32 =	vld.idx.msk [tilespmem:v43+s20+$0x0], $0xffff  }
0x1e2: {  	v49 =	vor.u32 v1, v28;
	v27 =	vadd.f32 v27, v31;
	v31 =	vshll.u32 v44, $0x6  }
0x1e3: {  	v52 =	vperm.xlane v24, v13;
	v48 =	vor.u32 v1, v31;
	v26 =	vld.idx.msk [tilespmem:v45+s21+$0x0], $0xffff  }
0x1e4: {  	v50 =	vperm.xlane v25, v13;
	v27 =	vadd.f32 v30, v27;
	v30 =	vshll.u32 v47, $0x6  }
0x1e5: {  	v37 =	vshll.u32 v52, $0x6;
	v55 =	vperm.xlane v23, v13;
	v51 =	vor.u32 v1, v30  }
0x1e6: {  	v57 =	vor.u32 v1, v37;
	[tilespmem:s0+$0xFFFFFE30] =	vst v27;
	v53 =	vadd.f32 v32, v29;
	v29 =	vshll.u32 v50, $0x6  }
0x1e7: {  	v35 =	vld.idx.msk [tilespmem:v49+s20+$0x0], $0xffff;
	v56 =	vor.u32 v1, v29  }
0x1e8: {  	v27 =	vshll.u32 v55, $0x6;
	v54 =	vld.idx.msk [tilespmem:v48+s19+$0x0], $0xffff;
	v26 =	vadd.f32 v26, v53  }
0x1e9: {  	v59 =	vor.u32 v1, v27  }
0x1ea: {  	v58 =	vld.idx.msk [tilespmem:v51+s21+$0x0], $0xffff;
	[tilespmem:s0+$0x230] =	vst v26  }
0x1eb: {  	v61 =	vld.idx.msk [tilespmem:v57+s20+$0x0], $0xffff  }
0x1ec: {  	v26 =	vld.idx.msk [tilespmem:v56+s19+$0x0], $0xffff  }
0x1ed: {  	v60 =	vor.u32 v3, v31;
	v32 =	vadd.f32 v35, v54  }
0x1ee: {  	v62 =	vor.u32 v3, v28;
	v63 =	vld.idx.msk [tilespmem:v59+s21+$0x0], $0xffff  }
0x1ef: {  	v32 =	vadd.f32 v58, v32  }
0x1f0: {  	v40 =	vor.u32 v3, v30  }
0x1f1: {  	v41 =	vor.u32 v3, v29;
	[tilespmem:s0+$0xFFFFFE40] =	vst v32;
	v26 =	vadd.f32 v61, v26  }
0x1f2: {  	v43 =	vor.u32 v3, v37;
	v32 =	vld.idx.msk [tilespmem:v60+s19+$0x0], $0xffff  }
0x1f3: {  	v42 =	vld.idx.msk [tilespmem:v62+s20+$0x0], $0xffff;
	v26 =	vadd.f32 v63, v26  }
0x1f4: {  	v45 =	vor.u32 v3, v27  }
0x1f5: {  	v44 =	vld.idx.msk [tilespmem:v40+s21+$0x0], $0xffff;
	[tilespmem:s0+$0x240] =	vst v26  }
0x1f6: {  	v26 =	vld.idx.msk [tilespmem:v41+s19+$0x0], $0xffff  }
0x1f7: {  	v47 =	vld.idx.msk [tilespmem:v43+s20+$0x0], $0xffff  }
0x1f8: {  	v46 =	vor.u32 v4, v31;
	v32 =	vadd.f32 v42, v32  }
0x1f9: {  	v48 =	vor.u32 v4, v28;
	v49 =	vld.idx.msk [tilespmem:v45+s21+$0x0], $0xffff  }
0x1fa: {  	v32 =	vadd.f32 v44, v32  }
0x1fb: {  	v50 =	vor.u32 v4, v30  }
0x1fc: {  	v51 =	vor.u32 v4, v29;
	[tilespmem:s0+$0xFFFFFE50] =	vst v32;
	v26 =	vadd.f32 v47, v26  }
0x1fd: {  	v53 =	vor.u32 v4, v37;
	v32 =	vld.idx.msk [tilespmem:v46+s19+$0x0], $0xffff  }
0x1fe: {  	v52 =	vld.idx.msk [tilespmem:v48+s20+$0x0], $0xffff;
	v26 =	vadd.f32 v49, v26  }
0x1ff: {  	v55 =	vor.u32 v4, v27  }
0x200: {  	v54 =	vld.idx.msk [tilespmem:v50+s21+$0x0], $0xffff;
	[tilespmem:s0+$0x250] =	vst v26  }
0x201: {  	v26 =	vld.idx.msk [tilespmem:v51+s19+$0x0], $0xffff  }
0x202: {  	v56 =	vld.idx.msk [tilespmem:v53+s20+$0x0], $0xffff  }
0x203: {  	v31 =	vor.u32 v5, v31;
	v32 =	vadd.f32 v52, v32  }
0x204: {  	v28 =	vor.u32 v5, v28;
	v57 =	vld.idx.msk [tilespmem:v55+s21+$0x0], $0xffff  }
0x205: {  	v32 =	vadd.f32 v54, v32  }
0x206: {  	v30 =	vor.u32 v5, v30  }
0x207: {  	v29 =	vor.u32 v5, v29;
	[tilespmem:s0+$0xFFFFFE60] =	vst v32;
	v26 =	vadd.f32 v56, v26  }
0x208: {  	v58 =	vor.u32 v5, v37;
	v31 =	vld.idx.msk [tilespmem:v31+s19+$0x0], $0xffff  }
0x209: {  	v28 =	vld.idx.msk [tilespmem:v28+s20+$0x0], $0xffff;
	v26 =	vadd.f32 v57, v26  }
0x20a: {  	v60 =	vor.u32 v5, v27  }
0x20b: {  	v61 =	vperm.xlane v20, v14;
	v30 =	vld.idx.msk [tilespmem:v30+s21+$0x0], $0xffff;
	[tilespmem:s0+$0x260] =	vst v26  }
0x20c: {  	v59 =	vperm.xlane v22, v14;
	v29 =	vld.idx.msk [tilespmem:v29+s19+$0x0], $0xffff  }
0x20d: {  	v62 =	vperm.xlane v21, v14;
	v27 =	vshll.u32 v61, $0x6;
	v32 =	vld.idx.msk [tilespmem:v58+s20+$0x0], $0xffff  }
0x20e: {  	v40 =	vor.u32 v1, v27;
	v28 =	vadd.f32 v28, v31;
	v31 =	vshll.u32 v59, $0x6  }
0x20f: {  	v43 =	vperm.xlane v24, v14;
	v63 =	vor.u32 v1, v31;
	v26 =	vld.idx.msk [tilespmem:v60+s21+$0x0], $0xffff  }
0x210: {  	v41 =	vperm.xlane v25, v14;
	v28 =	vadd.f32 v30, v28;
	v30 =	vshll.u32 v62, $0x6  }
0x211: {  	v37 =	vshll.u32 v43, $0x6;
	v46 =	vperm.xlane v23, v14;
	v42 =	vor.u32 v1, v30  }
0x212: {  	v48 =	vor.u32 v1, v37;
	[tilespmem:s0+$0xFFFFFE70] =	vst v28;
	v44 =	vadd.f32 v32, v29;
	v29 =	vshll.u32 v41, $0x6  }
0x213: {  	v35 =	vld.idx.msk [tilespmem:v40+s20+$0x0], $0xffff;
	v47 =	vor.u32 v1, v29  }
0x214: {  	v28 =	vshll.u32 v46, $0x6;
	v45 =	vld.idx.msk [tilespmem:v63+s19+$0x0], $0xffff;
	v26 =	vadd.f32 v26, v44  }
0x215: {  	v50 =	vor.u32 v1, v28  }
0x216: {  	v49 =	vld.idx.msk [tilespmem:v42+s21+$0x0], $0xffff;
	[tilespmem:s0+$0x270] =	vst v26  }
0x217: {  	v52 =	vld.idx.msk [tilespmem:v48+s20+$0x0], $0xffff  }
0x218: {  	v26 =	vld.idx.msk [tilespmem:v47+s19+$0x0], $0xffff  }
0x219: {  	v51 =	vor.u32 v3, v31;
	v32 =	vadd.f32 v35, v45  }
0x21a: {  	v53 =	vor.u32 v3, v27;
	v54 =	vld.idx.msk [tilespmem:v50+s21+$0x0], $0xffff  }
0x21b: {  	v32 =	vadd.f32 v49, v32  }
0x21c: {  	v55 =	vor.u32 v3, v30  }
0x21d: {  	v56 =	vor.u32 v3, v29;
	[tilespmem:s0+$0xFFFFFE80] =	vst v32;
	v26 =	vadd.f32 v52, v26  }
0x21e: {  	v58 =	vor.u32 v3, v37;
	v32 =	vld.idx.msk [tilespmem:v51+s19+$0x0], $0xffff  }
0x21f: {  	v57 =	vld.idx.msk [tilespmem:v53+s20+$0x0], $0xffff;
	v26 =	vadd.f32 v54, v26  }
0x220: {  	v60 =	vor.u32 v3, v28  }
0x221: {  	v59 =	vld.idx.msk [tilespmem:v55+s21+$0x0], $0xffff;
	[tilespmem:s0+$0x280] =	vst v26  }
0x222: {  	v26 =	vld.idx.msk [tilespmem:v56+s19+$0x0], $0xffff  }
0x223: {  	v62 =	vld.idx.msk [tilespmem:v58+s20+$0x0], $0xffff  }
0x224: {  	v61 =	vor.u32 v4, v31;
	v32 =	vadd.f32 v57, v32  }
0x225: {  	v63 =	vor.u32 v4, v27;
	v40 =	vld.idx.msk [tilespmem:v60+s21+$0x0], $0xffff  }
0x226: {  	v32 =	vadd.f32 v59, v32  }
0x227: {  	v41 =	vor.u32 v4, v30  }
0x228: {  	v42 =	vor.u32 v4, v29;
	[tilespmem:s0+$0xFFFFFE90] =	vst v32;
	v26 =	vadd.f32 v62, v26  }
0x229: {  	v44 =	vor.u32 v4, v37;
	v32 =	vld.idx.msk [tilespmem:v61+s19+$0x0], $0xffff  }
0x22a: {  	v43 =	vld.idx.msk [tilespmem:v63+s20+$0x0], $0xffff;
	v26 =	vadd.f32 v40, v26  }
0x22b: {  	v46 =	vor.u32 v4, v28  }
0x22c: {  	v45 =	vld.idx.msk [tilespmem:v41+s21+$0x0], $0xffff;
	[tilespmem:s0+$0x290] =	vst v26  }
0x22d: {  	v26 =	vld.idx.msk [tilespmem:v42+s19+$0x0], $0xffff  }
0x22e: {  	v47 =	vld.idx.msk [tilespmem:v44+s20+$0x0], $0xffff  }
0x22f: {  	v31 =	vor.u32 v5, v31;
	v32 =	vadd.f32 v43, v32  }
0x230: {  	v27 =	vor.u32 v5, v27;
	v48 =	vld.idx.msk [tilespmem:v46+s21+$0x0], $0xffff  }
0x231: {  	v32 =	vadd.f32 v45, v32  }
0x232: {  	v30 =	vor.u32 v5, v30  }
0x233: {  	v29 =	vor.u32 v5, v29;
	[tilespmem:s0+$0xFFFFFEA0] =	vst v32;
	v26 =	vadd.f32 v47, v26  }
0x234: {  	v49 =	vor.u32 v5, v37;
	v31 =	vld.idx.msk [tilespmem:v31+s19+$0x0], $0xffff  }
0x235: {  	v27 =	vld.idx.msk [tilespmem:v27+s20+$0x0], $0xffff;
	v26 =	vadd.f32 v48, v26  }
0x236: {  	v51 =	vor.u32 v5, v28  }
0x237: {  	v52 =	vperm.xlane v20, v15;
	v30 =	vld.idx.msk [tilespmem:v30+s21+$0x0], $0xffff;
	[tilespmem:s0+$0x2A0] =	vst v26  }
0x238: {  	v50 =	vperm.xlane v22, v15;
	v29 =	vld.idx.msk [tilespmem:v29+s19+$0x0], $0xffff  }
0x239: {  	v53 =	vperm.xlane v21, v15;
	v28 =	vshll.u32 v52, $0x6;
	v32 =	vld.idx.msk [tilespmem:v49+s20+$0x0], $0xffff  }
0x23a: {  	v55 =	vor.u32 v1, v28;
	v27 =	vadd.f32 v27, v31;
	v31 =	vshll.u32 v50, $0x6  }
0x23b: {  	v58 =	vperm.xlane v24, v15;
	v54 =	vor.u32 v1, v31;
	v26 =	vld.idx.msk [tilespmem:v51+s21+$0x0], $0xffff  }
0x23c: {  	v56 =	vperm.xlane v25, v15;
	v27 =	vadd.f32 v30, v27;
	v30 =	vshll.u32 v53, $0x6  }
0x23d: {  	v37 =	vshll.u32 v58, $0x6;
	v61 =	vperm.xlane v23, v15;
	v57 =	vor.u32 v1, v30  }
0x23e: {  	v63 =	vor.u32 v1, v37;
	[tilespmem:s0+$0xFFFFFEB0] =	vst v27;
	v59 =	vadd.f32 v32, v29;
	v29 =	vshll.u32 v56, $0x6  }
0x23f: {  	v35 =	vld.idx.msk [tilespmem:v55+s20+$0x0], $0xffff;
	v62 =	vor.u32 v1, v29  }
0x240: {  	v40 =	vshll.u32 v61, $0x6;
	v60 =	vld.idx.msk [tilespmem:v54+s19+$0x0], $0xffff;
	v26 =	vadd.f32 v26, v59  }
0x241: {  	v42 =	vor.u32 v1, v40  }
0x242: {  	v41 =	vld.idx.msk [tilespmem:v57+s21+$0x0], $0xffff;
	[tilespmem:s0+$0x2B0] =	vst v26  }
0x243: {  	v44 =	vld.idx.msk [tilespmem:v63+s20+$0x0], $0xffff  }
0x244: {  	v26 =	vld.idx.msk [tilespmem:v62+s19+$0x0], $0xffff  }
0x245: {  	v43 =	vor.u32 v3, v31;
	v32 =	vadd.f32 v35, v60  }
0x246: {  	v45 =	vor.u32 v3, v28;
	v46 =	vld.idx.msk [tilespmem:v42+s21+$0x0], $0xffff  }
0x247: {  	v32 =	vadd.f32 v41, v32  }
0x248: {  	v47 =	vor.u32 v3, v30  }
0x249: {  	v48 =	vor.u32 v3, v29;
	[tilespmem:s0+$0xFFFFFEC0] =	vst v32;
	v26 =	vadd.f32 v44, v26  }
0x24a: {  	v50 =	vor.u32 v3, v37;
	v32 =	vld.idx.msk [tilespmem:v43+s19+$0x0], $0xffff  }
0x24b: {  	v49 =	vld.idx.msk [tilespmem:v45+s20+$0x0], $0xffff;
	v26 =	vadd.f32 v46, v26  }
0x24c: {  	v52 =	vor.u32 v3, v40  }
0x24d: {  	v51 =	vld.idx.msk [tilespmem:v47+s21+$0x0], $0xffff;
	[tilespmem:s0+$0x2C0] =	vst v26  }
0x24e: {  	v26 =	vld.idx.msk [tilespmem:v48+s19+$0x0], $0xffff  }
0x24f: {  	v54 =	vld.idx.msk [tilespmem:v50+s20+$0x0], $0xffff  }
0x250: {  	v53 =	vor.u32 v4, v31;
	v32 =	vadd.f32 v49, v32  }
0x251: {  	v55 =	vor.u32 v4, v28;
	v56 =	vld.idx.msk [tilespmem:v52+s21+$0x0], $0xffff  }
0x252: {  	v32 =	vadd.f32 v51, v32  }
0x253: {  	v57 =	vor.u32 v4, v30  }
0x254: {  	v58 =	vor.u32 v4, v29;
	[tilespmem:s0+$0xFFFFFED0] =	vst v32;
	v26 =	vadd.f32 v54, v26  }
0x255: {  	v60 =	vor.u32 v4, v37;
	v32 =	vld.idx.msk [tilespmem:v53+s19+$0x0], $0xffff  }
0x256: {  	v59 =	vld.idx.msk [tilespmem:v55+s20+$0x0], $0xffff;
	v26 =	vadd.f32 v56, v26  }
0x257: {  	v62 =	vor.u32 v4, v40  }
0x258: {  	v61 =	vld.idx.msk [tilespmem:v57+s21+$0x0], $0xffff;
	[tilespmem:s0+$0x2D0] =	vst v26  }
0x259: {  	v26 =	vld.idx.msk [tilespmem:v58+s19+$0x0], $0xffff  }
0x25a: {  	v63 =	vld.idx.msk [tilespmem:v60+s20+$0x0], $0xffff  }
0x25b: {  	v31 =	vor.u32 v5, v31;
	v32 =	vadd.f32 v59, v32  }
0x25c: {  	v28 =	vor.u32 v5, v28;
	v36 =	vld.idx.msk [tilespmem:v62+s21+$0x0], $0xffff  }
0x25d: {  	v32 =	vadd.f32 v61, v32  }
0x25e: {  	v30 =	vor.u32 v5, v30  }
0x25f: {  	v29 =	vor.u32 v5, v29;
	[tilespmem:s0+$0xFFFFFEE0] =	vst v32;
	v26 =	vadd.f32 v63, v26  }
0x260: {  	v38 =	vor.u32 v5, v37;
	v31 =	vld.idx.msk [tilespmem:v31+s19+$0x0], $0xffff  }
0x261: {  	v28 =	vld.idx.msk [tilespmem:v28+s20+$0x0], $0xffff;
	v26 =	vadd.f32 v36, v26  }
0x262: {  	v40 =	vor.u32 v5, v40  }
0x263: {  	v41 =	vperm.xlane v20, v16;
	v30 =	vld.idx.msk [tilespmem:v30+s21+$0x0], $0xffff;
	[tilespmem:s0+$0x2E0] =	vst v26  }
0x264: {  	v39 =	vperm.xlane v22, v16;
	v29 =	vld.idx.msk [tilespmem:v29+s19+$0x0], $0xffff  }
0x265: {  	v42 =	vperm.xlane v21, v16;
	v27 =	vshll.u32 v41, $0x6;
	v32 =	vld.idx.msk [tilespmem:v38+s20+$0x0], $0xffff  }
0x266: {  	v44 =	vor.u32 v1, v27;
	v28 =	vadd.f32 v28, v31;
	v31 =	vshll.u32 v39, $0x6  }
0x267: {  	v47 =	vperm.xlane v24, v16;
	v43 =	vor.u32 v1, v31;
	v26 =	vld.idx.msk [tilespmem:v40+s21+$0x0], $0xffff  }
0x268: {  	v45 =	vperm.xlane v25, v16;
	v28 =	vadd.f32 v30, v28;
	v30 =	vshll.u32 v42, $0x6  }
0x269: {  	v37 =	vshll.u32 v47, $0x6;
	v50 =	vperm.xlane v23, v16;
	v46 =	vor.u32 v1, v30  }
0x26a: {  	v52 =	vor.u32 v1, v37;
	[tilespmem:s0+$0xFFFFFEF0] =	vst v28;
	v48 =	vadd.f32 v32, v29;
	v29 =	vshll.u32 v45, $0x6  }
0x26b: {  	v35 =	vld.idx.msk [tilespmem:v44+s20+$0x0], $0xffff;
	v51 =	vor.u32 v1, v29  }
0x26c: {  	v28 =	vshll.u32 v50, $0x6;
	v49 =	vld.idx.msk [tilespmem:v43+s19+$0x0], $0xffff;
	v26 =	vadd.f32 v26, v48  }
0x26d: {  	v54 =	vor.u32 v1, v28  }
0x26e: {  	v53 =	vld.idx.msk [tilespmem:v46+s21+$0x0], $0xffff;
	[tilespmem:s0+$0x2F0] =	vst v26  }
0x26f: {  	v56 =	vld.idx.msk [tilespmem:v52+s20+$0x0], $0xffff  }
0x270: {  	v26 =	vld.idx.msk [tilespmem:v51+s19+$0x0], $0xffff  }
0x271: {  	v55 =	vor.u32 v3, v31;
	v32 =	vadd.f32 v35, v49  }
0x272: {  	v57 =	vor.u32 v3, v27;
	v58 =	vld.idx.msk [tilespmem:v54+s21+$0x0], $0xffff  }
0x273: {  	v32 =	vadd.f32 v53, v32  }
0x274: {  	v59 =	vor.u32 v3, v30  }
0x275: {  	v60 =	vor.u32 v3, v29;
	[tilespmem:s0+$0xFFFFFF00] =	vst v32;
	v26 =	vadd.f32 v56, v26  }
0x276: {  	v62 =	vor.u32 v3, v37;
	v32 =	vld.idx.msk [tilespmem:v55+s19+$0x0], $0xffff  }
0x277: {  	v61 =	vld.idx.msk [tilespmem:v57+s20+$0x0], $0xffff;
	v26 =	vadd.f32 v58, v26  }
0x278: {  	v40 =	vor.u32 v3, v28  }
0x279: {  	v63 =	vld.idx.msk [tilespmem:v59+s21+$0x0], $0xffff;
	[tilespmem:s0+$0x300] =	vst v26  }
0x27a: {  	v26 =	vld.idx.msk [tilespmem:v60+s19+$0x0], $0xffff  }
0x27b: {  	v42 =	vld.idx.msk [tilespmem:v62+s20+$0x0], $0xffff  }
0x27c: {  	v41 =	vor.u32 v4, v31;
	v32 =	vadd.f32 v61, v32  }
0x27d: {  	v43 =	vor.u32 v4, v27;
	v44 =	vld.idx.msk [tilespmem:v40+s21+$0x0], $0xffff  }
0x27e: {  	v32 =	vadd.f32 v63, v32  }
0x27f: {  	v45 =	vor.u32 v4, v30  }
0x280: {  	v46 =	vor.u32 v4, v29;
	[tilespmem:s0+$0xFFFFFF10] =	vst v32;
	v26 =	vadd.f32 v42, v26  }
0x281: {  	v48 =	vor.u32 v4, v37;
	v32 =	vld.idx.msk [tilespmem:v41+s19+$0x0], $0xffff  }
0x282: {  	v47 =	vld.idx.msk [tilespmem:v43+s20+$0x0], $0xffff;
	v26 =	vadd.f32 v44, v26  }
0x283: {  	v50 =	vor.u32 v4, v28  }
0x284: {  	v49 =	vld.idx.msk [tilespmem:v45+s21+$0x0], $0xffff;
	[tilespmem:s0+$0x310] =	vst v26  }
0x285: {  	v26 =	vld.idx.msk [tilespmem:v46+s19+$0x0], $0xffff  }
0x286: {  	v51 =	vld.idx.msk [tilespmem:v48+s20+$0x0], $0xffff  }
0x287: {  	v31 =	vor.u32 v5, v31;
	v32 =	vadd.f32 v47, v32  }
0x288: {  	v27 =	vor.u32 v5, v27;
	v52 =	vld.idx.msk [tilespmem:v50+s21+$0x0], $0xffff  }
0x289: {  	v32 =	vadd.f32 v49, v32  }
0x28a: {  	v30 =	vor.u32 v5, v30  }
0x28b: {  	v29 =	vor.u32 v5, v29;
	[tilespmem:s0+$0xFFFFFF20] =	vst v32;
	v26 =	vadd.f32 v51, v26  }
0x28c: {  	v53 =	vor.u32 v5, v37;
	v31 =	vld.idx.msk [tilespmem:v31+s19+$0x0], $0xffff  }
0x28d: {  	v27 =	vld.idx.msk [tilespmem:v27+s20+$0x0], $0xffff;
	v26 =	vadd.f32 v52, v26  }
0x28e: {  	v55 =	vor.u32 v5, v28  }
0x28f: {  	v56 =	vperm.xlane v20, v17;
	v30 =	vld.idx.msk [tilespmem:v30+s21+$0x0], $0xffff;
	[tilespmem:s0+$0x320] =	vst v26  }
0x290: {  	v54 =	vperm.xlane v22, v17;
	v29 =	vld.idx.msk [tilespmem:v29+s19+$0x0], $0xffff  }
0x291: {  	v57 =	vperm.xlane v21, v17;
	v28 =	vshll.u32 v56, $0x6;
	v32 =	vld.idx.msk [tilespmem:v53+s20+$0x0], $0xffff  }
0x292: {  	v59 =	vor.u32 v1, v28;
	v27 =	vadd.f32 v27, v31;
	v31 =	vshll.u32 v54, $0x6  }
0x293: {  	v62 =	vperm.xlane v24, v17;
	v58 =	vor.u32 v1, v31;
	v26 =	vld.idx.msk [tilespmem:v55+s21+$0x0], $0xffff  }
0x294: {  	v60 =	vperm.xlane v25, v17;
	v27 =	vadd.f32 v30, v27;
	v30 =	vshll.u32 v57, $0x6  }
0x295: {  	v37 =	vshll.u32 v62, $0x6;
	v41 =	vperm.xlane v23, v17;
	v61 =	vor.u32 v1, v30  }
0x296: {  	v43 =	vor.u32 v1, v37;
	[tilespmem:s0+$0xFFFFFF30] =	vst v27;
	v63 =	vadd.f32 v32, v29;
	v29 =	vshll.u32 v60, $0x6  }
0x297: {  	v35 =	vld.idx.msk [tilespmem:v59+s20+$0x0], $0xffff;
	v42 =	vor.u32 v1, v29  }
0x298: {  	v27 =	vshll.u32 v41, $0x6;
	v40 =	vld.idx.msk [tilespmem:v58+s19+$0x0], $0xffff;
	v26 =	vadd.f32 v26, v63  }
0x299: {  	v45 =	vor.u32 v1, v27  }
0x29a: {  	v44 =	vld.idx.msk [tilespmem:v61+s21+$0x0], $0xffff;
	[tilespmem:s0+$0x330] =	vst v26  }
0x29b: {  	v47 =	vld.idx.msk [tilespmem:v43+s20+$0x0], $0xffff  }
0x29c: {  	v26 =	vld.idx.msk [tilespmem:v42+s19+$0x0], $0xffff  }
0x29d: {  	v46 =	vor.u32 v3, v31;
	v32 =	vadd.f32 v35, v40  }
0x29e: {  	v48 =	vor.u32 v3, v28;
	v49 =	vld.idx.msk [tilespmem:v45+s21+$0x0], $0xffff  }
0x29f: {  	v32 =	vadd.f32 v44, v32  }
0x2a0: {  	v50 =	vor.u32 v3, v30  }
0x2a1: {  	v51 =	vor.u32 v3, v29;
	[tilespmem:s0+$0xFFFFFF40] =	vst v32;
	v26 =	vadd.f32 v47, v26  }
0x2a2: {  	v53 =	vor.u32 v3, v37;
	v32 =	vld.idx.msk [tilespmem:v46+s19+$0x0], $0xffff  }
0x2a3: {  	v52 =	vld.idx.msk [tilespmem:v48+s20+$0x0], $0xffff;
	v26 =	vadd.f32 v49, v26  }
0x2a4: {  	v55 =	vor.u32 v3, v27  }
0x2a5: {  	v54 =	vld.idx.msk [tilespmem:v50+s21+$0x0], $0xffff;
	[tilespmem:s0+$0x340] =	vst v26  }
0x2a6: {  	v26 =	vld.idx.msk [tilespmem:v51+s19+$0x0], $0xffff  }
0x2a7: {  	v57 =	vld.idx.msk [tilespmem:v53+s20+$0x0], $0xffff  }
0x2a8: {  	v56 =	vor.u32 v4, v31;
	v32 =	vadd.f32 v52, v32  }
0x2a9: {  	v58 =	vor.u32 v4, v28;
	v59 =	vld.idx.msk [tilespmem:v55+s21+$0x0], $0xffff  }
0x2aa: {  	v32 =	vadd.f32 v54, v32  }
0x2ab: {  	v60 =	vor.u32 v4, v30  }
0x2ac: {  	v61 =	vor.u32 v4, v29;
	[tilespmem:s0+$0xFFFFFF50] =	vst v32;
	v26 =	vadd.f32 v57, v26  }
0x2ad: {  	v63 =	vor.u32 v4, v37;
	v32 =	vld.idx.msk [tilespmem:v56+s19+$0x0], $0xffff  }
0x2ae: {  	v62 =	vld.idx.msk [tilespmem:v58+s20+$0x0], $0xffff;
	v26 =	vadd.f32 v59, v26  }
0x2af: {  	v41 =	vor.u32 v4, v27  }
0x2b0: {  	v40 =	vld.idx.msk [tilespmem:v60+s21+$0x0], $0xffff;
	[tilespmem:s0+$0x350] =	vst v26  }
0x2b1: {  	v26 =	vld.idx.msk [tilespmem:v61+s19+$0x0], $0xffff  }
0x2b2: {  	v42 =	vld.idx.msk [tilespmem:v63+s20+$0x0], $0xffff  }
0x2b3: {  	v31 =	vor.u32 v5, v31;
	v32 =	vadd.f32 v62, v32  }
0x2b4: {  	v28 =	vor.u32 v5, v28;
	v43 =	vld.idx.msk [tilespmem:v41+s21+$0x0], $0xffff  }
0x2b5: {  	v32 =	vadd.f32 v40, v32  }
0x2b6: {  	v30 =	vor.u32 v5, v30  }
0x2b7: {  	v29 =	vor.u32 v5, v29;
	[tilespmem:s0+$0xFFFFFF60] =	vst v32;
	v26 =	vadd.f32 v42, v26  }
0x2b8: {  	v44 =	vor.u32 v5, v37;
	v31 =	vld.idx.msk [tilespmem:v31+s19+$0x0], $0xffff  }
0x2b9: {  	v28 =	vld.idx.msk [tilespmem:v28+s20+$0x0], $0xffff;
	v26 =	vadd.f32 v43, v26  }
0x2ba: {  	v46 =	vor.u32 v5, v27  }
0x2bb: {  	v47 =	vperm.xlane v20, v18;
	v30 =	vld.idx.msk [tilespmem:v30+s21+$0x0], $0xffff;
	[tilespmem:s0+$0x360] =	vst v26  }
0x2bc: {  	v29 =	vld.idx.msk [tilespmem:v29+s19+$0x0], $0xffff  }
0x2bd: {  	v45 =	vperm.xlane v22, v18;
	v27 =	vshll.u32 v47, $0x6;
	v32 =	vld.idx.msk [tilespmem:v44+s20+$0x0], $0xffff  }
0x2be: {  	v48 =	vperm.xlane v21, v18;
	v50 =	vor.u32 v1, v27;
	v28 =	vadd.f32 v28, v31  }
0x2bf: {  	v51 =	vperm.xlane v25, v18;
	v53 =	vperm.xlane v24, v18;
	v31 =	vshll.u32 v45, $0x6;
	v26 =	vld.idx.msk [tilespmem:v46+s21+$0x0], $0xffff  }
0x2c0: {  	v49 =	vor.u32 v1, v31;
	v28 =	vadd.f32 v30, v28;
	v30 =	vshll.u32 v48, $0x6  }
0x2c1: {  	v37 =	vshll.u32 v53, $0x6;
	v56 =	vperm.xlane v23, v18;
	v52 =	vor.u32 v1, v30  }
0x2c2: {  	v58 =	vor.u32 v1, v37;
	v54 =	vadd.f32 v32, v29;
	v29 =	vshll.u32 v51, $0x6  }
0x2c3: {  	[tilespmem:s0+$0xFFFFFF70] =	vst v28;
	v57 =	vor.u32 v1, v29  }
0x2c4: {  	v28 =	vshll.u32 v56, $0x6;
	v35 =	vld.idx.msk [tilespmem:v50+s20+$0x0], $0xffff;
	v26 =	vadd.f32 v26, v54  }
0x2c5: {  	v60 =	vor.u32 v1, v28;
	v55 =	vld.idx.msk [tilespmem:v49+s19+$0x0], $0xffff  }
0x2c6: {  	v59 =	vld.idx.msk [tilespmem:v52+s21+$0x0], $0xffff;
	[tilespmem:s0+$0x370] =	vst v26  }
0x2c7: {  	v62 =	vld.idx.msk [tilespmem:v58+s20+$0x0], $0xffff  }
0x2c8: {  	v26 =	vld.idx.msk [tilespmem:v57+s19+$0x0], $0xffff;
	_ =	sdelay $0x1  }
0x2c9: {  	v61 =	vor.u32 v3, v31;
	v32 =	vadd.f32 v35, v55;
	v40 =	vld.idx.msk [tilespmem:v60+s21+$0x0], $0xffff  }
0x2ca: {  	v63 =	vor.u32 v3, v27  }
0x2cb: {  	v41 =	vor.u32 v3, v30;
	v32 =	vadd.f32 v59, v32  }
0x2cc: {  	v42 =	vor.u32 v3, v29;
	v26 =	vadd.f32 v62, v26  }
0x2cd: {  	v44 =	vor.u32 v3, v37;
	[tilespmem:s0+$0xFFFFFF80] =	vst v32  }
0x2ce: {  	v32 =	vld.idx.msk [tilespmem:v61+s19+$0x0], $0xffff;
	v26 =	vadd.f32 v40, v26  }
0x2cf: {  	v46 =	vor.u32 v3, v28;
	v43 =	vld.idx.msk [tilespmem:v63+s20+$0x0], $0xffff  }
0x2d0: {  	v45 =	vld.idx.msk [tilespmem:v41+s21+$0x0], $0xffff;
	[tilespmem:s0+$0x380] =	vst v26  }
0x2d1: {  	v26 =	vld.idx.msk [tilespmem:v42+s19+$0x0], $0xffff  }
0x2d2: {  	v48 =	vld.idx.msk [tilespmem:v44+s20+$0x0], $0xffff;
	_ =	sdelay $0x1  }
0x2d3: {  	v47 =	vor.u32 v4, v31;
	v32 =	vadd.f32 v43, v32;
	v50 =	vld.idx.msk [tilespmem:v46+s21+$0x0], $0xffff  }
0x2d4: {  	v49 =	vor.u32 v4, v27  }
0x2d5: {  	v51 =	vor.u32 v4, v30;
	v32 =	vadd.f32 v45, v32  }
0x2d6: {  	v52 =	vor.u32 v4, v29;
	v26 =	vadd.f32 v48, v26  }
0x2d7: {  	v54 =	vor.u32 v4, v37;
	[tilespmem:s0+$0xFFFFFF90] =	vst v32  }
0x2d8: {  	v32 =	vld.idx.msk [tilespmem:v47+s19+$0x0], $0xffff;
	v26 =	vadd.f32 v50, v26  }
0x2d9: {  	v56 =	vor.u32 v4, v28;
	v53 =	vld.idx.msk [tilespmem:v49+s20+$0x0], $0xffff  }
0x2da: {  	v55 =	vld.idx.msk [tilespmem:v51+s21+$0x0], $0xffff;
	[tilespmem:s0+$0x390] =	vst v26  }
0x2db: {  	v26 =	vld.idx.msk [tilespmem:v52+s19+$0x0], $0xffff  }
0x2dc: {  	v57 =	vld.idx.msk [tilespmem:v54+s20+$0x0], $0xffff;
	_ =	sdelay $0x1  }
0x2dd: {  	v31 =	vor.u32 v5, v31;
	v32 =	vadd.f32 v53, v32;
	v58 =	vld.idx.msk [tilespmem:v56+s21+$0x0], $0xffff  }
0x2de: {  	v27 =	vor.u32 v5, v27  }
0x2df: {  	v30 =	vor.u32 v5, v30;
	v32 =	vadd.f32 v55, v32  }
0x2e0: {  	v29 =	vor.u32 v5, v29;
	v26 =	vadd.f32 v57, v26  }
0x2e1: {  	v59 =	vor.u32 v5, v37;
	[tilespmem:s0+$0xFFFFFFA0] =	vst v32  }
0x2e2: {  	v31 =	vld.idx.msk [tilespmem:v31+s19+$0x0], $0xffff;
	v26 =	vadd.f32 v58, v26  }
0x2e3: {  	v60 =	vor.u32 v5, v28;
	v27 =	vld.idx.msk [tilespmem:v27+s20+$0x0], $0xffff  }
0x2e4: {  	v22 =	vperm.xlane v22, v19;
	v30 =	vld.idx.msk [tilespmem:v30+s21+$0x0], $0xffff;
	[tilespmem:s0+$0x3A0] =	vst v26  }
0x2e5: {  	v20 =	vperm.xlane v20, v19;
	v61 =	vld.idx.msk [tilespmem:v29+s19+$0x0], $0xffff  }
0x2e6: {  	v22 =	vshll.u32 v22, $0x6;
	v62 =	vld.idx.msk [tilespmem:v59+s20+$0x0], $0xffff  }
0x2e7: {  	v21 =	vperm.xlane v21, v19;
	v20 =	vshll.u32 v20, $0x6;
	v25 =	vperm.xlane v25, v19  }
0x2e8: {  	v24 =	vperm.xlane v24, v19;
	v63 =	vor.u32 v1, v22;
	v27 =	vadd.f32 v27, v31;
	v26 =	vld.idx.msk [tilespmem:v60+s21+$0x0], $0xffff  }
0x2e9: {  	v21 =	vshll.u32 v21, $0x6;
	v36 =	vor.u32 v1, v20;
	v25 =	vshll.u32 v25, $0x6  }
0x2ea: {  	v24 =	vshll.u32 v24, $0x6;
	v37 =	vor.u32 v1, v21;
	v27 =	vadd.f32 v30, v27  }
0x2eb: {  	v38 =	vor.u32 v1, v25;
	v23 =	vperm.xlane v23, v19;
	v28 =	vadd.f32 v62, v61  }
0x2ec: {  	v39 =	vor.u32 v1, v24;
	[tilespmem:s0+$0xFFFFFFB0] =	vst v27  }
0x2ed: {  	v23 =	vshll.u32 v23, $0x6;
	v30 =	vld.idx.msk [tilespmem:v63+s19+$0x0], $0xffff;
	v26 =	vadd.f32 v26, v28  }
0x2ee: {  	v41 =	vor.u32 v1, v23;
	v40 =	vld.idx.msk [tilespmem:v36+s20+$0x0], $0xffff  }
0x2ef: {  	v32 =	vld.idx.msk [tilespmem:v37+s21+$0x0], $0xffff;
	[tilespmem:s0+$0x3B0] =	vst v26  }
0x2f0: {  	v26 =	vld.idx.msk [tilespmem:v38+s19+$0x0], $0xffff  }
0x2f1: {  	v27 =	vld.idx.msk [tilespmem:v39+s20+$0x0], $0xffff;
	_ =	sdelay $0x1  }
0x2f2: {  	v42 =	vor.u32 v3, v22;
	v28 =	vadd.f32 v40, v30;
	v43 =	vld.idx.msk [tilespmem:v41+s21+$0x0], $0xffff  }
0x2f3: {  	v44 =	vor.u32 v3, v20  }
0x2f4: {  	v45 =	vor.u32 v3, v21;
	v28 =	vadd.f32 v32, v28  }
0x2f5: {  	v46 =	vor.u32 v3, v25;
	v26 =	vadd.f32 v27, v26  }
0x2f6: {  	v47 =	vor.u32 v3, v24;
	[tilespmem:s0+$0xFFFFFFC0] =	vst v28  }
0x2f7: {  	v29 =	vld.idx.msk [tilespmem:v42+s19+$0x0], $0xffff;
	v26 =	vadd.f32 v43, v26  }
0x2f8: {  	v49 =	vor.u32 v3, v23;
	v48 =	vld.idx.msk [tilespmem:v44+s20+$0x0], $0xffff  }
0x2f9: {  	v32 =	vld.idx.msk [tilespmem:v45+s21+$0x0], $0xffff;
	[tilespmem:s0+$0x3C0] =	vst v26  }
0x2fa: {  	v26 =	vld.idx.msk [tilespmem:v46+s19+$0x0], $0xffff  }
0x2fb: {  	v50 =	vld.idx.msk [tilespmem:v47+s20+$0x0], $0xffff;
	_ =	sdelay $0x1  }
0x2fc: {  	v52 =	vor.u32 v4, v22;
	v51 =	vadd.f32 v48, v29;
	v53 =	vld.idx.msk [tilespmem:v49+s21+$0x0], $0xffff  }
0x2fd: {  	v54 =	vor.u32 v4, v20  }
0x2fe: {  	v55 =	vor.u32 v4, v21;
	v28 =	vadd.f32 v32, v51  }
0x2ff: {  	v56 =	vor.u32 v4, v25;
	v26 =	vadd.f32 v50, v26  }
0x300: {  	v57 =	vor.u32 v4, v24;
	[tilespmem:s0+$0xFFFFFFD0] =	vst v28  }
0x301: {  	v29 =	vld.idx.msk [tilespmem:v52+s19+$0x0], $0xffff;
	v26 =	vadd.f32 v53, v26  }
0x302: {  	v59 =	vor.u32 v4, v23;
	v58 =	vld.idx.msk [tilespmem:v54+s20+$0x0], $0xffff  }
0x303: {  	v60 =	vld.idx.msk [tilespmem:v55+s21+$0x0], $0xffff;
	[tilespmem:s0+$0x3D0] =	vst v26  }
0x304: {  	v27 =	vld.idx.msk [tilespmem:v56+s19+$0x0], $0xffff  }
0x305: {  	v28 =	vld.idx.msk [tilespmem:v57+s20+$0x0], $0xffff;
	_ =	sdelay $0x1  }
0x306: {  	v31 =	vld.idx.msk [tilespmem:v59+s21+$0x0], $0xffff  }
0x307: {  	v22 =	vor.u32 v5, v22;
	v29 =	vadd.f32 v58, v29  }
0x308: {  	v20 =	vor.u32 v5, v20  }
0x309: {  	v25 =	vor.u32 v5, v25;
	v26 =	vadd.f32 v60, v29;
	v27 =	vadd.f32 v28, v27  }
0x30a: {  	v24 =	vor.u32 v5, v24  }
0x30b: {  	v21 =	vor.u32 v5, v21;
	[tilespmem:s0+$0xFFFFFFE0] =	vst v26;
	v61 =	vadd.f32 v31, v27  }
0x30c: {  	v23 =	vor.u32 v5, v23;
	v22 =	vld.idx.msk [tilespmem:v22+s19+$0x0], $0xffff  }
0x30d: {  	v20 =	vld.idx.msk [tilespmem:v20+s20+$0x0], $0xffff;
	[tilespmem:s0+$0x3E0] =	vst v61  }
0x30e: {  	v25 =	vld.idx.msk [tilespmem:v25+s19+$0x0], $0xffff  }
0x30f: {  	v24 =	vld.idx.msk [tilespmem:v24+s20+$0x0], $0xffff  }
0x310: {  	v21 =	vld.idx.msk [tilespmem:v21+s21+$0x0], $0xffff  }
0x311: {  	v23 =	vld.idx.msk [tilespmem:v23+s21+$0x0], $0xffff  }
0x312: {  	s15 =	sadd.s32 $0x2, s15  }
0x313: {  	p0 =	slt.u32 s15, $0x6;
	v20 =	vadd.f32 v20, v22  }
.Ltmp0:
0x314: {  	v62 =	vadd.f32 v24, v25;
	(pc) =	sbr.rel @p0 .LBB2_3-.Ltmp0, $4  }
0x315: {  	v20 =	vadd.f32 v21, v20  }
0x316: {  	v63 =	vadd.f32 v23, v62  }
0x317: {  	s28 =	sadd.s32 $0x20, s28;
	s29 =	sadd.s32 $0x20, s29;
	[tilespmem:s0+$0xFFFFFFF0] =	vst v20  }
0x318: {  	s30 =	sadd.s32 $0x20, s30;
	s31 =	sadd.s32 $0x20, s31;
	[tilespmem:s0+$0x3F0] =	vst v63;
	s0 =	sadd.s32 $0x800, s0  }
0x319: {  	s0 =	sshll.u32 s1, $0xD;
	s15 =	sshll.u32 s1, $0x7;
	s1 =	sadd.s32 $0x1, s1  }
0x31a: {  	p0 =	sne.s32 s1, $0x8  }
.Ltmp1:
0x31b: {  	_ = 	snop;
	(pc) =	sbr.rel @p0 .LBB2_2-.Ltmp1, $4  }
0x31c: {  	s25 =	sadd.s32 $0x80, s25;
	s24 =	sadd.s32 $0x80, s24  }
0x31d: {  	s18 =	sadd.s32 $0x80, s18;
	s17 =	sadd.s32 $0x80, s17;
	s0 =	sand.u32 $0x3FFFE000, s0  }
0x31e: {  	s16 =	sadd.s32 $0x2000, s16;
	s15 =	sand.u32 $0x3FFFFF80, s15;
	s0 =	sadd.s32 $0x9400, s0  }
0x31f: {  	[tilespmem:s0], [sflag:$0x1] =	stream.indirect.gather.add.f32 [hbm:s3], $0x40, s15, s22, $0xb8;
	[tilespmem:$0x19400] =	vst v63  }
0x320: {  	_ =	swait.ge [sflag:s23], $0x10000;
	s26 =	sadd.s32 $0x1, s26  }
0x321: {  	s0 =	simm.s32 $0x40;
	[sflag:s23] =	ssyncset.done $0x0;
	p0 =	sne.s32 s26, s13  }
.Ltmp2:
0x322: {  	s1 =	simm.s32 $0x9400;
	[sflag:s23] =	ssyncadd.s32 $0xFFFF0000;
	(pc) =	sbr.rel @p0 .LBB2_1-.Ltmp2, $4  }
0x323: {  	[hbm4b:s12+s0] =	stream.strided.scatter [tilespmem:s1], [sflag:$0x2], $0x10000, s22, s0, $0x38;
	[tilespmem:$0x19400] =	vst v63  }
0x324: {  	_ =	swait.ge [sflag:s14], $0x10000  }
0x325: {  	[sflag:s14] =	ssyncset.done $0x0  }
0x326: {  	[sflag:s14] =	ssyncadd.s32 $0xFFFF0000  }
0x327: {  	_ =	sfence.sel $0x180000  }
0x328: {  	[bflag:$0x0] =	sbarrier.arrive $0xFFFF  }
0x329: {  	_ =	strace $0x90000047  }
0x32a: {  	s0 =	stileid.u32;
	[bflag:$0x2] =	sbarrier.arrive $0xFFFF  }
0x32b: {  	p0 =	sne.s32 s0, $0x0;
	s0 =	rddreg [dreg:$0x2]  }
0x32c: {  	s0 =	sadd.s32 @!p0 $0x100000, s0  }
0x32d: {  	[sflag:s0] =	ssyncadd.tile.s32 @!p0 $0x1;
	_ =	shalt  }
.Lfunc_end2:
_tile_overlayer_lowered:
.L_overlay_start_2:
0x32e: {  	(tag) =	ssettag $0x2  }
0x32f: {  	s0 =	rddreg [dreg:$0x0];
	s2 =	stileid.u32  }
0x330: {  	s1 =	rddreg [dreg:$0x1];
	p0 =	sne.s32 s2, $0x0  }
0x331: {  	s3 =	rddreg [dreg:$0x2];
	[bflag:$0x3] =	sbarrier.arrive $0xFFFF;
	s2 =	simm.s32 @!p0 $0x1C02  }
0x332: {  	[timem:s3], [sflag:s2] =	dma.local @!p0 [hbm:s0], s1  }
0x333: {  	s0 =	simm.s32 @!p0 $0x2  }
0x334: {  	_ =	swait.ge @!p0 [sflag:s0], s1  }
0x335: {  	s1 =	ssub.s32 @!p0 $0x0, s1;
	[sflag:s0] =	ssyncset.done @!p0 $0x0  }
0x336: {  	[sflag:s0] =	ssyncadd.s32 @!p0 s1  }
0x337: {  	[bflag:$0x3] =	sbarrier.arrive $0xFFFF  }
0x338: {  	_ =	shalt  }

</sc_bundles>
